<compile_context>
chip_gen: v7x
topology: tpu7x:2x2x1
jax: 0.10.2.dev20260603
libtpu: 0.0.44.dev20260713+nightly
codegen_flags: <defaults>
</compile_context>

<pallas_src>
import functools

import jax
import jax.numpy as jnp
from jax import lax
from jax.experimental import pallas as pl
from jax.experimental.pallas import tpu as pltpu
from jax.experimental.pallas import tpu_sc as plsc

_B = 4096
_L = 50
_EMB = 128
_NC = 2
_NS = 16
_NW = _NC * _NS
_CB = _B // _NW
_CH = 64
_NCHUNK = _L * (_CB // _CH)
_NSLOT = 4
_LANES = 16


def _emb_body(words_hbm, prefixes_hbm, suffixes_hbm,
              ww_hbm, wp_hbm, ws_hbm, out_hbm,
              widx, pidx, sidx,
              accw0, accw1, accw2, accw3,
              bufp0, bufp1, bufp2, bufp3,
              bufs0, bufs1, bufs2, bufs3,
              semw0, semw1, semw2, semw3,
              semp0, semp1, semp2, semp3,
              sems0, sems1, sems2, sems3,
              semo0, semo1, semo2, semo3):
    wid = lax.axis_index("s") * _NC + lax.axis_index("c")
    b0 = wid * _CB

    accw = (accw0, accw1, accw2, accw3)
    bufp = (bufp0, bufp1, bufp2, bufp3)
    bufs = (bufs0, bufs1, bufs2, bufs3)
    semw = (semw0, semw1, semw2, semw3)
    semp = (semp0, semp1, semp2, semp3)
    sems = (sems0, sems1, sems2, sems3)
    semo = (semo0, semo1, semo2, semo3)

    pltpu.sync_copy(words_hbm.at[:, pl.ds(b0, _CB)], widx)
    pltpu.sync_copy(prefixes_hbm.at[:, pl.ds(b0, _CB)], pidx)
    pltpu.sync_copy(suffixes_hbm.at[:, pl.ds(b0, _CB)], sidx)

    def idx_slice(idx, c):
        return idx.at[c // 2, pl.ds((c % 2) * _CH, _CH)]

    def out_slice(c):
        return out_hbm.at[c // 2, pl.ds(b0 + (c % 2) * _CH, _CH), :]

    def start_gathers(c, slot):
        pltpu.async_copy(ww_hbm.at[idx_slice(widx, c)], accw[slot],
                         semw[slot])
        pltpu.async_copy(wp_hbm.at[idx_slice(pidx, c)], bufp[slot],
                         semp[slot])
        pltpu.async_copy(ws_hbm.at[idx_slice(sidx, c)], bufs[slot],
                         sems[slot])

    def wait_gathers(c, slot):
        pltpu.make_async_copy(ww_hbm.at[idx_slice(widx, c)], accw[slot],
                              semw[slot]).wait()
        pltpu.make_async_copy(wp_hbm.at[idx_slice(pidx, c)], bufp[slot],
                              semp[slot]).wait()
        pltpu.make_async_copy(ws_hbm.at[idx_slice(sidx, c)], bufs[slot],
                              sems[slot]).wait()

    def start_store(c, slot):
        pltpu.async_copy(accw[slot], out_slice(c), semo[slot])

    def wait_store(c, slot):
        pltpu.make_async_copy(accw[slot], out_slice(c), semo[slot]).wait()

    for c in range(_NSLOT - 1):
        start_gathers(c, c)

    def quad_body(c4, carry):
        for b in range(_NSLOT):
            c = c4 * _NSLOT + b
            nslot = (b + _NSLOT - 1) % _NSLOT
            wait_gathers(c, b)

            @pl.when(c >= 1)
            def _():
                wait_store(c - 1, nslot)

            @pl.when(c + _NSLOT - 1 < _NCHUNK)
            def _():
                start_gathers(c + _NSLOT - 1, nslot)

            acc = accw[b]
            bp = bufp[b]
            bs = bufs[b]

            def row_body(r, rc, acc=acc, bp=bp, bs=bs):
                for j in range(_EMB // _LANES):
                    sl = pl.ds(j * _LANES, _LANES)
                    plsc.addupdate(acc.at[r, sl], bp[r, sl] + bs[r, sl])
                return rc

            lax.fori_loop(0, _CH, row_body, 0, unroll=2)

            start_store(c, b)
        return carry

    lax.fori_loop(0, _NCHUNK // _NSLOT, quad_body, 0, unroll=False)
    wait_store(_NCHUNK - 1, (_NCHUNK - 1) % _NSLOT)


@functools.partial(jax.jit, static_argnums=())
def _emb_call(words_t, prefixes_t, suffixes_t, ww, wp, ws):
    mesh = plsc.VectorSubcoreMesh(core_axis_name="c", subcore_axis_name="s")
    fn = pl.kernel(
        _emb_body,
        out_type=jax.ShapeDtypeStruct((_L, _B, _EMB), jnp.float32),
        mesh=mesh,
        scratch_types=(
            [pltpu.VMEM((_L, _CB), jnp.int32)] * 3
            + [pltpu.VMEM((_CH, _EMB), jnp.float32)] * (3 * _NSLOT)
            + [pltpu.SemaphoreType.DMA] * (4 * _NSLOT)
        ),
    )
    return fn(words_t, prefixes_t, suffixes_t, ww, wp, ws)


def kernel(words, prefixes, suffixes, W_word, W_prefix, W_suffix):
    out_t = _emb_call(words.T, prefixes.T, suffixes.T,
                      W_word, W_prefix, W_suffix)
    return out_t.transpose(1, 0, 2)

# --- scband reference (transcript-rebuilt; emitter-appended) ---
"""Pipeline reference for scband-embeddings-with-prefix-suffix-50079318671862 (READ-ONLY COPY).

The authoritative reference and input builder live on the scoring server;
editing this copy changes nothing except your own understanding.
"""

import jax, jax.numpy as jnp
import numpy as np

VOCAB = 100000
PREFIX = 10000
SUFFIX = 10000
EMB = 128
B = 4096
L = 50

def setup_inputs(seed: int = 0) -> dict:
    key = jax.random.key(seed)
    k1, k2, k3, k4, k5, k6 = jax.random.split(key, 6)
    words = jax.random.randint(k1, (B, L), 0, VOCAB, dtype=jnp.int64 if jax.config.jax_enable_x64 else jnp.int32).astype(jnp.int32)
    prefixes = jax.random.randint(k2, (B, L), 0, PREFIX).astype(jnp.int32)
    suffixes = jax.random.randint(k3, (B, L), 0, SUFFIX).astype(jnp.int32)
    W_word = jax.random.normal(k4, (VOCAB, EMB), dtype=jnp.float32)
    W_prefix = jax.random.normal(k5, (PREFIX, EMB), dtype=jnp.float32)
    W_suffix = jax.random.normal(k6, (SUFFIX, EMB), dtype=jnp.float32)
    # padding_idx=0: nn.Embedding zeroes the padding row
    W_word = W_word.at[0].set(0.0)
    W_prefix = W_prefix.at[0].set(0.0)
    W_suffix = W_suffix.at[0].set(0.0)
    return {"words": words, "prefixes": prefixes, "suffixes": suffixes,
            "W_word": W_word, "W_prefix": W_prefix, "W_suffix": W_suffix}

def reference(words, prefixes, suffixes, W_word, W_prefix, W_suffix):
    w = jnp.take(W_word, words, axis=0)
    p = jnp.take(W_prefix, prefixes, axis=0)
    s = jnp.take(W_suffix, suffixes, axis=0)
    return w + p + s

if __name__ == "__main__":
    import jax
    _d = setup_inputs()
    print(jax.jit(kernel)(*tuple(_d.values())))

</pallas_src>

<mosaic_0001>
#map = affine_map<(d0, d1) -> (0, 0)>
#map1 = affine_map<(d0, d1) -> (0, 0, 0)>
module attributes {stable_mosaic.version = 14 : i64} {
  func.func @_emb_body(%arg0: i32, %arg1: i32, %arg2: memref<50x4096xi32, #tpu.memory_space<hbm>>, %arg3: memref<50x4096xi32, #tpu.memory_space<hbm>>, %arg4: memref<50x4096xi32, #tpu.memory_space<hbm>>, %arg5: memref<100000x128xf32, #tpu.memory_space<hbm>>, %arg6: memref<10000x128xf32, #tpu.memory_space<hbm>>, %arg7: memref<10000x128xf32, #tpu.memory_space<hbm>>, %arg8: memref<50x4096x128xf32, #tpu.memory_space<hbm>>, %arg9: memref<50x128xi32, #tpu.memory_space<vmem>>, %arg10: memref<50x128xi32, #tpu.memory_space<vmem>>, %arg11: memref<50x128xi32, #tpu.memory_space<vmem>>, %arg12: memref<64x128xf32, #tpu.memory_space<vmem>>, %arg13: memref<64x128xf32, #tpu.memory_space<vmem>>, %arg14: memref<64x128xf32, #tpu.memory_space<vmem>>, %arg15: memref<64x128xf32, #tpu.memory_space<vmem>>, %arg16: memref<64x128xf32, #tpu.memory_space<vmem>>, %arg17: memref<64x128xf32, #tpu.memory_space<vmem>>, %arg18: memref<64x128xf32, #tpu.memory_space<vmem>>, %arg19: memref<64x128xf32, #tpu.memory_space<vmem>>, %arg20: memref<64x128xf32, #tpu.memory_space<vmem>>, %arg21: memref<64x128xf32, #tpu.memory_space<vmem>>, %arg22: memref<64x128xf32, #tpu.memory_space<vmem>>, %arg23: memref<64x128xf32, #tpu.memory_space<vmem>>, %arg24: memref<!tpu.dma_semaphore, #tpu.memory_space<semaphore_mem>>, %arg25: memref<!tpu.dma_semaphore, #tpu.memory_space<semaphore_mem>>, %arg26: memref<!tpu.dma_semaphore, #tpu.memory_space<semaphore_mem>>, %arg27: memref<!tpu.dma_semaphore, #tpu.memory_space<semaphore_mem>>, %arg28: memref<!tpu.dma_semaphore, #tpu.memory_space<semaphore_mem>>, %arg29: memref<!tpu.dma_semaphore, #tpu.memory_space<semaphore_mem>>, %arg30: memref<!tpu.dma_semaphore, #tpu.memory_space<semaphore_mem>>, %arg31: memref<!tpu.dma_semaphore, #tpu.memory_space<semaphore_mem>>, %arg32: memref<!tpu.dma_semaphore, #tpu.memory_space<semaphore_mem>>, %arg33: memref<!tpu.dma_semaphore, #tpu.memory_space<semaphore_mem>>, %arg34: memref<!tpu.dma_semaphore, #tpu.memory_space<semaphore_mem>>, %arg35: memref<!tpu.dma_semaphore, #tpu.memory_space<semaphore_mem>>, %arg36: memref<!tpu.dma_semaphore, #tpu.memory_space<semaphore_mem>>, %arg37: memref<!tpu.dma_semaphore, #tpu.memory_space<semaphore_mem>>, %arg38: memref<!tpu.dma_semaphore, #tpu.memory_space<semaphore_mem>>, %arg39: memref<!tpu.dma_semaphore, #tpu.memory_space<semaphore_mem>>) attributes {dimension_semantics = [#tpu.dimension_semantics<core_parallel>, #tpu.dimension_semantics<subcore_parallel>], iteration_bounds = array<i64: 2, 16>, scalar_prefetch = 0 : i64, scratch_operands = 31 : i64, tpu.core_type = #tpu.core_type<sc_vector_subcore>, window_params = [{transform_indices = #map}, {transform_indices = #map}, {transform_indices = #map}, {transform_indices = #map}, {transform_indices = #map}, {transform_indices = #map}, {transform_indices = #map1}]} {
    %mul3A = arith.constant 2 : i32
    %mul3A_0 = arith.muli %arg1, %mul3A : i32
    %add3A = arith.addi %mul3A_0, %arg0 : i32
    %mul3A_1 = arith.constant 128 : i32
    %mul3A_2 = arith.muli %add3A, %mul3A_1 : i32
    "tpu.region"() ({
      %run_scoped3A = tpu.sem_alloc : memref<!tpu.dma_semaphore, #tpu.memory_space<semaphore_mem>>
      %dma_start3A_78 = arith.constant 0 : i32
      %dma_start3A_79 = tpu.memref_slice %arg2[%dma_start3A_78, %mul3A_2] : memref<50x4096xi32, #tpu.memory_space<hbm>> -> memref<50x128xi32, #tpu.memory_space<hbm>>
      %dma_start3A_80 = arith.constant 0 : i32
      %dma_start3A_81 = tpu.memref_slice %arg2[%dma_start3A_80, %mul3A_2] : memref<50x4096xi32, #tpu.memory_space<hbm>> -> memref<50x128xi32, #tpu.memory_space<hbm>>
      tpu.enqueue_dma source(%dma_start3A_81 : memref<50x128xi32, #tpu.memory_space<hbm>>) target(%arg9 : memref<50x128xi32, #tpu.memory_space<vmem>>) target_semaphore(%run_scoped3A : memref<!tpu.dma_semaphore, #tpu.memory_space<semaphore_mem>>)
      %dma_wait3A_82 = arith.constant 0 : i32
      %dma_wait3A_83 = tpu.memref_slice %arg2[%dma_wait3A_82, %mul3A_2] : memref<50x4096xi32, #tpu.memory_space<hbm>> -> memref<50x128xi32, #tpu.memory_space<hbm>>
      %dma_wait3A_84 = arith.constant 0 : i32
      %dma_wait3A_85 = tpu.memref_slice %arg2[%dma_wait3A_84, %mul3A_2] : memref<50x4096xi32, #tpu.memory_space<hbm>> -> memref<50x128xi32, #tpu.memory_space<hbm>>
      tpu.wait_dma2 semaphore(%run_scoped3A : memref<!tpu.dma_semaphore, #tpu.memory_space<semaphore_mem>>) src(%dma_wait3A_85 : memref<50x128xi32, #tpu.memory_space<hbm>>) dst(%arg9 : memref<50x128xi32, #tpu.memory_space<vmem>>)
      tpu.yield
    }) : () -> ()
    "tpu.region"() ({
      %run_scoped3A = tpu.sem_alloc : memref<!tpu.dma_semaphore, #tpu.memory_space<semaphore_mem>>
      %dma_start3A_78 = arith.constant 0 : i32
      %dma_start3A_79 = tpu.memref_slice %arg3[%dma_start3A_78, %mul3A_2] : memref<50x4096xi32, #tpu.memory_space<hbm>> -> memref<50x128xi32, #tpu.memory_space<hbm>>
      %dma_start3A_80 = arith.constant 0 : i32
      %dma_start3A_81 = tpu.memref_slice %arg3[%dma_start3A_80, %mul3A_2] : memref<50x4096xi32, #tpu.memory_space<hbm>> -> memref<50x128xi32, #tpu.memory_space<hbm>>
      tpu.enqueue_dma source(%dma_start3A_81 : memref<50x128xi32, #tpu.memory_space<hbm>>) target(%arg10 : memref<50x128xi32, #tpu.memory_space<vmem>>) target_semaphore(%run_scoped3A : memref<!tpu.dma_semaphore, #tpu.memory_space<semaphore_mem>>)
      %dma_wait3A_82 = arith.constant 0 : i32
      %dma_wait3A_83 = tpu.memref_slice %arg3[%dma_wait3A_82, %mul3A_2] : memref<50x4096xi32, #tpu.memory_space<hbm>> -> memref<50x128xi32, #tpu.memory_space<hbm>>
      %dma_wait3A_84 = arith.constant 0 : i32
      %dma_wait3A_85 = tpu.memref_slice %arg3[%dma_wait3A_84, %mul3A_2] : memref<50x4096xi32, #tpu.memory_space<hbm>> -> memref<50x128xi32, #tpu.memory_space<hbm>>
      tpu.wait_dma2 semaphore(%run_scoped3A : memref<!tpu.dma_semaphore, #tpu.memory_space<semaphore_mem>>) src(%dma_wait3A_85 : memref<50x128xi32, #tpu.memory_space<hbm>>) dst(%arg10 : memref<50x128xi32, #tpu.memory_space<vmem>>)
      tpu.yield
    }) : () -> ()
    "tpu.region"() ({
      %run_scoped3A = tpu.sem_alloc : memref<!tpu.dma_semaphore, #tpu.memory_space<semaphore_mem>>
      %dma_start3A_78 = arith.constant 0 : i32
      %dma_start3A_79 = tpu.memref_slice %arg4[%dma_start3A_78, %mul3A_2] : memref<50x4096xi32, #tpu.memory_space<hbm>> -> memref<50x128xi32, #tpu.memory_space<hbm>>
      %dma_start3A_80 = arith.constant 0 : i32
      %dma_start3A_81 = tpu.memref_slice %arg4[%dma_start3A_80, %mul3A_2] : memref<50x4096xi32, #tpu.memory_space<hbm>> -> memref<50x128xi32, #tpu.memory_space<hbm>>
      tpu.enqueue_dma source(%dma_start3A_81 : memref<50x128xi32, #tpu.memory_space<hbm>>) target(%arg11 : memref<50x128xi32, #tpu.memory_space<vmem>>) target_semaphore(%run_scoped3A : memref<!tpu.dma_semaphore, #tpu.memory_space<semaphore_mem>>)
      %dma_wait3A_82 = arith.constant 0 : i32
      %dma_wait3A_83 = tpu.memref_slice %arg4[%dma_wait3A_82, %mul3A_2] : memref<50x4096xi32, #tpu.memory_space<hbm>> -> memref<50x128xi32, #tpu.memory_space<hbm>>
      %dma_wait3A_84 = arith.constant 0 : i32
      %dma_wait3A_85 = tpu.memref_slice %arg4[%dma_wait3A_84, %mul3A_2] : memref<50x4096xi32, #tpu.memory_space<hbm>> -> memref<50x128xi32, #tpu.memory_space<hbm>>
      tpu.wait_dma2 semaphore(%run_scoped3A : memref<!tpu.dma_semaphore, #tpu.memory_space<semaphore_mem>>) src(%dma_wait3A_85 : memref<50x128xi32, #tpu.memory_space<hbm>>) dst(%arg11 : memref<50x128xi32, #tpu.memory_space<vmem>>)
      tpu.yield
    }) : () -> ()
    %dma_start3A = arith.constant 0 : i32
    %dma_start3A_3 = arith.constant 0 : i32
    %dma_start3A_4 = tpu.memref_slice %arg9[%dma_start3A, %dma_start3A_3] : memref<50x128xi32, #tpu.memory_space<vmem>> -> memref<1x64xi32, #tpu.memory_space<vmem>>
    %dma_start3A_5 = tpu.memref_squeeze %dma_start3A_4 : memref<1x64xi32, #tpu.memory_space<vmem>> -> memref<64xi32, #tpu.memory_space<vmem>>
    %dma_start3A_6 = arith.constant 0 : i32
    %dma_start3A_7 = arith.constant 0 : i32
    %dma_start3A_8 = tpu.memref_slice %arg5[%dma_start3A_6, %dma_start3A_7] : memref<100000x128xf32, #tpu.memory_space<hbm>> -> memref<100000x128xf32, #tpu.memory_space<hbm>>
    tpu.enqueue_indirect_dma source(%dma_start3A_8 : memref<100000x128xf32, #tpu.memory_space<hbm>>) target(%arg12 : memref<64x128xf32, #tpu.memory_space<vmem>>) offsets(%dma_start3A_5 : memref<64xi32, #tpu.memory_space<vmem>>) semaphore(%arg24 : memref<!tpu.dma_semaphore, #tpu.memory_space<semaphore_mem>>)
    %dma_start3A_9 = arith.constant 0 : i32
    %dma_start3A_10 = arith.constant 0 : i32
    %dma_start3A_11 = tpu.memref_slice %arg10[%dma_start3A_9, %dma_start3A_10] : memref<50x128xi32, #tpu.memory_space<vmem>> -> memref<1x64xi32, #tpu.memory_space<vmem>>
    %dma_start3A_12 = tpu.memref_squeeze %dma_start3A_11 : memref<1x64xi32, #tpu.memory_space<vmem>> -> memref<64xi32, #tpu.memory_space<vmem>>
    %dma_start3A_13 = arith.constant 0 : i32
    %dma_start3A_14 = arith.constant 0 : i32
    %dma_start3A_15 = tpu.memref_slice %arg6[%dma_start3A_13, %dma_start3A_14] : memref<10000x128xf32, #tpu.memory_space<hbm>> -> memref<10000x128xf32, #tpu.memory_space<hbm>>
    tpu.enqueue_indirect_dma source(%dma_start3A_15 : memref<10000x128xf32, #tpu.memory_space<hbm>>) target(%arg16 : memref<64x128xf32, #tpu.memory_space<vmem>>) offsets(%dma_start3A_12 : memref<64xi32, #tpu.memory_space<vmem>>) semaphore(%arg28 : memref<!tpu.dma_semaphore, #tpu.memory_space<semaphore_mem>>)
    %dma_start3A_16 = arith.constant 0 : i32
    %dma_start3A_17 = arith.constant 0 : i32
    %dma_start3A_18 = tpu.memref_slice %arg11[%dma_start3A_16, %dma_start3A_17] : memref<50x128xi32, #tpu.memory_space<vmem>> -> memref<1x64xi32, #tpu.memory_space<vmem>>
    %dma_start3A_19 = tpu.memref_squeeze %dma_start3A_18 : memref<1x64xi32, #tpu.memory_space<vmem>> -> memref<64xi32, #tpu.memory_space<vmem>>
    %dma_start3A_20 = arith.constant 0 : i32
    %dma_start3A_21 = arith.constant 0 : i32
    %dma_start3A_22 = tpu.memref_slice %arg7[%dma_start3A_20, %dma_start3A_21] : memref<10000x128xf32, #tpu.memory_space<hbm>> -> memref<10000x128xf32, #tpu.memory_space<hbm>>
    tpu.enqueue_indirect_dma source(%dma_start3A_22 : memref<10000x128xf32, #tpu.memory_space<hbm>>) target(%arg20 : memref<64x128xf32, #tpu.memory_space<vmem>>) offsets(%dma_start3A_19 : memref<64xi32, #tpu.memory_space<vmem>>) semaphore(%arg32 : memref<!tpu.dma_semaphore, #tpu.memory_space<semaphore_mem>>)
    %dma_start3A_23 = arith.constant 0 : i32
    %dma_start3A_24 = arith.constant 64 : i32
    %dma_start3A_25 = tpu.memref_slice %arg9[%dma_start3A_23, %dma_start3A_24] : memref<50x128xi32, #tpu.memory_space<vmem>> -> memref<1x64xi32, #tpu.memory_space<vmem>>
    %dma_start3A_26 = tpu.memref_squeeze %dma_start3A_25 : memref<1x64xi32, #tpu.memory_space<vmem>> -> memref<64xi32, #tpu.memory_space<vmem>>
    %dma_start3A_27 = arith.constant 0 : i32
    %dma_start3A_28 = arith.constant 0 : i32
    %dma_start3A_29 = tpu.memref_slice %arg5[%dma_start3A_27, %dma_start3A_28] : memref<100000x128xf32, #tpu.memory_space<hbm>> -> memref<100000x128xf32, #tpu.memory_space<hbm>>
    tpu.enqueue_indirect_dma source(%dma_start3A_29 : memref<100000x128xf32, #tpu.memory_space<hbm>>) target(%arg13 : memref<64x128xf32, #tpu.memory_space<vmem>>) offsets(%dma_start3A_26 : memref<64xi32, #tpu.memory_space<vmem>>) semaphore(%arg25 : memref<!tpu.dma_semaphore, #tpu.memory_space<semaphore_mem>>)
    %dma_start3A_30 = arith.constant 0 : i32
    %dma_start3A_31 = arith.constant 64 : i32
    %dma_start3A_32 = tpu.memref_slice %arg10[%dma_start3A_30, %dma_start3A_31] : memref<50x128xi32, #tpu.memory_space<vmem>> -> memref<1x64xi32, #tpu.memory_space<vmem>>
    %dma_start3A_33 = tpu.memref_squeeze %dma_start3A_32 : memref<1x64xi32, #tpu.memory_space<vmem>> -> memref<64xi32, #tpu.memory_space<vmem>>
    %dma_start3A_34 = arith.constant 0 : i32
    %dma_start3A_35 = arith.constant 0 : i32
    %dma_start3A_36 = tpu.memref_slice %arg6[%dma_start3A_34, %dma_start3A_35] : memref<10000x128xf32, #tpu.memory_space<hbm>> -> memref<10000x128xf32, #tpu.memory_space<hbm>>
    tpu.enqueue_indirect_dma source(%dma_start3A_36 : memref<10000x128xf32, #tpu.memory_space<hbm>>) target(%arg17 : memref<64x128xf32, #tpu.memory_space<vmem>>) offsets(%dma_start3A_33 : memref<64xi32, #tpu.memory_space<vmem>>) semaphore(%arg29 : memref<!tpu.dma_semaphore, #tpu.memory_space<semaphore_mem>>)
    %dma_start3A_37 = arith.constant 0 : i32
    %dma_start3A_38 = arith.constant 64 : i32
    %dma_start3A_39 = tpu.memref_slice %arg11[%dma_start3A_37, %dma_start3A_38] : memref<50x128xi32, #tpu.memory_space<vmem>> -> memref<1x64xi32, #tpu.memory_space<vmem>>
    %dma_start3A_40 = tpu.memref_squeeze %dma_start3A_39 : memref<1x64xi32, #tpu.memory_space<vmem>> -> memref<64xi32, #tpu.memory_space<vmem>>
    %dma_start3A_41 = arith.constant 0 : i32
    %dma_start3A_42 = arith.constant 0 : i32
    %dma_start3A_43 = tpu.memref_slice %arg7[%dma_start3A_41, %dma_start3A_42] : memref<10000x128xf32, #tpu.memory_space<hbm>> -> memref<10000x128xf32, #tpu.memory_space<hbm>>
    tpu.enqueue_indirect_dma source(%dma_start3A_43 : memref<10000x128xf32, #tpu.memory_space<hbm>>) target(%arg21 : memref<64x128xf32, #tpu.memory_space<vmem>>) offsets(%dma_start3A_40 : memref<64xi32, #tpu.memory_space<vmem>>) semaphore(%arg33 : memref<!tpu.dma_semaphore, #tpu.memory_space<semaphore_mem>>)
    %dma_start3A_44 = arith.constant 1 : i32
    %dma_start3A_45 = arith.constant 0 : i32
    %dma_start3A_46 = tpu.memref_slice %arg9[%dma_start3A_44, %dma_start3A_45] : memref<50x128xi32, #tpu.memory_space<vmem>> -> memref<1x64xi32, #tpu.memory_space<vmem>>
    %dma_start3A_47 = tpu.memref_squeeze %dma_start3A_46 : memref<1x64xi32, #tpu.memory_space<vmem>> -> memref<64xi32, #tpu.memory_space<vmem>>
    %dma_start3A_48 = arith.constant 0 : i32
    %dma_start3A_49 = arith.constant 0 : i32
    %dma_start3A_50 = tpu.memref_slice %arg5[%dma_start3A_48, %dma_start3A_49] : memref<100000x128xf32, #tpu.memory_space<hbm>> -> memref<100000x128xf32, #tpu.memory_space<hbm>>
    tpu.enqueue_indirect_dma source(%dma_start3A_50 : memref<100000x128xf32, #tpu.memory_space<hbm>>) target(%arg14 : memref<64x128xf32, #tpu.memory_space<vmem>>) offsets(%dma_start3A_47 : memref<64xi32, #tpu.memory_space<vmem>>) semaphore(%arg26 : memref<!tpu.dma_semaphore, #tpu.memory_space<semaphore_mem>>)
    %dma_start3A_51 = arith.constant 1 : i32
    %dma_start3A_52 = arith.constant 0 : i32
    %dma_start3A_53 = tpu.memref_slice %arg10[%dma_start3A_51, %dma_start3A_52] : memref<50x128xi32, #tpu.memory_space<vmem>> -> memref<1x64xi32, #tpu.memory_space<vmem>>
    %dma_start3A_54 = tpu.memref_squeeze %dma_start3A_53 : memref<1x64xi32, #tpu.memory_space<vmem>> -> memref<64xi32, #tpu.memory_space<vmem>>
    %dma_start3A_55 = arith.constant 0 : i32
    %dma_start3A_56 = arith.constant 0 : i32
    %dma_start3A_57 = tpu.memref_slice %arg6[%dma_start3A_55, %dma_start3A_56] : memref<10000x128xf32, #tpu.memory_space<hbm>> -> memref<10000x128xf32, #tpu.memory_space<hbm>>
    tpu.enqueue_indirect_dma source(%dma_start3A_57 : memref<10000x128xf32, #tpu.memory_space<hbm>>) target(%arg18 : memref<64x128xf32, #tpu.memory_space<vmem>>) offsets(%dma_start3A_54 : memref<64xi32, #tpu.memory_space<vmem>>) semaphore(%arg30 : memref<!tpu.dma_semaphore, #tpu.memory_space<semaphore_mem>>)
    %dma_start3A_58 = arith.constant 1 : i32
    %dma_start3A_59 = arith.constant 0 : i32
    %dma_start3A_60 = tpu.memref_slice %arg11[%dma_start3A_58, %dma_start3A_59] : memref<50x128xi32, #tpu.memory_space<vmem>> -> memref<1x64xi32, #tpu.memory_space<vmem>>
    %dma_start3A_61 = tpu.memref_squeeze %dma_start3A_60 : memref<1x64xi32, #tpu.memory_space<vmem>> -> memref<64xi32, #tpu.memory_space<vmem>>
    %dma_start3A_62 = arith.constant 0 : i32
    %dma_start3A_63 = arith.constant 0 : i32
    %dma_start3A_64 = tpu.memref_slice %arg7[%dma_start3A_62, %dma_start3A_63] : memref<10000x128xf32, #tpu.memory_space<hbm>> -> memref<10000x128xf32, #tpu.memory_space<hbm>>
    tpu.enqueue_indirect_dma source(%dma_start3A_64 : memref<10000x128xf32, #tpu.memory_space<hbm>>) target(%arg22 : memref<64x128xf32, #tpu.memory_space<vmem>>) offsets(%dma_start3A_61 : memref<64xi32, #tpu.memory_space<vmem>>) semaphore(%arg34 : memref<!tpu.dma_semaphore, #tpu.memory_space<semaphore_mem>>)
    %scan3A = arith.constant 0 : i32
    %scan3A_65 = arith.constant 0 : i32
    %scan3A_66 = arith.constant 25 : i32
    %scan3A_67 = arith.addi %scan3A_65, %scan3A_66 : i32
    %scan3A_68 = arith.constant 1 : i32
    scf.for %scan3A_78 = %scan3A_65 to %scan3A_67 step %scan3A_68  : i32 {
      %mul3A_79 = arith.constant 4 : i32
      %mul3A_80 = arith.muli %scan3A_78, %mul3A_79 : i32
      %add3A_81 = arith.constant 0 : i32
      %add3A_82 = arith.addi %mul3A_80, %add3A_81 : i32
      %jit3A = arith.constant 2 : i32
      %div3A = arith.divsi %add3A_82, %jit3A : i32
      %sign3A = arith.constant 0 : i32
      %sign3A_83 = arith.cmpi sgt, %add3A_82, %sign3A : i32
      %sign3A_84 = arith.extui %sign3A_83 : i1 to i32
      %sign3A_85 = arith.constant 0 : i32
      %sign3A_86 = arith.cmpi slt, %add3A_82, %sign3A_85 : i32
      %sign3A_87 = arith.extui %sign3A_86 : i1 to i32
      %sign3A_88 = arith.subi %sign3A_84, %sign3A_87 : i32
      %sign3A_89 = arith.constant 0 : i32
      %sign3A_90 = arith.cmpi sgt, %jit3A, %sign3A_89 : i32
      %sign3A_91 = arith.extui %sign3A_90 : i1 to i32
      %sign3A_92 = arith.constant 0 : i32
      %sign3A_93 = arith.cmpi slt, %jit3A, %sign3A_92 : i32
      %sign3A_94 = arith.extui %sign3A_93 : i1 to i32
      %sign3A_95 = arith.subi %sign3A_91, %sign3A_94 : i32
      %ne3A = arith.cmpi ne, %sign3A_88, %sign3A_95 : i32
      %rem3A = arith.remsi %add3A_82, %jit3A : i32
      %ne3A_96 = arith.constant 0 : i32
      %ne3A_97 = arith.cmpi ne, %rem3A, %ne3A_96 : i32
      %and3A = arith.andi %ne3A, %ne3A_97 : i1
      %sub3A = arith.constant 1 : i32
      %sub3A_98 = arith.subi %div3A, %sub3A : i32
      %select_n3A = arith.select %and3A, %sub3A_98, %div3A : i32
      %jit3A_99 = arith.constant 2 : i32
      %eq3A = arith.constant 0 : i32
      %eq3A_100 = arith.cmpi eq, %jit3A_99, %eq3A : i32
      %jit3A_101 = arith.constant 1 : i32
      %select_n3A_102 = arith.select %eq3A_100, %jit3A_101, %jit3A_99 : i32
      %rem3A_103 = arith.remsi %add3A_82, %select_n3A_102 : i32
      %ne3A_104 = arith.constant 0 : i32
      %ne3A_105 = arith.cmpi ne, %rem3A_103, %ne3A_104 : i32
      %lt3A = arith.constant 0 : i32
      %lt3A_106 = arith.cmpi slt, %rem3A_103, %lt3A : i32
      %lt3A_107 = arith.constant 0 : i32
      %lt3A_108 = arith.cmpi slt, %select_n3A_102, %lt3A_107 : i32
      %ne3A_109 = arith.xori %lt3A_106, %lt3A_108 : i1
      %and3A_110 = arith.andi %ne3A_109, %ne3A_105 : i1
      %add3A_111 = arith.addi %rem3A_103, %select_n3A_102 : i32
      %select_n3A_112 = arith.select %and3A_110, %add3A_111, %rem3A_103 : i32
      %mul3A_113 = arith.constant 64 : i32
      %mul3A_114 = arith.muli %select_n3A_112, %mul3A_113 : i32
      %dma_wait3A_115 = tpu.memref_slice %arg9[%select_n3A, %mul3A_114] : memref<50x128xi32, #tpu.memory_space<vmem>> -> memref<1x64xi32, #tpu.memory_space<vmem>>
      %dma_wait3A_116 = tpu.memref_squeeze %dma_wait3A_115 : memref<1x64xi32, #tpu.memory_space<vmem>> -> memref<64xi32, #tpu.memory_space<vmem>>
      %dma_wait3A_117 = arith.constant 0 : i32
      %dma_wait3A_118 = arith.constant 0 : i32
      %dma_wait3A_119 = tpu.memref_slice %arg5[%dma_wait3A_117, %dma_wait3A_118] : memref<100000x128xf32, #tpu.memory_space<hbm>> -> memref<100000x128xf32, #tpu.memory_space<hbm>>
      tpu.wait_indirect_dma semaphore(%arg24 : memref<!tpu.dma_semaphore, #tpu.memory_space<semaphore_mem>>) src(%dma_wait3A_119 : memref<100000x128xf32, #tpu.memory_space<hbm>>) dst(%arg12 : memref<64x128xf32, #tpu.memory_space<vmem>>)
      %jit3A_120 = arith.constant 2 : i32
      %div3A_121 = arith.divsi %add3A_82, %jit3A_120 : i32
      %sign3A_122 = arith.constant 0 : i32
      %sign3A_123 = arith.cmpi sgt, %add3A_82, %sign3A_122 : i32
      %sign3A_124 = arith.extui %sign3A_123 : i1 to i32
      %sign3A_125 = arith.constant 0 : i32
      %sign3A_126 = arith.cmpi slt, %add3A_82, %sign3A_125 : i32
      %sign3A_127 = arith.extui %sign3A_126 : i1 to i32
      %sign3A_128 = arith.subi %sign3A_124, %sign3A_127 : i32
      %sign3A_129 = arith.constant 0 : i32
      %sign3A_130 = arith.cmpi sgt, %jit3A_120, %sign3A_129 : i32
      %sign3A_131 = arith.extui %sign3A_130 : i1 to i32
      %sign3A_132 = arith.constant 0 : i32
      %sign3A_133 = arith.cmpi slt, %jit3A_120, %sign3A_132 : i32
      %sign3A_134 = arith.extui %sign3A_133 : i1 to i32
      %sign3A_135 = arith.subi %sign3A_131, %sign3A_134 : i32
      %ne3A_136 = arith.cmpi ne, %sign3A_128, %sign3A_135 : i32
      %rem3A_137 = arith.remsi %add3A_82, %jit3A_120 : i32
      %ne3A_138 = arith.constant 0 : i32
      %ne3A_139 = arith.cmpi ne, %rem3A_137, %ne3A_138 : i32
      %and3A_140 = arith.andi %ne3A_136, %ne3A_139 : i1
      %sub3A_141 = arith.constant 1 : i32
      %sub3A_142 = arith.subi %div3A_121, %sub3A_141 : i32
      %select_n3A_143 = arith.select %and3A_140, %sub3A_142, %div3A_121 : i32
      %jit3A_144 = arith.constant 2 : i32
      %eq3A_145 = arith.constant 0 : i32
      %eq3A_146 = arith.cmpi eq, %jit3A_144, %eq3A_145 : i32
      %jit3A_147 = arith.constant 1 : i32
      %select_n3A_148 = arith.select %eq3A_146, %jit3A_147, %jit3A_144 : i32
      %rem3A_149 = arith.remsi %add3A_82, %select_n3A_148 : i32
      %ne3A_150 = arith.constant 0 : i32
      %ne3A_151 = arith.cmpi ne, %rem3A_149, %ne3A_150 : i32
      %lt3A_152 = arith.constant 0 : i32
      %lt3A_153 = arith.cmpi slt, %rem3A_149, %lt3A_152 : i32
      %lt3A_154 = arith.constant 0 : i32
      %lt3A_155 = arith.cmpi slt, %select_n3A_148, %lt3A_154 : i32
      %ne3A_156 = arith.xori %lt3A_153, %lt3A_155 : i1
      %and3A_157 = arith.andi %ne3A_156, %ne3A_151 : i1
      %add3A_158 = arith.addi %rem3A_149, %select_n3A_148 : i32
      %select_n3A_159 = arith.select %and3A_157, %add3A_158, %rem3A_149 : i32
      %mul3A_160 = arith.constant 64 : i32
      %mul3A_161 = arith.muli %select_n3A_159, %mul3A_160 : i32
      %dma_wait3A_162 = tpu.memref_slice %arg10[%select_n3A_143, %mul3A_161] : memref<50x128xi32, #tpu.memory_space<vmem>> -> memref<1x64xi32, #tpu.memory_space<vmem>>
      %dma_wait3A_163 = tpu.memref_squeeze %dma_wait3A_162 : memref<1x64xi32, #tpu.memory_space<vmem>> -> memref<64xi32, #tpu.memory_space<vmem>>
      %dma_wait3A_164 = arith.constant 0 : i32
      %dma_wait3A_165 = arith.constant 0 : i32
      %dma_wait3A_166 = tpu.memref_slice %arg6[%dma_wait3A_164, %dma_wait3A_165] : memref<10000x128xf32, #tpu.memory_space<hbm>> -> memref<10000x128xf32, #tpu.memory_space<hbm>>
      tpu.wait_indirect_dma semaphore(%arg28 : memref<!tpu.dma_semaphore, #tpu.memory_space<semaphore_mem>>) src(%dma_wait3A_166 : memref<10000x128xf32, #tpu.memory_space<hbm>>) dst(%arg16 : memref<64x128xf32, #tpu.memory_space<vmem>>)
      %jit3A_167 = arith.constant 2 : i32
      %div3A_168 = arith.divsi %add3A_82, %jit3A_167 : i32
      %sign3A_169 = arith.constant 0 : i32
      %sign3A_170 = arith.cmpi sgt, %add3A_82, %sign3A_169 : i32
      %sign3A_171 = arith.extui %sign3A_170 : i1 to i32
      %sign3A_172 = arith.constant 0 : i32
      %sign3A_173 = arith.cmpi slt, %add3A_82, %sign3A_172 : i32
      %sign3A_174 = arith.extui %sign3A_173 : i1 to i32
      %sign3A_175 = arith.subi %sign3A_171, %sign3A_174 : i32
      %sign3A_176 = arith.constant 0 : i32
      %sign3A_177 = arith.cmpi sgt, %jit3A_167, %sign3A_176 : i32
      %sign3A_178 = arith.extui %sign3A_177 : i1 to i32
      %sign3A_179 = arith.constant 0 : i32
      %sign3A_180 = arith.cmpi slt, %jit3A_167, %sign3A_179 : i32
      %sign3A_181 = arith.extui %sign3A_180 : i1 to i32
      %sign3A_182 = arith.subi %sign3A_178, %sign3A_181 : i32
      %ne3A_183 = arith.cmpi ne, %sign3A_175, %sign3A_182 : i32
      %rem3A_184 = arith.remsi %add3A_82, %jit3A_167 : i32
      %ne3A_185 = arith.constant 0 : i32
      %ne3A_186 = arith.cmpi ne, %rem3A_184, %ne3A_185 : i32
      %and3A_187 = arith.andi %ne3A_183, %ne3A_186 : i1
      %sub3A_188 = arith.constant 1 : i32
      %sub3A_189 = arith.subi %div3A_168, %sub3A_188 : i32
      %select_n3A_190 = arith.select %and3A_187, %sub3A_189, %div3A_168 : i32
      %jit3A_191 = arith.constant 2 : i32
      %eq3A_192 = arith.constant 0 : i32
      %eq3A_193 = arith.cmpi eq, %jit3A_191, %eq3A_192 : i32
      %jit3A_194 = arith.constant 1 : i32
      %select_n3A_195 = arith.select %eq3A_193, %jit3A_194, %jit3A_191 : i32
      %rem3A_196 = arith.remsi %add3A_82, %select_n3A_195 : i32
      %ne3A_197 = arith.constant 0 : i32
      %ne3A_198 = arith.cmpi ne, %rem3A_196, %ne3A_197 : i32
      %lt3A_199 = arith.constant 0 : i32
      %lt3A_200 = arith.cmpi slt, %rem3A_196, %lt3A_199 : i32
      %lt3A_201 = arith.constant 0 : i32
      %lt3A_202 = arith.cmpi slt, %select_n3A_195, %lt3A_201 : i32
      %ne3A_203 = arith.xori %lt3A_200, %lt3A_202 : i1
      %and3A_204 = arith.andi %ne3A_203, %ne3A_198 : i1
      %add3A_205 = arith.addi %rem3A_196, %select_n3A_195 : i32
      %select_n3A_206 = arith.select %and3A_204, %add3A_205, %rem3A_196 : i32
      %mul3A_207 = arith.constant 64 : i32
      %mul3A_208 = arith.muli %select_n3A_206, %mul3A_207 : i32
      %dma_wait3A_209 = tpu.memref_slice %arg11[%select_n3A_190, %mul3A_208] : memref<50x128xi32, #tpu.memory_space<vmem>> -> memref<1x64xi32, #tpu.memory_space<vmem>>
      %dma_wait3A_210 = tpu.memref_squeeze %dma_wait3A_209 : memref<1x64xi32, #tpu.memory_space<vmem>> -> memref<64xi32, #tpu.memory_space<vmem>>
      %dma_wait3A_211 = arith.constant 0 : i32
      %dma_wait3A_212 = arith.constant 0 : i32
      %dma_wait3A_213 = tpu.memref_slice %arg7[%dma_wait3A_211, %dma_wait3A_212] : memref<10000x128xf32, #tpu.memory_space<hbm>> -> memref<10000x128xf32, #tpu.memory_space<hbm>>
      tpu.wait_indirect_dma semaphore(%arg32 : memref<!tpu.dma_semaphore, #tpu.memory_space<semaphore_mem>>) src(%dma_wait3A_213 : memref<10000x128xf32, #tpu.memory_space<hbm>>) dst(%arg20 : memref<64x128xf32, #tpu.memory_space<vmem>>)
      %ge3A = arith.constant 1 : i32
      %ge3A_214 = arith.cmpi sge, %add3A_82, %ge3A : i32
      %convert_element_type3A = arith.extui %ge3A_214 : i1 to i32
      %cond3A = arith.constant 0 : i32
      %cond3A_215 = arith.cmpi ne, %convert_element_type3A, %cond3A : i32
      scf.if %cond3A_215 {
        %sub3A_922 = arith.constant 1 : i32
        %sub3A_923 = arith.subi %add3A_82, %sub3A_922 : i32
        %jit3A_924 = arith.constant 2 : i32
        %div3A_925 = arith.divsi %sub3A_923, %jit3A_924 : i32
        %sign3A_926 = arith.constant 0 : i32
        %sign3A_927 = arith.cmpi sgt, %sub3A_923, %sign3A_926 : i32
        %sign3A_928 = arith.extui %sign3A_927 : i1 to i32
        %sign3A_929 = arith.constant 0 : i32
        %sign3A_930 = arith.cmpi slt, %sub3A_923, %sign3A_929 : i32
        %sign3A_931 = arith.extui %sign3A_930 : i1 to i32
        %sign3A_932 = arith.subi %sign3A_928, %sign3A_931 : i32
        %sign3A_933 = arith.constant 0 : i32
        %sign3A_934 = arith.cmpi sgt, %jit3A_924, %sign3A_933 : i32
        %sign3A_935 = arith.extui %sign3A_934 : i1 to i32
        %sign3A_936 = arith.constant 0 : i32
        %sign3A_937 = arith.cmpi slt, %jit3A_924, %sign3A_936 : i32
        %sign3A_938 = arith.extui %sign3A_937 : i1 to i32
        %sign3A_939 = arith.subi %sign3A_935, %sign3A_938 : i32
        %ne3A_940 = arith.cmpi ne, %sign3A_932, %sign3A_939 : i32
        %rem3A_941 = arith.remsi %sub3A_923, %jit3A_924 : i32
        %ne3A_942 = arith.constant 0 : i32
        %ne3A_943 = arith.cmpi ne, %rem3A_941, %ne3A_942 : i32
        %and3A_944 = arith.andi %ne3A_940, %ne3A_943 : i1
        %sub3A_945 = arith.constant 1 : i32
        %sub3A_946 = arith.subi %div3A_925, %sub3A_945 : i32
        %select_n3A_947 = arith.select %and3A_944, %sub3A_946, %div3A_925 : i32
        %jit3A_948 = arith.constant 2 : i32
        %eq3A_949 = arith.constant 0 : i32
        %eq3A_950 = arith.cmpi eq, %jit3A_948, %eq3A_949 : i32
        %jit3A_951 = arith.constant 1 : i32
        %select_n3A_952 = arith.select %eq3A_950, %jit3A_951, %jit3A_948 : i32
        %rem3A_953 = arith.remsi %sub3A_923, %select_n3A_952 : i32
        %ne3A_954 = arith.constant 0 : i32
        %ne3A_955 = arith.cmpi ne, %rem3A_953, %ne3A_954 : i32
        %lt3A_956 = arith.constant 0 : i32
        %lt3A_957 = arith.cmpi slt, %rem3A_953, %lt3A_956 : i32
        %lt3A_958 = arith.constant 0 : i32
        %lt3A_959 = arith.cmpi slt, %select_n3A_952, %lt3A_958 : i32
        %ne3A_960 = arith.xori %lt3A_957, %lt3A_959 : i1
        %and3A_961 = arith.andi %ne3A_960, %ne3A_955 : i1
        %add3A_962 = arith.addi %rem3A_953, %select_n3A_952 : i32
        %select_n3A_963 = arith.select %and3A_961, %add3A_962, %rem3A_953 : i32
        %mul3A_964 = arith.constant 64 : i32
        %mul3A_965 = arith.muli %select_n3A_963, %mul3A_964 : i32
        %add3A_966 = arith.addi %mul3A_2, %mul3A_965 : i32
        %dma_wait3A_967 = arith.constant 0 : i32
        %dma_wait3A_968 = tpu.memref_slice %arg8[%select_n3A_947, %add3A_966, %dma_wait3A_967] : memref<50x4096x128xf32, #tpu.memory_space<hbm>> -> memref<1x64x128xf32, #tpu.memory_space<hbm>>
        %dma_wait3A_969 = tpu.memref_squeeze %dma_wait3A_968 : memref<1x64x128xf32, #tpu.memory_space<hbm>> -> memref<64x128xf32, #tpu.memory_space<hbm>>
        %dma_wait3A_970 = arith.constant 0 : i32
        %dma_wait3A_971 = tpu.memref_slice %arg8[%select_n3A_947, %add3A_966, %dma_wait3A_970] : memref<50x4096x128xf32, #tpu.memory_space<hbm>> -> memref<1x64x128xf32, #tpu.memory_space<hbm>>
        %dma_wait3A_972 = tpu.memref_squeeze %dma_wait3A_971 : memref<1x64x128xf32, #tpu.memory_space<hbm>> -> memref<64x128xf32, #tpu.memory_space<hbm>>
        tpu.wait_dma2 semaphore(%arg39 : memref<!tpu.dma_semaphore, #tpu.memory_space<semaphore_mem>>) src(%arg15 : memref<64x128xf32, #tpu.memory_space<vmem>>) dst(%dma_wait3A_972 : memref<64x128xf32, #tpu.memory_space<hbm>>)
      } else {
      }
      %add3A_216 = arith.constant 4 : i32
      %add3A_217 = arith.addi %add3A_82, %add3A_216 : i32
      %sub3A_218 = arith.constant 1 : i32
      %sub3A_219 = arith.subi %add3A_217, %sub3A_218 : i32
      %lt3A_220 = arith.constant 100 : i32
      %lt3A_221 = arith.cmpi slt, %sub3A_219, %lt3A_220 : i32
      %convert_element_type3A_222 = arith.extui %lt3A_221 : i1 to i32
      %cond3A_223 = arith.constant 0 : i32
      %cond3A_224 = arith.cmpi ne, %convert_element_type3A_222, %cond3A_223 : i32
      scf.if %cond3A_224 {
        %add3A_922 = arith.constant 4 : i32
        %add3A_923 = arith.addi %add3A_82, %add3A_922 : i32
        %sub3A_924 = arith.constant 1 : i32
        %sub3A_925 = arith.subi %add3A_923, %sub3A_924 : i32
        %jit3A_926 = arith.constant 2 : i32
        %div3A_927 = arith.divsi %sub3A_925, %jit3A_926 : i32
        %sign3A_928 = arith.constant 0 : i32
        %sign3A_929 = arith.cmpi sgt, %sub3A_925, %sign3A_928 : i32
        %sign3A_930 = arith.extui %sign3A_929 : i1 to i32
        %sign3A_931 = arith.constant 0 : i32
        %sign3A_932 = arith.cmpi slt, %sub3A_925, %sign3A_931 : i32
        %sign3A_933 = arith.extui %sign3A_932 : i1 to i32
        %sign3A_934 = arith.subi %sign3A_930, %sign3A_933 : i32
        %sign3A_935 = arith.constant 0 : i32
        %sign3A_936 = arith.cmpi sgt, %jit3A_926, %sign3A_935 : i32
        %sign3A_937 = arith.extui %sign3A_936 : i1 to i32
        %sign3A_938 = arith.constant 0 : i32
        %sign3A_939 = arith.cmpi slt, %jit3A_926, %sign3A_938 : i32
        %sign3A_940 = arith.extui %sign3A_939 : i1 to i32
        %sign3A_941 = arith.subi %sign3A_937, %sign3A_940 : i32
        %ne3A_942 = arith.cmpi ne, %sign3A_934, %sign3A_941 : i32
        %rem3A_943 = arith.remsi %sub3A_925, %jit3A_926 : i32
        %ne3A_944 = arith.constant 0 : i32
        %ne3A_945 = arith.cmpi ne, %rem3A_943, %ne3A_944 : i32
        %and3A_946 = arith.andi %ne3A_942, %ne3A_945 : i1
        %sub3A_947 = arith.constant 1 : i32
        %sub3A_948 = arith.subi %div3A_927, %sub3A_947 : i32
        %select_n3A_949 = arith.select %and3A_946, %sub3A_948, %div3A_927 : i32
        %jit3A_950 = arith.constant 2 : i32
        %eq3A_951 = arith.constant 0 : i32
        %eq3A_952 = arith.cmpi eq, %jit3A_950, %eq3A_951 : i32
        %jit3A_953 = arith.constant 1 : i32
        %select_n3A_954 = arith.select %eq3A_952, %jit3A_953, %jit3A_950 : i32
        %rem3A_955 = arith.remsi %sub3A_925, %select_n3A_954 : i32
        %ne3A_956 = arith.constant 0 : i32
        %ne3A_957 = arith.cmpi ne, %rem3A_955, %ne3A_956 : i32
        %lt3A_958 = arith.constant 0 : i32
        %lt3A_959 = arith.cmpi slt, %rem3A_955, %lt3A_958 : i32
        %lt3A_960 = arith.constant 0 : i32
        %lt3A_961 = arith.cmpi slt, %select_n3A_954, %lt3A_960 : i32
        %ne3A_962 = arith.xori %lt3A_959, %lt3A_961 : i1
        %and3A_963 = arith.andi %ne3A_962, %ne3A_957 : i1
        %add3A_964 = arith.addi %rem3A_955, %select_n3A_954 : i32
        %select_n3A_965 = arith.select %and3A_963, %add3A_964, %rem3A_955 : i32
        %mul3A_966 = arith.constant 64 : i32
        %mul3A_967 = arith.muli %select_n3A_965, %mul3A_966 : i32
        %dma_start3A_968 = tpu.memref_slice %arg9[%select_n3A_949, %mul3A_967] : memref<50x128xi32, #tpu.memory_space<vmem>> -> memref<1x64xi32, #tpu.memory_space<vmem>>
        %dma_start3A_969 = tpu.memref_squeeze %dma_start3A_968 : memref<1x64xi32, #tpu.memory_space<vmem>> -> memref<64xi32, #tpu.memory_space<vmem>>
        %dma_start3A_970 = arith.constant 0 : i32
        %dma_start3A_971 = arith.constant 0 : i32
        %dma_start3A_972 = tpu.memref_slice %arg5[%dma_start3A_970, %dma_start3A_971] : memref<100000x128xf32, #tpu.memory_space<hbm>> -> memref<100000x128xf32, #tpu.memory_space<hbm>>
        tpu.enqueue_indirect_dma source(%dma_start3A_972 : memref<100000x128xf32, #tpu.memory_space<hbm>>) target(%arg15 : memref<64x128xf32, #tpu.memory_space<vmem>>) offsets(%dma_start3A_969 : memref<64xi32, #tpu.memory_space<vmem>>) semaphore(%arg27 : memref<!tpu.dma_semaphore, #tpu.memory_space<semaphore_mem>>)
        %jit3A_973 = arith.constant 2 : i32
        %div3A_974 = arith.divsi %sub3A_925, %jit3A_973 : i32
        %sign3A_975 = arith.constant 0 : i32
        %sign3A_976 = arith.cmpi sgt, %sub3A_925, %sign3A_975 : i32
        %sign3A_977 = arith.extui %sign3A_976 : i1 to i32
        %sign3A_978 = arith.constant 0 : i32
        %sign3A_979 = arith.cmpi slt, %sub3A_925, %sign3A_978 : i32
        %sign3A_980 = arith.extui %sign3A_979 : i1 to i32
        %sign3A_981 = arith.subi %sign3A_977, %sign3A_980 : i32
        %sign3A_982 = arith.constant 0 : i32
        %sign3A_983 = arith.cmpi sgt, %jit3A_973, %sign3A_982 : i32
        %sign3A_984 = arith.extui %sign3A_983 : i1 to i32
        %sign3A_985 = arith.constant 0 : i32
        %sign3A_986 = arith.cmpi slt, %jit3A_973, %sign3A_985 : i32
        %sign3A_987 = arith.extui %sign3A_986 : i1 to i32
        %sign3A_988 = arith.subi %sign3A_984, %sign3A_987 : i32
        %ne3A_989 = arith.cmpi ne, %sign3A_981, %sign3A_988 : i32
        %rem3A_990 = arith.remsi %sub3A_925, %jit3A_973 : i32
        %ne3A_991 = arith.constant 0 : i32
        %ne3A_992 = arith.cmpi ne, %rem3A_990, %ne3A_991 : i32
        %and3A_993 = arith.andi %ne3A_989, %ne3A_992 : i1
        %sub3A_994 = arith.constant 1 : i32
        %sub3A_995 = arith.subi %div3A_974, %sub3A_994 : i32
        %select_n3A_996 = arith.select %and3A_993, %sub3A_995, %div3A_974 : i32
        %jit3A_997 = arith.constant 2 : i32
        %eq3A_998 = arith.constant 0 : i32
        %eq3A_999 = arith.cmpi eq, %jit3A_997, %eq3A_998 : i32
        %jit3A_1000 = arith.constant 1 : i32
        %select_n3A_1001 = arith.select %eq3A_999, %jit3A_1000, %jit3A_997 : i32
        %rem3A_1002 = arith.remsi %sub3A_925, %select_n3A_1001 : i32
        %ne3A_1003 = arith.constant 0 : i32
        %ne3A_1004 = arith.cmpi ne, %rem3A_1002, %ne3A_1003 : i32
        %lt3A_1005 = arith.constant 0 : i32
        %lt3A_1006 = arith.cmpi slt, %rem3A_1002, %lt3A_1005 : i32
        %lt3A_1007 = arith.constant 0 : i32
        %lt3A_1008 = arith.cmpi slt, %select_n3A_1001, %lt3A_1007 : i32
        %ne3A_1009 = arith.xori %lt3A_1006, %lt3A_1008 : i1
        %and3A_1010 = arith.andi %ne3A_1009, %ne3A_1004 : i1
        %add3A_1011 = arith.addi %rem3A_1002, %select_n3A_1001 : i32
        %select_n3A_1012 = arith.select %and3A_1010, %add3A_1011, %rem3A_1002 : i32
        %mul3A_1013 = arith.constant 64 : i32
        %mul3A_1014 = arith.muli %select_n3A_1012, %mul3A_1013 : i32
        %dma_start3A_1015 = tpu.memref_slice %arg10[%select_n3A_996, %mul3A_1014] : memref<50x128xi32, #tpu.memory_space<vmem>> -> memref<1x64xi32, #tpu.memory_space<vmem>>
        %dma_start3A_1016 = tpu.memref_squeeze %dma_start3A_1015 : memref<1x64xi32, #tpu.memory_space<vmem>> -> memref<64xi32, #tpu.memory_space<vmem>>
        %dma_start3A_1017 = arith.constant 0 : i32
        %dma_start3A_1018 = arith.constant 0 : i32
        %dma_start3A_1019 = tpu.memref_slice %arg6[%dma_start3A_1017, %dma_start3A_1018] : memref<10000x128xf32, #tpu.memory_space<hbm>> -> memref<10000x128xf32, #tpu.memory_space<hbm>>
        tpu.enqueue_indirect_dma source(%dma_start3A_1019 : memref<10000x128xf32, #tpu.memory_space<hbm>>) target(%arg19 : memref<64x128xf32, #tpu.memory_space<vmem>>) offsets(%dma_start3A_1016 : memref<64xi32, #tpu.memory_space<vmem>>) semaphore(%arg31 : memref<!tpu.dma_semaphore, #tpu.memory_space<semaphore_mem>>)
        %jit3A_1020 = arith.constant 2 : i32
        %div3A_1021 = arith.divsi %sub3A_925, %jit3A_1020 : i32
        %sign3A_1022 = arith.constant 0 : i32
        %sign3A_1023 = arith.cmpi sgt, %sub3A_925, %sign3A_1022 : i32
        %sign3A_1024 = arith.extui %sign3A_1023 : i1 to i32
        %sign3A_1025 = arith.constant 0 : i32
        %sign3A_1026 = arith.cmpi slt, %sub3A_925, %sign3A_1025 : i32
        %sign3A_1027 = arith.extui %sign3A_1026 : i1 to i32
        %sign3A_1028 = arith.subi %sign3A_1024, %sign3A_1027 : i32
        %sign3A_1029 = arith.constant 0 : i32
        %sign3A_1030 = arith.cmpi sgt, %jit3A_1020, %sign3A_1029 : i32
        %sign3A_1031 = arith.extui %sign3A_1030 : i1 to i32
        %sign3A_1032 = arith.constant 0 : i32
        %sign3A_1033 = arith.cmpi slt, %jit3A_1020, %sign3A_1032 : i32
        %sign3A_1034 = arith.extui %sign3A_1033 : i1 to i32
        %sign3A_1035 = arith.subi %sign3A_1031, %sign3A_1034 : i32
        %ne3A_1036 = arith.cmpi ne, %sign3A_1028, %sign3A_1035 : i32
        %rem3A_1037 = arith.remsi %sub3A_925, %jit3A_1020 : i32
        %ne3A_1038 = arith.constant 0 : i32
        %ne3A_1039 = arith.cmpi ne, %rem3A_1037, %ne3A_1038 : i32
        %and3A_1040 = arith.andi %ne3A_1036, %ne3A_1039 : i1
        %sub3A_1041 = arith.constant 1 : i32
        %sub3A_1042 = arith.subi %div3A_1021, %sub3A_1041 : i32
        %select_n3A_1043 = arith.select %and3A_1040, %sub3A_1042, %div3A_1021 : i32
        %jit3A_1044 = arith.constant 2 : i32
        %eq3A_1045 = arith.constant 0 : i32
        %eq3A_1046 = arith.cmpi eq, %jit3A_1044, %eq3A_1045 : i32
        %jit3A_1047 = arith.constant 1 : i32
        %select_n3A_1048 = arith.select %eq3A_1046, %jit3A_1047, %jit3A_1044 : i32
        %rem3A_1049 = arith.remsi %sub3A_925, %select_n3A_1048 : i32
        %ne3A_1050 = arith.constant 0 : i32
        %ne3A_1051 = arith.cmpi ne, %rem3A_1049, %ne3A_1050 : i32
        %lt3A_1052 = arith.constant 0 : i32
        %lt3A_1053 = arith.cmpi slt, %rem3A_1049, %lt3A_1052 : i32
        %lt3A_1054 = arith.constant 0 : i32
        %lt3A_1055 = arith.cmpi slt, %select_n3A_1048, %lt3A_1054 : i32
        %ne3A_1056 = arith.xori %lt3A_1053, %lt3A_1055 : i1
        %and3A_1057 = arith.andi %ne3A_1056, %ne3A_1051 : i1
        %add3A_1058 = arith.addi %rem3A_1049, %select_n3A_1048 : i32
        %select_n3A_1059 = arith.select %and3A_1057, %add3A_1058, %rem3A_1049 : i32
        %mul3A_1060 = arith.constant 64 : i32
        %mul3A_1061 = arith.muli %select_n3A_1059, %mul3A_1060 : i32
        %dma_start3A_1062 = tpu.memref_slice %arg11[%select_n3A_1043, %mul3A_1061] : memref<50x128xi32, #tpu.memory_space<vmem>> -> memref<1x64xi32, #tpu.memory_space<vmem>>
        %dma_start3A_1063 = tpu.memref_squeeze %dma_start3A_1062 : memref<1x64xi32, #tpu.memory_space<vmem>> -> memref<64xi32, #tpu.memory_space<vmem>>
        %dma_start3A_1064 = arith.constant 0 : i32
        %dma_start3A_1065 = arith.constant 0 : i32
        %dma_start3A_1066 = tpu.memref_slice %arg7[%dma_start3A_1064, %dma_start3A_1065] : memref<10000x128xf32, #tpu.memory_space<hbm>> -> memref<10000x128xf32, #tpu.memory_space<hbm>>
        tpu.enqueue_indirect_dma source(%dma_start3A_1066 : memref<10000x128xf32, #tpu.memory_space<hbm>>) target(%arg23 : memref<64x128xf32, #tpu.memory_space<vmem>>) offsets(%dma_start3A_1063 : memref<64xi32, #tpu.memory_space<vmem>>) semaphore(%arg35 : memref<!tpu.dma_semaphore, #tpu.memory_space<semaphore_mem>>)
      } else {
      }
      %scan3A_225 = arith.constant 0 : i32
      %scan3A_226 = arith.constant 0 : i32
      %scan3A_227 = arith.constant 64 : i32
      %scan3A_228 = arith.addi %scan3A_226, %scan3A_227 : i32
      %scan3A_229 = arith.constant 2 : i32
      scf.for %scan3A_922 = %scan3A_226 to %scan3A_228 step %scan3A_229  : i32 {
        %get3A = arith.index_cast %scan3A_922 : i32 to index
        %get3A_923 = arith.constant 0 : index
        %get3A_924 = tpu.vector_load %arg16[%get3A, %get3A_923] {strides = array<i32>} : memref<64x128xf32, #tpu.memory_space<vmem>>, vector<1x16xf32>,
        %get3A_925 = vector.shape_cast %get3A_924 : vector<1x16xf32> to vector<16xf32>
        %get3A_926 = arith.index_cast %scan3A_922 : i32 to index
        %get3A_927 = arith.constant 0 : index
        %get3A_928 = tpu.vector_load %arg20[%get3A_926, %get3A_927] {strides = array<i32>} : memref<64x128xf32, #tpu.memory_space<vmem>>, vector<1x16xf32>,
        %get3A_929 = vector.shape_cast %get3A_928 : vector<1x16xf32> to vector<16xf32>
        %add3A_930 = arith.addf %get3A_925, %get3A_929 : vector<16xf32>
        %swap3A = arith.index_cast %scan3A_922 : i32 to index
        %swap3A_931 = arith.constant 0 : index
        %swap3A_932 = tpu.vector_load %arg12[%swap3A, %swap3A_931] {strides = array<i32>} : memref<64x128xf32, #tpu.memory_space<vmem>>, vector<1x16xf32>,
        %swap3A_933 = vector.shape_cast %swap3A_932 : vector<1x16xf32> to vector<16xf32>
        %swap3A_934 = vector.shape_cast %add3A_930 : vector<16xf32> to vector<1x16xf32>
        tpu.vector_store %arg12[%swap3A, %swap3A_931], %swap3A_934 {add = true, strides = array<i32>} : memref<64x128xf32, #tpu.memory_space<vmem>>, vector<1x16xf32>,
        %get3A_935 = arith.index_cast %scan3A_922 : i32 to index
        %get3A_936 = arith.constant 16 : index
        %get3A_937 = tpu.vector_load %arg16[%get3A_935, %get3A_936] {strides = array<i32>} : memref<64x128xf32, #tpu.memory_space<vmem>>, vector<1x16xf32>,
        %get3A_938 = vector.shape_cast %get3A_937 : vector<1x16xf32> to vector<16xf32>
        %get3A_939 = arith.index_cast %scan3A_922 : i32 to index
        %get3A_940 = arith.constant 16 : index
        %get3A_941 = tpu.vector_load %arg20[%get3A_939, %get3A_940] {strides = array<i32>} : memref<64x128xf32, #tpu.memory_space<vmem>>, vector<1x16xf32>,
        %get3A_942 = vector.shape_cast %get3A_941 : vector<1x16xf32> to vector<16xf32>
        %add3A_943 = arith.addf %get3A_938, %get3A_942 : vector<16xf32>
        %swap3A_944 = arith.index_cast %scan3A_922 : i32 to index
        %swap3A_945 = arith.constant 16 : index
        %swap3A_946 = tpu.vector_load %arg12[%swap3A_944, %swap3A_945] {strides = array<i32>} : memref<64x128xf32, #tpu.memory_space<vmem>>, vector<1x16xf32>,
        %swap3A_947 = vector.shape_cast %swap3A_946 : vector<1x16xf32> to vector<16xf32>
        %swap3A_948 = vector.shape_cast %add3A_943 : vector<16xf32> to vector<1x16xf32>
        tpu.vector_store %arg12[%swap3A_944, %swap3A_945], %swap3A_948 {add = true, strides = array<i32>} : memref<64x128xf32, #tpu.memory_space<vmem>>, vector<1x16xf32>,
        %get3A_949 = arith.index_cast %scan3A_922 : i32 to index
        %get3A_950 = arith.constant 32 : index
        %get3A_951 = tpu.vector_load %arg16[%get3A_949, %get3A_950] {strides = array<i32>} : memref<64x128xf32, #tpu.memory_space<vmem>>, vector<1x16xf32>,
        %get3A_952 = vector.shape_cast %get3A_951 : vector<1x16xf32> to vector<16xf32>
        %get3A_953 = arith.index_cast %scan3A_922 : i32 to index
        %get3A_954 = arith.constant 32 : index
        %get3A_955 = tpu.vector_load %arg20[%get3A_953, %get3A_954] {strides = array<i32>} : memref<64x128xf32, #tpu.memory_space<vmem>>, vector<1x16xf32>,
        %get3A_956 = vector.shape_cast %get3A_955 : vector<1x16xf32> to vector<16xf32>
        %add3A_957 = arith.addf %get3A_952, %get3A_956 : vector<16xf32>
        %swap3A_958 = arith.index_cast %scan3A_922 : i32 to index
        %swap3A_959 = arith.constant 32 : index
        %swap3A_960 = tpu.vector_load %arg12[%swap3A_958, %swap3A_959] {strides = array<i32>} : memref<64x128xf32, #tpu.memory_space<vmem>>, vector<1x16xf32>,
        %swap3A_961 = vector.shape_cast %swap3A_960 : vector<1x16xf32> to vector<16xf32>
        %swap3A_962 = vector.shape_cast %add3A_957 : vector<16xf32> to vector<1x16xf32>
        tpu.vector_store %arg12[%swap3A_958, %swap3A_959], %swap3A_962 {add = true, strides = array<i32>} : memref<64x128xf32, #tpu.memory_space<vmem>>, vector<1x16xf32>,
        %get3A_963 = arith.index_cast %scan3A_922 : i32 to index
        %get3A_964 = arith.constant 48 : index
        %get3A_965 = tpu.vector_load %arg16[%get3A_963, %get3A_964] {strides = array<i32>} : memref<64x128xf32, #tpu.memory_space<vmem>>, vector<1x16xf32>,
        %get3A_966 = vector.shape_cast %get3A_965 : vector<1x16xf32> to vector<16xf32>
        %get3A_967 = arith.index_cast %scan3A_922 : i32 to index
        %get3A_968 = arith.constant 48 : index
        %get3A_969 = tpu.vector_load %arg20[%get3A_967, %get3A_968] {strides = array<i32>} : memref<64x128xf32, #tpu.memory_space<vmem>>, vector<1x16xf32>,
        %get3A_970 = vector.shape_cast %get3A_969 : vector<1x16xf32> to vector<16xf32>
        %add3A_971 = arith.addf %get3A_966, %get3A_970 : vector<16xf32>
        %swap3A_972 = arith.index_cast %scan3A_922 : i32 to index
        %swap3A_973 = arith.constant 48 : index
        %swap3A_974 = tpu.vector_load %arg12[%swap3A_972, %swap3A_973] {strides = array<i32>} : memref<64x128xf32, #tpu.memory_space<vmem>>, vector<1x16xf32>,
        %swap3A_975 = vector.shape_cast %swap3A_974 : vector<1x16xf32> to vector<16xf32>
        %swap3A_976 = vector.shape_cast %add3A_971 : vector<16xf32> to vector<1x16xf32>
        tpu.vector_store %arg12[%swap3A_972, %swap3A_973], %swap3A_976 {add = true, strides = array<i32>} : memref<64x128xf32, #tpu.memory_space<vmem>>, vector<1x16xf32>,
        %get3A_977 = arith.index_cast %scan3A_922 : i32 to index
        %get3A_978 = arith.constant 64 : index
        %get3A_979 = tpu.vector_load %arg16[%get3A_977, %get3A_978] {strides = array<i32>} : memref<64x128xf32, #tpu.memory_space<vmem>>, vector<1x16xf32>,
        %get3A_980 = vector.shape_cast %get3A_979 : vector<1x16xf32> to vector<16xf32>
        %get3A_981 = arith.index_cast %scan3A_922 : i32 to index
        %get3A_982 = arith.constant 64 : index
        %get3A_983 = tpu.vector_load %arg20[%get3A_981, %get3A_982] {strides = array<i32>} : memref<64x128xf32, #tpu.memory_space<vmem>>, vector<1x16xf32>,
        %get3A_984 = vector.shape_cast %get3A_983 : vector<1x16xf32> to vector<16xf32>
        %add3A_985 = arith.addf %get3A_980, %get3A_984 : vector<16xf32>
        %swap3A_986 = arith.index_cast %scan3A_922 : i32 to index
        %swap3A_987 = arith.constant 64 : index
        %swap3A_988 = tpu.vector_load %arg12[%swap3A_986, %swap3A_987] {strides = array<i32>} : memref<64x128xf32, #tpu.memory_space<vmem>>, vector<1x16xf32>,
        %swap3A_989 = vector.shape_cast %swap3A_988 : vector<1x16xf32> to vector<16xf32>
        %swap3A_990 = vector.shape_cast %add3A_985 : vector<16xf32> to vector<1x16xf32>
        tpu.vector_store %arg12[%swap3A_986, %swap3A_987], %swap3A_990 {add = true, strides = array<i32>} : memref<64x128xf32, #tpu.memory_space<vmem>>, vector<1x16xf32>,
        %get3A_991 = arith.index_cast %scan3A_922 : i32 to index
        %get3A_992 = arith.constant 80 : index
        %get3A_993 = tpu.vector_load %arg16[%get3A_991, %get3A_992] {strides = array<i32>} : memref<64x128xf32, #tpu.memory_space<vmem>>, vector<1x16xf32>,
        %get3A_994 = vector.shape_cast %get3A_993 : vector<1x16xf32> to vector<16xf32>
        %get3A_995 = arith.index_cast %scan3A_922 : i32 to index
        %get3A_996 = arith.constant 80 : index
        %get3A_997 = tpu.vector_load %arg20[%get3A_995, %get3A_996] {strides = array<i32>} : memref<64x128xf32, #tpu.memory_space<vmem>>, vector<1x16xf32>,
        %get3A_998 = vector.shape_cast %get3A_997 : vector<1x16xf32> to vector<16xf32>
        %add3A_999 = arith.addf %get3A_994, %get3A_998 : vector<16xf32>
        %swap3A_1000 = arith.index_cast %scan3A_922 : i32 to index
        %swap3A_1001 = arith.constant 80 : index
        %swap3A_1002 = tpu.vector_load %arg12[%swap3A_1000, %swap3A_1001] {strides = array<i32>} : memref<64x128xf32, #tpu.memory_space<vmem>>, vector<1x16xf32>,
        %swap3A_1003 = vector.shape_cast %swap3A_1002 : vector<1x16xf32> to vector<16xf32>
        %swap3A_1004 = vector.shape_cast %add3A_999 : vector<16xf32> to vector<1x16xf32>
        tpu.vector_store %arg12[%swap3A_1000, %swap3A_1001], %swap3A_1004 {add = true, strides = array<i32>} : memref<64x128xf32, #tpu.memory_space<vmem>>, vector<1x16xf32>,
        %get3A_1005 = arith.index_cast %scan3A_922 : i32 to index
        %get3A_1006 = arith.constant 96 : index
        %get3A_1007 = tpu.vector_load %arg16[%get3A_1005, %get3A_1006] {strides = array<i32>} : memref<64x128xf32, #tpu.memory_space<vmem>>, vector<1x16xf32>,
        %get3A_1008 = vector.shape_cast %get3A_1007 : vector<1x16xf32> to vector<16xf32>
        %get3A_1009 = arith.index_cast %scan3A_922 : i32 to index
        %get3A_1010 = arith.constant 96 : index
        %get3A_1011 = tpu.vector_load %arg20[%get3A_1009, %get3A_1010] {strides = array<i32>} : memref<64x128xf32, #tpu.memory_space<vmem>>, vector<1x16xf32>,
        %get3A_1012 = vector.shape_cast %get3A_1011 : vector<1x16xf32> to vector<16xf32>
        %add3A_1013 = arith.addf %get3A_1008, %get3A_1012 : vector<16xf32>
        %swap3A_1014 = arith.index_cast %scan3A_922 : i32 to index
        %swap3A_1015 = arith.constant 96 : index
        %swap3A_1016 = tpu.vector_load %arg12[%swap3A_1014, %swap3A_1015] {strides = array<i32>} : memref<64x128xf32, #tpu.memory_space<vmem>>, vector<1x16xf32>,
        %swap3A_1017 = vector.shape_cast %swap3A_1016 : vector<1x16xf32> to vector<16xf32>
        %swap3A_1018 = vector.shape_cast %add3A_1013 : vector<16xf32> to vector<1x16xf32>
        tpu.vector_store %arg12[%swap3A_1014, %swap3A_1015], %swap3A_1018 {add = true, strides = array<i32>} : memref<64x128xf32, #tpu.memory_space<vmem>>, vector<1x16xf32>,
        %get3A_1019 = arith.index_cast %scan3A_922 : i32 to index
        %get3A_1020 = arith.constant 112 : index
        %get3A_1021 = tpu.vector_load %arg16[%get3A_1019, %get3A_1020] {strides = array<i32>} : memref<64x128xf32, #tpu.memory_space<vmem>>, vector<1x16xf32>,
        %get3A_1022 = vector.shape_cast %get3A_1021 : vector<1x16xf32> to vector<16xf32>
        %get3A_1023 = arith.index_cast %scan3A_922 : i32 to index
        %get3A_1024 = arith.constant 112 : index
        %get3A_1025 = tpu.vector_load %arg20[%get3A_1023, %get3A_1024] {strides = array<i32>} : memref<64x128xf32, #tpu.memory_space<vmem>>, vector<1x16xf32>,
        %get3A_1026 = vector.shape_cast %get3A_1025 : vector<1x16xf32> to vector<16xf32>
        %add3A_1027 = arith.addf %get3A_1022, %get3A_1026 : vector<16xf32>
        %swap3A_1028 = arith.index_cast %scan3A_922 : i32 to index
        %swap3A_1029 = arith.constant 112 : index
        %swap3A_1030 = tpu.vector_load %arg12[%swap3A_1028, %swap3A_1029] {strides = array<i32>} : memref<64x128xf32, #tpu.memory_space<vmem>>, vector<1x16xf32>,
        %swap3A_1031 = vector.shape_cast %swap3A_1030 : vector<1x16xf32> to vector<16xf32>
        %swap3A_1032 = vector.shape_cast %add3A_1027 : vector<16xf32> to vector<1x16xf32>
        tpu.vector_store %arg12[%swap3A_1028, %swap3A_1029], %swap3A_1032 {add = true, strides = array<i32>} : memref<64x128xf32, #tpu.memory_space<vmem>>, vector<1x16xf32>,
        %scan3A_1033 = arith.constant 1 : i32
        %scan3A_1034 = arith.addi %scan3A_922, %scan3A_1033 : i32
        %get3A_1035 = arith.index_cast %scan3A_1034 : i32 to index
        %get3A_1036 = arith.constant 0 : index
        %get3A_1037 = tpu.vector_load %arg16[%get3A_1035, %get3A_1036] {strides = array<i32>} : memref<64x128xf32, #tpu.memory_space<vmem>>, vector<1x16xf32>,
        %get3A_1038 = vector.shape_cast %get3A_1037 : vector<1x16xf32> to vector<16xf32>
        %get3A_1039 = arith.index_cast %scan3A_1034 : i32 to index
        %get3A_1040 = arith.constant 0 : index
        %get3A_1041 = tpu.vector_load %arg20[%get3A_1039, %get3A_1040] {strides = array<i32>} : memref<64x128xf32, #tpu.memory_space<vmem>>, vector<1x16xf32>,
        %get3A_1042 = vector.shape_cast %get3A_1041 : vector<1x16xf32> to vector<16xf32>
        %add3A_1043 = arith.addf %get3A_1038, %get3A_1042 : vector<16xf32>
        %swap3A_1044 = arith.index_cast %scan3A_1034 : i32 to index
        %swap3A_1045 = arith.constant 0 : index
        %swap3A_1046 = tpu.vector_load %arg12[%swap3A_1044, %swap3A_1045] {strides = array<i32>} : memref<64x128xf32, #tpu.memory_space<vmem>>, vector<1x16xf32>,
        %swap3A_1047 = vector.shape_cast %swap3A_1046 : vector<1x16xf32> to vector<16xf32>
        %swap3A_1048 = vector.shape_cast %add3A_1043 : vector<16xf32> to vector<1x16xf32>
        tpu.vector_store %arg12[%swap3A_1044, %swap3A_1045], %swap3A_1048 {add = true, strides = array<i32>} : memref<64x128xf32, #tpu.memory_space<vmem>>, vector<1x16xf32>,
        %get3A_1049 = arith.index_cast %scan3A_1034 : i32 to index
        %get3A_1050 = arith.constant 16 : index
        %get3A_1051 = tpu.vector_load %arg16[%get3A_1049, %get3A_1050] {strides = array<i32>} : memref<64x128xf32, #tpu.memory_space<vmem>>, vector<1x16xf32>,
        %get3A_1052 = vector.shape_cast %get3A_1051 : vector<1x16xf32> to vector<16xf32>
        %get3A_1053 = arith.index_cast %scan3A_1034 : i32 to index
        %get3A_1054 = arith.constant 16 : index
        %get3A_1055 = tpu.vector_load %arg20[%get3A_1053, %get3A_1054] {strides = array<i32>} : memref<64x128xf32, #tpu.memory_space<vmem>>, vector<1x16xf32>,
        %get3A_1056 = vector.shape_cast %get3A_1055 : vector<1x16xf32> to vector<16xf32>
        %add3A_1057 = arith.addf %get3A_1052, %get3A_1056 : vector<16xf32>
        %swap3A_1058 = arith.index_cast %scan3A_1034 : i32 to index
        %swap3A_1059 = arith.constant 16 : index
        %swap3A_1060 = tpu.vector_load %arg12[%swap3A_1058, %swap3A_1059] {strides = array<i32>} : memref<64x128xf32, #tpu.memory_space<vmem>>, vector<1x16xf32>,
        %swap3A_1061 = vector.shape_cast %swap3A_1060 : vector<1x16xf32> to vector<16xf32>
        %swap3A_1062 = vector.shape_cast %add3A_1057 : vector<16xf32> to vector<1x16xf32>
        tpu.vector_store %arg12[%swap3A_1058, %swap3A_1059], %swap3A_1062 {add = true, strides = array<i32>} : memref<64x128xf32, #tpu.memory_space<vmem>>, vector<1x16xf32>,
        %get3A_1063 = arith.index_cast %scan3A_1034 : i32 to index
        %get3A_1064 = arith.constant 32 : index
        %get3A_1065 = tpu.vector_load %arg16[%get3A_1063, %get3A_1064] {strides = array<i32>} : memref<64x128xf32, #tpu.memory_space<vmem>>, vector<1x16xf32>,
        %get3A_1066 = vector.shape_cast %get3A_1065 : vector<1x16xf32> to vector<16xf32>
        %get3A_1067 = arith.index_cast %scan3A_1034 : i32 to index
        %get3A_1068 = arith.constant 32 : index
        %get3A_1069 = tpu.vector_load %arg20[%get3A_1067, %get3A_1068] {strides = array<i32>} : memref<64x128xf32, #tpu.memory_space<vmem>>, vector<1x16xf32>,
        %get3A_1070 = vector.shape_cast %get3A_1069 : vector<1x16xf32> to vector<16xf32>
        %add3A_1071 = arith.addf %get3A_1066, %get3A_1070 : vector<16xf32>
        %swap3A_1072 = arith.index_cast %scan3A_1034 : i32 to index
        %swap3A_1073 = arith.constant 32 : index
        %swap3A_1074 = tpu.vector_load %arg12[%swap3A_1072, %swap3A_1073] {strides = array<i32>} : memref<64x128xf32, #tpu.memory_space<vmem>>, vector<1x16xf32>,
        %swap3A_1075 = vector.shape_cast %swap3A_1074 : vector<1x16xf32> to vector<16xf32>
        %swap3A_1076 = vector.shape_cast %add3A_1071 : vector<16xf32> to vector<1x16xf32>
        tpu.vector_store %arg12[%swap3A_1072, %swap3A_1073], %swap3A_1076 {add = true, strides = array<i32>} : memref<64x128xf32, #tpu.memory_space<vmem>>, vector<1x16xf32>,
        %get3A_1077 = arith.index_cast %scan3A_1034 : i32 to index
        %get3A_1078 = arith.constant 48 : index
        %get3A_1079 = tpu.vector_load %arg16[%get3A_1077, %get3A_1078] {strides = array<i32>} : memref<64x128xf32, #tpu.memory_space<vmem>>, vector<1x16xf32>,
        %get3A_1080 = vector.shape_cast %get3A_1079 : vector<1x16xf32> to vector<16xf32>
        %get3A_1081 = arith.index_cast %scan3A_1034 : i32 to index
        %get3A_1082 = arith.constant 48 : index
        %get3A_1083 = tpu.vector_load %arg20[%get3A_1081, %get3A_1082] {strides = array<i32>} : memref<64x128xf32, #tpu.memory_space<vmem>>, vector<1x16xf32>,
        %get3A_1084 = vector.shape_cast %get3A_1083 : vector<1x16xf32> to vector<16xf32>
        %add3A_1085 = arith.addf %get3A_1080, %get3A_1084 : vector<16xf32>
        %swap3A_1086 = arith.index_cast %scan3A_1034 : i32 to index
        %swap3A_1087 = arith.constant 48 : index
        %swap3A_1088 = tpu.vector_load %arg12[%swap3A_1086, %swap3A_1087] {strides = array<i32>} : memref<64x128xf32, #tpu.memory_space<vmem>>, vector<1x16xf32>,
        %swap3A_1089 = vector.shape_cast %swap3A_1088 : vector<1x16xf32> to vector<16xf32>
        %swap3A_1090 = vector.shape_cast %add3A_1085 : vector<16xf32> to vector<1x16xf32>
        tpu.vector_store %arg12[%swap3A_1086, %swap3A_1087], %swap3A_1090 {add = true, strides = array<i32>} : memref<64x128xf32, #tpu.memory_space<vmem>>, vector<1x16xf32>,
        %get3A_1091 = arith.index_cast %scan3A_1034 : i32 to index
        %get3A_1092 = arith.constant 64 : index
        %get3A_1093 = tpu.vector_load %arg16[%get3A_1091, %get3A_1092] {strides = array<i32>} : memref<64x128xf32, #tpu.memory_space<vmem>>, vector<1x16xf32>,
        %get3A_1094 = vector.shape_cast %get3A_1093 : vector<1x16xf32> to vector<16xf32>
        %get3A_1095 = arith.index_cast %scan3A_1034 : i32 to index
        %get3A_1096 = arith.constant 64 : index
        %get3A_1097 = tpu.vector_load %arg20[%get3A_1095, %get3A_1096] {strides = array<i32>} : memref<64x128xf32, #tpu.memory_space<vmem>>, vector<1x16xf32>,
        %get3A_1098 = vector.shape_cast %get3A_1097 : vector<1x16xf32> to vector<16xf32>
        %add3A_1099 = arith.addf %get3A_1094, %get3A_1098 : vector<16xf32>
        %swap3A_1100 = arith.index_cast %scan3A_1034 : i32 to index
        %swap3A_1101 = arith.constant 64 : index
        %swap3A_1102 = tpu.vector_load %arg12[%swap3A_1100, %swap3A_1101] {strides = array<i32>} : memref<64x128xf32, #tpu.memory_space<vmem>>, vector<1x16xf32>,
        %swap3A_1103 = vector.shape_cast %swap3A_1102 : vector<1x16xf32> to vector<16xf32>
        %swap3A_1104 = vector.shape_cast %add3A_1099 : vector<16xf32> to vector<1x16xf32>
        tpu.vector_store %arg12[%swap3A_1100, %swap3A_1101], %swap3A_1104 {add = true, strides = array<i32>} : memref<64x128xf32, #tpu.memory_space<vmem>>, vector<1x16xf32>,
        %get3A_1105 = arith.index_cast %scan3A_1034 : i32 to index
        %get3A_1106 = arith.constant 80 : index
        %get3A_1107 = tpu.vector_load %arg16[%get3A_1105, %get3A_1106] {strides = array<i32>} : memref<64x128xf32, #tpu.memory_space<vmem>>, vector<1x16xf32>,
        %get3A_1108 = vector.shape_cast %get3A_1107 : vector<1x16xf32> to vector<16xf32>
        %get3A_1109 = arith.index_cast %scan3A_1034 : i32 to index
        %get3A_1110 = arith.constant 80 : index
        %get3A_1111 = tpu.vector_load %arg20[%get3A_1109, %get3A_1110] {strides = array<i32>} : memref<64x128xf32, #tpu.memory_space<vmem>>, vector<1x16xf32>,
        %get3A_1112 = vector.shape_cast %get3A_1111 : vector<1x16xf32> to vector<16xf32>
        %add3A_1113 = arith.addf %get3A_1108, %get3A_1112 : vector<16xf32>
        %swap3A_1114 = arith.index_cast %scan3A_1034 : i32 to index
        %swap3A_1115 = arith.constant 80 : index
        %swap3A_1116 = tpu.vector_load %arg12[%swap3A_1114, %swap3A_1115] {strides = array<i32>} : memref<64x128xf32, #tpu.memory_space<vmem>>, vector<1x16xf32>,
        %swap3A_1117 = vector.shape_cast %swap3A_1116 : vector<1x16xf32> to vector<16xf32>
        %swap3A_1118 = vector.shape_cast %add3A_1113 : vector<16xf32> to vector<1x16xf32>
        tpu.vector_store %arg12[%swap3A_1114, %swap3A_1115], %swap3A_1118 {add = true, strides = array<i32>} : memref<64x128xf32, #tpu.memory_space<vmem>>, vector<1x16xf32>,
        %get3A_1119 = arith.index_cast %scan3A_1034 : i32 to index
        %get3A_1120 = arith.constant 96 : index
        %get3A_1121 = tpu.vector_load %arg16[%get3A_1119, %get3A_1120] {strides = array<i32>} : memref<64x128xf32, #tpu.memory_space<vmem>>, vector<1x16xf32>,
        %get3A_1122 = vector.shape_cast %get3A_1121 : vector<1x16xf32> to vector<16xf32>
        %get3A_1123 = arith.index_cast %scan3A_1034 : i32 to index
        %get3A_1124 = arith.constant 96 : index
        %get3A_1125 = tpu.vector_load %arg20[%get3A_1123, %get3A_1124] {strides = array<i32>} : memref<64x128xf32, #tpu.memory_space<vmem>>, vector<1x16xf32>,
        %get3A_1126 = vector.shape_cast %get3A_1125 : vector<1x16xf32> to vector<16xf32>
        %add3A_1127 = arith.addf %get3A_1122, %get3A_1126 : vector<16xf32>
        %swap3A_1128 = arith.index_cast %scan3A_1034 : i32 to index
        %swap3A_1129 = arith.constant 96 : index
        %swap3A_1130 = tpu.vector_load %arg12[%swap3A_1128, %swap3A_1129] {strides = array<i32>} : memref<64x128xf32, #tpu.memory_space<vmem>>, vector<1x16xf32>,
        %swap3A_1131 = vector.shape_cast %swap3A_1130 : vector<1x16xf32> to vector<16xf32>
        %swap3A_1132 = vector.shape_cast %add3A_1127 : vector<16xf32> to vector<1x16xf32>
        tpu.vector_store %arg12[%swap3A_1128, %swap3A_1129], %swap3A_1132 {add = true, strides = array<i32>} : memref<64x128xf32, #tpu.memory_space<vmem>>, vector<1x16xf32>,
        %get3A_1133 = arith.index_cast %scan3A_1034 : i32 to index
        %get3A_1134 = arith.constant 112 : index
        %get3A_1135 = tpu.vector_load %arg16[%get3A_1133, %get3A_1134] {strides = array<i32>} : memref<64x128xf32, #tpu.memory_space<vmem>>, vector<1x16xf32>,
        %get3A_1136 = vector.shape_cast %get3A_1135 : vector<1x16xf32> to vector<16xf32>
        %get3A_1137 = arith.index_cast %scan3A_1034 : i32 to index
        %get3A_1138 = arith.constant 112 : index
        %get3A_1139 = tpu.vector_load %arg20[%get3A_1137, %get3A_1138] {strides = array<i32>} : memref<64x128xf32, #tpu.memory_space<vmem>>, vector<1x16xf32>,
        %get3A_1140 = vector.shape_cast %get3A_1139 : vector<1x16xf32> to vector<16xf32>
        %add3A_1141 = arith.addf %get3A_1136, %get3A_1140 : vector<16xf32>
        %swap3A_1142 = arith.index_cast %scan3A_1034 : i32 to index
        %swap3A_1143 = arith.constant 112 : index
        %swap3A_1144 = tpu.vector_load %arg12[%swap3A_1142, %swap3A_1143] {strides = array<i32>} : memref<64x128xf32, #tpu.memory_space<vmem>>, vector<1x16xf32>,
        %swap3A_1145 = vector.shape_cast %swap3A_1144 : vector<1x16xf32> to vector<16xf32>
        %swap3A_1146 = vector.shape_cast %add3A_1141 : vector<16xf32> to vector<1x16xf32>
        tpu.vector_store %arg12[%swap3A_1142, %swap3A_1143], %swap3A_1146 {add = true, strides = array<i32>} : memref<64x128xf32, #tpu.memory_space<vmem>>, vector<1x16xf32>,
      }
      %scan3A_230 = arith.constant 64 : i32
      %jit3A_231 = arith.constant 2 : i32
      %div3A_232 = arith.divsi %add3A_82, %jit3A_231 : i32
      %sign3A_233 = arith.constant 0 : i32
      %sign3A_234 = arith.cmpi sgt, %add3A_82, %sign3A_233 : i32
      %sign3A_235 = arith.extui %sign3A_234 : i1 to i32
      %sign3A_236 = arith.constant 0 : i32
      %sign3A_237 = arith.cmpi slt, %add3A_82, %sign3A_236 : i32
      %sign3A_238 = arith.extui %sign3A_237 : i1 to i32
      %sign3A_239 = arith.subi %sign3A_235, %sign3A_238 : i32
      %sign3A_240 = arith.constant 0 : i32
      %sign3A_241 = arith.cmpi sgt, %jit3A_231, %sign3A_240 : i32
      %sign3A_242 = arith.extui %sign3A_241 : i1 to i32
      %sign3A_243 = arith.constant 0 : i32
      %sign3A_244 = arith.cmpi slt, %jit3A_231, %sign3A_243 : i32
      %sign3A_245 = arith.extui %sign3A_244 : i1 to i32
      %sign3A_246 = arith.subi %sign3A_242, %sign3A_245 : i32
      %ne3A_247 = arith.cmpi ne, %sign3A_239, %sign3A_246 : i32
      %rem3A_248 = arith.remsi %add3A_82, %jit3A_231 : i32
      %ne3A_249 = arith.constant 0 : i32
      %ne3A_250 = arith.cmpi ne, %rem3A_248, %ne3A_249 : i32
      %and3A_251 = arith.andi %ne3A_247, %ne3A_250 : i1
      %sub3A_252 = arith.constant 1 : i32
      %sub3A_253 = arith.subi %div3A_232, %sub3A_252 : i32
      %select_n3A_254 = arith.select %and3A_251, %sub3A_253, %div3A_232 : i32
      %jit3A_255 = arith.constant 2 : i32
      %eq3A_256 = arith.constant 0 : i32
      %eq3A_257 = arith.cmpi eq, %jit3A_255, %eq3A_256 : i32
      %jit3A_258 = arith.constant 1 : i32
      %select_n3A_259 = arith.select %eq3A_257, %jit3A_258, %jit3A_255 : i32
      %rem3A_260 = arith.remsi %add3A_82, %select_n3A_259 : i32
      %ne3A_261 = arith.constant 0 : i32
      %ne3A_262 = arith.cmpi ne, %rem3A_260, %ne3A_261 : i32
      %lt3A_263 = arith.constant 0 : i32
      %lt3A_264 = arith.cmpi slt, %rem3A_260, %lt3A_263 : i32
      %lt3A_265 = arith.constant 0 : i32
      %lt3A_266 = arith.cmpi slt, %select_n3A_259, %lt3A_265 : i32
      %ne3A_267 = arith.xori %lt3A_264, %lt3A_266 : i1
      %and3A_268 = arith.andi %ne3A_267, %ne3A_262 : i1
      %add3A_269 = arith.addi %rem3A_260, %select_n3A_259 : i32
      %select_n3A_270 = arith.select %and3A_268, %add3A_269, %rem3A_260 : i32
      %mul3A_271 = arith.constant 64 : i32
      %mul3A_272 = arith.muli %select_n3A_270, %mul3A_271 : i32
      %add3A_273 = arith.addi %mul3A_2, %mul3A_272 : i32
      %dma_start3A_274 = arith.constant 0 : i32
      %dma_start3A_275 = tpu.memref_slice %arg8[%select_n3A_254, %add3A_273, %dma_start3A_274] : memref<50x4096x128xf32, #tpu.memory_space<hbm>> -> memref<1x64x128xf32, #tpu.memory_space<hbm>>
      %dma_start3A_276 = tpu.memref_squeeze %dma_start3A_275 : memref<1x64x128xf32, #tpu.memory_space<hbm>> -> memref<64x128xf32, #tpu.memory_space<hbm>>
      %dma_start3A_277 = arith.constant 0 : i32
      %dma_start3A_278 = tpu.memref_slice %arg8[%select_n3A_254, %add3A_273, %dma_start3A_277] : memref<50x4096x128xf32, #tpu.memory_space<hbm>> -> memref<1x64x128xf32, #tpu.memory_space<hbm>>
      %dma_start3A_279 = tpu.memref_squeeze %dma_start3A_278 : memref<1x64x128xf32, #tpu.memory_space<hbm>> -> memref<64x128xf32, #tpu.memory_space<hbm>>
      tpu.enqueue_dma source(%arg12 : memref<64x128xf32, #tpu.memory_space<vmem>>) target(%dma_start3A_279 : memref<64x128xf32, #tpu.memory_space<hbm>>) target_semaphore(%arg36 : memref<!tpu.dma_semaphore, #tpu.memory_space<semaphore_mem>>)
      %mul3A_280 = arith.constant 4 : i32
      %mul3A_281 = arith.muli %scan3A_78, %mul3A_280 : i32
      %add3A_282 = arith.constant 1 : i32
      %add3A_283 = arith.addi %mul3A_281, %add3A_282 : i32
      %jit3A_284 = arith.constant 2 : i32
      %div3A_285 = arith.divsi %add3A_283, %jit3A_284 : i32
      %sign3A_286 = arith.constant 0 : i32
      %sign3A_287 = arith.cmpi sgt, %add3A_283, %sign3A_286 : i32
      %sign3A_288 = arith.extui %sign3A_287 : i1 to i32
      %sign3A_289 = arith.constant 0 : i32
      %sign3A_290 = arith.cmpi slt, %add3A_283, %sign3A_289 : i32
      %sign3A_291 = arith.extui %sign3A_290 : i1 to i32
      %sign3A_292 = arith.subi %sign3A_288, %sign3A_291 : i32
      %sign3A_293 = arith.constant 0 : i32
      %sign3A_294 = arith.cmpi sgt, %jit3A_284, %sign3A_293 : i32
      %sign3A_295 = arith.extui %sign3A_294 : i1 to i32
      %sign3A_296 = arith.constant 0 : i32
      %sign3A_297 = arith.cmpi slt, %jit3A_284, %sign3A_296 : i32
      %sign3A_298 = arith.extui %sign3A_297 : i1 to i32
      %sign3A_299 = arith.subi %sign3A_295, %sign3A_298 : i32
      %ne3A_300 = arith.cmpi ne, %sign3A_292, %sign3A_299 : i32
      %rem3A_301 = arith.remsi %add3A_283, %jit3A_284 : i32
      %ne3A_302 = arith.constant 0 : i32
      %ne3A_303 = arith.cmpi ne, %rem3A_301, %ne3A_302 : i32
      %and3A_304 = arith.andi %ne3A_300, %ne3A_303 : i1
      %sub3A_305 = arith.constant 1 : i32
      %sub3A_306 = arith.subi %div3A_285, %sub3A_305 : i32
      %select_n3A_307 = arith.select %and3A_304, %sub3A_306, %div3A_285 : i32
      %jit3A_308 = arith.constant 2 : i32
      %eq3A_309 = arith.constant 0 : i32
      %eq3A_310 = arith.cmpi eq, %jit3A_308, %eq3A_309 : i32
      %jit3A_311 = arith.constant 1 : i32
      %select_n3A_312 = arith.select %eq3A_310, %jit3A_311, %jit3A_308 : i32
      %rem3A_313 = arith.remsi %add3A_283, %select_n3A_312 : i32
      %ne3A_314 = arith.constant 0 : i32
      %ne3A_315 = arith.cmpi ne, %rem3A_313, %ne3A_314 : i32
      %lt3A_316 = arith.constant 0 : i32
      %lt3A_317 = arith.cmpi slt, %rem3A_313, %lt3A_316 : i32
      %lt3A_318 = arith.constant 0 : i32
      %lt3A_319 = arith.cmpi slt, %select_n3A_312, %lt3A_318 : i32
      %ne3A_320 = arith.xori %lt3A_317, %lt3A_319 : i1
      %and3A_321 = arith.andi %ne3A_320, %ne3A_315 : i1
      %add3A_322 = arith.addi %rem3A_313, %select_n3A_312 : i32
      %select_n3A_323 = arith.select %and3A_321, %add3A_322, %rem3A_313 : i32
      %mul3A_324 = arith.constant 64 : i32
      %mul3A_325 = arith.muli %select_n3A_323, %mul3A_324 : i32
      %dma_wait3A_326 = tpu.memref_slice %arg9[%select_n3A_307, %mul3A_325] : memref<50x128xi32, #tpu.memory_space<vmem>> -> memref<1x64xi32, #tpu.memory_space<vmem>>
      %dma_wait3A_327 = tpu.memref_squeeze %dma_wait3A_326 : memref<1x64xi32, #tpu.memory_space<vmem>> -> memref<64xi32, #tpu.memory_space<vmem>>
      %dma_wait3A_328 = arith.constant 0 : i32
      %dma_wait3A_329 = arith.constant 0 : i32
      %dma_wait3A_330 = tpu.memref_slice %arg5[%dma_wait3A_328, %dma_wait3A_329] : memref<100000x128xf32, #tpu.memory_space<hbm>> -> memref<100000x128xf32, #tpu.memory_space<hbm>>
      tpu.wait_indirect_dma semaphore(%arg25 : memref<!tpu.dma_semaphore, #tpu.memory_space<semaphore_mem>>) src(%dma_wait3A_330 : memref<100000x128xf32, #tpu.memory_space<hbm>>) dst(%arg13 : memref<64x128xf32, #tpu.memory_space<vmem>>)
      %jit3A_331 = arith.constant 2 : i32
      %div3A_332 = arith.divsi %add3A_283, %jit3A_331 : i32
      %sign3A_333 = arith.constant 0 : i32
      %sign3A_334 = arith.cmpi sgt, %add3A_283, %sign3A_333 : i32
      %sign3A_335 = arith.extui %sign3A_334 : i1 to i32
      %sign3A_336 = arith.constant 0 : i32
      %sign3A_337 = arith.cmpi slt, %add3A_283, %sign3A_336 : i32
      %sign3A_338 = arith.extui %sign3A_337 : i1 to i32
      %sign3A_339 = arith.subi %sign3A_335, %sign3A_338 : i32
      %sign3A_340 = arith.constant 0 : i32
      %sign3A_341 = arith.cmpi sgt, %jit3A_331, %sign3A_340 : i32
      %sign3A_342 = arith.extui %sign3A_341 : i1 to i32
      %sign3A_343 = arith.constant 0 : i32
      %sign3A_344 = arith.cmpi slt, %jit3A_331, %sign3A_343 : i32
      %sign3A_345 = arith.extui %sign3A_344 : i1 to i32
      %sign3A_346 = arith.subi %sign3A_342, %sign3A_345 : i32
      %ne3A_347 = arith.cmpi ne, %sign3A_339, %sign3A_346 : i32
      %rem3A_348 = arith.remsi %add3A_283, %jit3A_331 : i32
      %ne3A_349 = arith.constant 0 : i32
      %ne3A_350 = arith.cmpi ne, %rem3A_348, %ne3A_349 : i32
      %and3A_351 = arith.andi %ne3A_347, %ne3A_350 : i1
      %sub3A_352 = arith.constant 1 : i32
      %sub3A_353 = arith.subi %div3A_332, %sub3A_352 : i32
      %select_n3A_354 = arith.select %and3A_351, %sub3A_353, %div3A_332 : i32
      %jit3A_355 = arith.constant 2 : i32
      %eq3A_356 = arith.constant 0 : i32
      %eq3A_357 = arith.cmpi eq, %jit3A_355, %eq3A_356 : i32
      %jit3A_358 = arith.constant 1 : i32
      %select_n3A_359 = arith.select %eq3A_357, %jit3A_358, %jit3A_355 : i32
      %rem3A_360 = arith.remsi %add3A_283, %select_n3A_359 : i32
      %ne3A_361 = arith.constant 0 : i32
      %ne3A_362 = arith.cmpi ne, %rem3A_360, %ne3A_361 : i32
      %lt3A_363 = arith.constant 0 : i32
      %lt3A_364 = arith.cmpi slt, %rem3A_360, %lt3A_363 : i32
      %lt3A_365 = arith.constant 0 : i32
      %lt3A_366 = arith.cmpi slt, %select_n3A_359, %lt3A_365 : i32
      %ne3A_367 = arith.xori %lt3A_364, %lt3A_366 : i1
      %and3A_368 = arith.andi %ne3A_367, %ne3A_362 : i1
      %add3A_369 = arith.addi %rem3A_360, %select_n3A_359 : i32
      %select_n3A_370 = arith.select %and3A_368, %add3A_369, %rem3A_360 : i32
      %mul3A_371 = arith.constant 64 : i32
      %mul3A_372 = arith.muli %select_n3A_370, %mul3A_371 : i32
      %dma_wait3A_373 = tpu.memref_slice %arg10[%select_n3A_354, %mul3A_372] : memref<50x128xi32, #tpu.memory_space<vmem>> -> memref<1x64xi32, #tpu.memory_space<vmem>>
      %dma_wait3A_374 = tpu.memref_squeeze %dma_wait3A_373 : memref<1x64xi32, #tpu.memory_space<vmem>> -> memref<64xi32, #tpu.memory_space<vmem>>
      %dma_wait3A_375 = arith.constant 0 : i32
      %dma_wait3A_376 = arith.constant 0 : i32
      %dma_wait3A_377 = tpu.memref_slice %arg6[%dma_wait3A_375, %dma_wait3A_376] : memref<10000x128xf32, #tpu.memory_space<hbm>> -> memref<10000x128xf32, #tpu.memory_space<hbm>>
      tpu.wait_indirect_dma semaphore(%arg29 : memref<!tpu.dma_semaphore, #tpu.memory_space<semaphore_mem>>) src(%dma_wait3A_377 : memref<10000x128xf32, #tpu.memory_space<hbm>>) dst(%arg17 : memref<64x128xf32, #tpu.memory_space<vmem>>)
      %jit3A_378 = arith.constant 2 : i32
      %div3A_379 = arith.divsi %add3A_283, %jit3A_378 : i32
      %sign3A_380 = arith.constant 0 : i32
      %sign3A_381 = arith.cmpi sgt, %add3A_283, %sign3A_380 : i32
      %sign3A_382 = arith.extui %sign3A_381 : i1 to i32
      %sign3A_383 = arith.constant 0 : i32
      %sign3A_384 = arith.cmpi slt, %add3A_283, %sign3A_383 : i32
      %sign3A_385 = arith.extui %sign3A_384 : i1 to i32
      %sign3A_386 = arith.subi %sign3A_382, %sign3A_385 : i32
      %sign3A_387 = arith.constant 0 : i32
      %sign3A_388 = arith.cmpi sgt, %jit3A_378, %sign3A_387 : i32
      %sign3A_389 = arith.extui %sign3A_388 : i1 to i32
      %sign3A_390 = arith.constant 0 : i32
      %sign3A_391 = arith.cmpi slt, %jit3A_378, %sign3A_390 : i32
      %sign3A_392 = arith.extui %sign3A_391 : i1 to i32
      %sign3A_393 = arith.subi %sign3A_389, %sign3A_392 : i32
      %ne3A_394 = arith.cmpi ne, %sign3A_386, %sign3A_393 : i32
      %rem3A_395 = arith.remsi %add3A_283, %jit3A_378 : i32
      %ne3A_396 = arith.constant 0 : i32
      %ne3A_397 = arith.cmpi ne, %rem3A_395, %ne3A_396 : i32
      %and3A_398 = arith.andi %ne3A_394, %ne3A_397 : i1
      %sub3A_399 = arith.constant 1 : i32
      %sub3A_400 = arith.subi %div3A_379, %sub3A_399 : i32
      %select_n3A_401 = arith.select %and3A_398, %sub3A_400, %div3A_379 : i32
      %jit3A_402 = arith.constant 2 : i32
      %eq3A_403 = arith.constant 0 : i32
      %eq3A_404 = arith.cmpi eq, %jit3A_402, %eq3A_403 : i32
      %jit3A_405 = arith.constant 1 : i32
      %select_n3A_406 = arith.select %eq3A_404, %jit3A_405, %jit3A_402 : i32
      %rem3A_407 = arith.remsi %add3A_283, %select_n3A_406 : i32
      %ne3A_408 = arith.constant 0 : i32
      %ne3A_409 = arith.cmpi ne, %rem3A_407, %ne3A_408 : i32
      %lt3A_410 = arith.constant 0 : i32
      %lt3A_411 = arith.cmpi slt, %rem3A_407, %lt3A_410 : i32
      %lt3A_412 = arith.constant 0 : i32
      %lt3A_413 = arith.cmpi slt, %select_n3A_406, %lt3A_412 : i32
      %ne3A_414 = arith.xori %lt3A_411, %lt3A_413 : i1
      %and3A_415 = arith.andi %ne3A_414, %ne3A_409 : i1
      %add3A_416 = arith.addi %rem3A_407, %select_n3A_406 : i32
      %select_n3A_417 = arith.select %and3A_415, %add3A_416, %rem3A_407 : i32
      %mul3A_418 = arith.constant 64 : i32
      %mul3A_419 = arith.muli %select_n3A_417, %mul3A_418 : i32
      %dma_wait3A_420 = tpu.memref_slice %arg11[%select_n3A_401, %mul3A_419] : memref<50x128xi32, #tpu.memory_space<vmem>> -> memref<1x64xi32, #tpu.memory_space<vmem>>
      %dma_wait3A_421 = tpu.memref_squeeze %dma_wait3A_420 : memref<1x64xi32, #tpu.memory_space<vmem>> -> memref<64xi32, #tpu.memory_space<vmem>>
      %dma_wait3A_422 = arith.constant 0 : i32
      %dma_wait3A_423 = arith.constant 0 : i32
      %dma_wait3A_424 = tpu.memref_slice %arg7[%dma_wait3A_422, %dma_wait3A_423] : memref<10000x128xf32, #tpu.memory_space<hbm>> -> memref<10000x128xf32, #tpu.memory_space<hbm>>
      tpu.wait_indirect_dma semaphore(%arg33 : memref<!tpu.dma_semaphore, #tpu.memory_space<semaphore_mem>>) src(%dma_wait3A_424 : memref<10000x128xf32, #tpu.memory_space<hbm>>) dst(%arg21 : memref<64x128xf32, #tpu.memory_space<vmem>>)
      %ge3A_425 = arith.constant 1 : i32
      %ge3A_426 = arith.cmpi sge, %add3A_283, %ge3A_425 : i32
      %convert_element_type3A_427 = arith.extui %ge3A_426 : i1 to i32
      %cond3A_428 = arith.constant 0 : i32
      %cond3A_429 = arith.cmpi ne, %convert_element_type3A_427, %cond3A_428 : i32
      scf.if %cond3A_429 {
        %sub3A_922 = arith.constant 1 : i32
        %sub3A_923 = arith.subi %add3A_283, %sub3A_922 : i32
        %jit3A_924 = arith.constant 2 : i32
        %div3A_925 = arith.divsi %sub3A_923, %jit3A_924 : i32
        %sign3A_926 = arith.constant 0 : i32
        %sign3A_927 = arith.cmpi sgt, %sub3A_923, %sign3A_926 : i32
        %sign3A_928 = arith.extui %sign3A_927 : i1 to i32
        %sign3A_929 = arith.constant 0 : i32
        %sign3A_930 = arith.cmpi slt, %sub3A_923, %sign3A_929 : i32
        %sign3A_931 = arith.extui %sign3A_930 : i1 to i32
        %sign3A_932 = arith.subi %sign3A_928, %sign3A_931 : i32
        %sign3A_933 = arith.constant 0 : i32
        %sign3A_934 = arith.cmpi sgt, %jit3A_924, %sign3A_933 : i32
        %sign3A_935 = arith.extui %sign3A_934 : i1 to i32
        %sign3A_936 = arith.constant 0 : i32
        %sign3A_937 = arith.cmpi slt, %jit3A_924, %sign3A_936 : i32
        %sign3A_938 = arith.extui %sign3A_937 : i1 to i32
        %sign3A_939 = arith.subi %sign3A_935, %sign3A_938 : i32
        %ne3A_940 = arith.cmpi ne, %sign3A_932, %sign3A_939 : i32
        %rem3A_941 = arith.remsi %sub3A_923, %jit3A_924 : i32
        %ne3A_942 = arith.constant 0 : i32
        %ne3A_943 = arith.cmpi ne, %rem3A_941, %ne3A_942 : i32
        %and3A_944 = arith.andi %ne3A_940, %ne3A_943 : i1
        %sub3A_945 = arith.constant 1 : i32
        %sub3A_946 = arith.subi %div3A_925, %sub3A_945 : i32
        %select_n3A_947 = arith.select %and3A_944, %sub3A_946, %div3A_925 : i32
        %jit3A_948 = arith.constant 2 : i32
        %eq3A_949 = arith.constant 0 : i32
        %eq3A_950 = arith.cmpi eq, %jit3A_948, %eq3A_949 : i32
        %jit3A_951 = arith.constant 1 : i32
        %select_n3A_952 = arith.select %eq3A_950, %jit3A_951, %jit3A_948 : i32
        %rem3A_953 = arith.remsi %sub3A_923, %select_n3A_952 : i32
        %ne3A_954 = arith.constant 0 : i32
        %ne3A_955 = arith.cmpi ne, %rem3A_953, %ne3A_954 : i32
        %lt3A_956 = arith.constant 0 : i32
        %lt3A_957 = arith.cmpi slt, %rem3A_953, %lt3A_956 : i32
        %lt3A_958 = arith.constant 0 : i32
        %lt3A_959 = arith.cmpi slt, %select_n3A_952, %lt3A_958 : i32
        %ne3A_960 = arith.xori %lt3A_957, %lt3A_959 : i1
        %and3A_961 = arith.andi %ne3A_960, %ne3A_955 : i1
        %add3A_962 = arith.addi %rem3A_953, %select_n3A_952 : i32
        %select_n3A_963 = arith.select %and3A_961, %add3A_962, %rem3A_953 : i32
        %mul3A_964 = arith.constant 64 : i32
        %mul3A_965 = arith.muli %select_n3A_963, %mul3A_964 : i32
        %add3A_966 = arith.addi %mul3A_2, %mul3A_965 : i32
        %dma_wait3A_967 = arith.constant 0 : i32
        %dma_wait3A_968 = tpu.memref_slice %arg8[%select_n3A_947, %add3A_966, %dma_wait3A_967] : memref<50x4096x128xf32, #tpu.memory_space<hbm>> -> memref<1x64x128xf32, #tpu.memory_space<hbm>>
        %dma_wait3A_969 = tpu.memref_squeeze %dma_wait3A_968 : memref<1x64x128xf32, #tpu.memory_space<hbm>> -> memref<64x128xf32, #tpu.memory_space<hbm>>
        %dma_wait3A_970 = arith.constant 0 : i32
        %dma_wait3A_971 = tpu.memref_slice %arg8[%select_n3A_947, %add3A_966, %dma_wait3A_970] : memref<50x4096x128xf32, #tpu.memory_space<hbm>> -> memref<1x64x128xf32, #tpu.memory_space<hbm>>
        %dma_wait3A_972 = tpu.memref_squeeze %dma_wait3A_971 : memref<1x64x128xf32, #tpu.memory_space<hbm>> -> memref<64x128xf32, #tpu.memory_space<hbm>>
        tpu.wait_dma2 semaphore(%arg36 : memref<!tpu.dma_semaphore, #tpu.memory_space<semaphore_mem>>) src(%arg12 : memref<64x128xf32, #tpu.memory_space<vmem>>) dst(%dma_wait3A_972 : memref<64x128xf32, #tpu.memory_space<hbm>>)
      } else {
      }
      %add3A_430 = arith.constant 4 : i32
      %add3A_431 = arith.addi %add3A_283, %add3A_430 : i32
      %sub3A_432 = arith.constant 1 : i32
      %sub3A_433 = arith.subi %add3A_431, %sub3A_432 : i32
      %lt3A_434 = arith.constant 100 : i32
      %lt3A_435 = arith.cmpi slt, %sub3A_433, %lt3A_434 : i32
      %convert_element_type3A_436 = arith.extui %lt3A_435 : i1 to i32
      %cond3A_437 = arith.constant 0 : i32
      %cond3A_438 = arith.cmpi ne, %convert_element_type3A_436, %cond3A_437 : i32
      scf.if %cond3A_438 {
        %add3A_922 = arith.constant 4 : i32
        %add3A_923 = arith.addi %add3A_283, %add3A_922 : i32
        %sub3A_924 = arith.constant 1 : i32
        %sub3A_925 = arith.subi %add3A_923, %sub3A_924 : i32
        %jit3A_926 = arith.constant 2 : i32
        %div3A_927 = arith.divsi %sub3A_925, %jit3A_926 : i32
        %sign3A_928 = arith.constant 0 : i32
        %sign3A_929 = arith.cmpi sgt, %sub3A_925, %sign3A_928 : i32
        %sign3A_930 = arith.extui %sign3A_929 : i1 to i32
        %sign3A_931 = arith.constant 0 : i32
        %sign3A_932 = arith.cmpi slt, %sub3A_925, %sign3A_931 : i32
        %sign3A_933 = arith.extui %sign3A_932 : i1 to i32
        %sign3A_934 = arith.subi %sign3A_930, %sign3A_933 : i32
        %sign3A_935 = arith.constant 0 : i32
        %sign3A_936 = arith.cmpi sgt, %jit3A_926, %sign3A_935 : i32
        %sign3A_937 = arith.extui %sign3A_936 : i1 to i32
        %sign3A_938 = arith.constant 0 : i32
        %sign3A_939 = arith.cmpi slt, %jit3A_926, %sign3A_938 : i32
        %sign3A_940 = arith.extui %sign3A_939 : i1 to i32
        %sign3A_941 = arith.subi %sign3A_937, %sign3A_940 : i32
        %ne3A_942 = arith.cmpi ne, %sign3A_934, %sign3A_941 : i32
        %rem3A_943 = arith.remsi %sub3A_925, %jit3A_926 : i32
        %ne3A_944 = arith.constant 0 : i32
        %ne3A_945 = arith.cmpi ne, %rem3A_943, %ne3A_944 : i32
        %and3A_946 = arith.andi %ne3A_942, %ne3A_945 : i1
        %sub3A_947 = arith.constant 1 : i32
        %sub3A_948 = arith.subi %div3A_927, %sub3A_947 : i32
        %select_n3A_949 = arith.select %and3A_946, %sub3A_948, %div3A_927 : i32
        %jit3A_950 = arith.constant 2 : i32
        %eq3A_951 = arith.constant 0 : i32
        %eq3A_952 = arith.cmpi eq, %jit3A_950, %eq3A_951 : i32
        %jit3A_953 = arith.constant 1 : i32
        %select_n3A_954 = arith.select %eq3A_952, %jit3A_953, %jit3A_950 : i32
        %rem3A_955 = arith.remsi %sub3A_925, %select_n3A_954 : i32
        %ne3A_956 = arith.constant 0 : i32
        %ne3A_957 = arith.cmpi ne, %rem3A_955, %ne3A_956 : i32
        %lt3A_958 = arith.constant 0 : i32
        %lt3A_959 = arith.cmpi slt, %rem3A_955, %lt3A_958 : i32
        %lt3A_960 = arith.constant 0 : i32
        %lt3A_961 = arith.cmpi slt, %select_n3A_954, %lt3A_960 : i32
        %ne3A_962 = arith.xori %lt3A_959, %lt3A_961 : i1
        %and3A_963 = arith.andi %ne3A_962, %ne3A_957 : i1
        %add3A_964 = arith.addi %rem3A_955, %select_n3A_954 : i32
        %select_n3A_965 = arith.select %and3A_963, %add3A_964, %rem3A_955 : i32
        %mul3A_966 = arith.constant 64 : i32
        %mul3A_967 = arith.muli %select_n3A_965, %mul3A_966 : i32
        %dma_start3A_968 = tpu.memref_slice %arg9[%select_n3A_949, %mul3A_967] : memref<50x128xi32, #tpu.memory_space<vmem>> -> memref<1x64xi32, #tpu.memory_space<vmem>>
        %dma_start3A_969 = tpu.memref_squeeze %dma_start3A_968 : memref<1x64xi32, #tpu.memory_space<vmem>> -> memref<64xi32, #tpu.memory_space<vmem>>
        %dma_start3A_970 = arith.constant 0 : i32
        %dma_start3A_971 = arith.constant 0 : i32
        %dma_start3A_972 = tpu.memref_slice %arg5[%dma_start3A_970, %dma_start3A_971] : memref<100000x128xf32, #tpu.memory_space<hbm>> -> memref<100000x128xf32, #tpu.memory_space<hbm>>
        tpu.enqueue_indirect_dma source(%dma_start3A_972 : memref<100000x128xf32, #tpu.memory_space<hbm>>) target(%arg12 : memref<64x128xf32, #tpu.memory_space<vmem>>) offsets(%dma_start3A_969 : memref<64xi32, #tpu.memory_space<vmem>>) semaphore(%arg24 : memref<!tpu.dma_semaphore, #tpu.memory_space<semaphore_mem>>)
        %jit3A_973 = arith.constant 2 : i32
        %div3A_974 = arith.divsi %sub3A_925, %jit3A_973 : i32
        %sign3A_975 = arith.constant 0 : i32
        %sign3A_976 = arith.cmpi sgt, %sub3A_925, %sign3A_975 : i32
        %sign3A_977 = arith.extui %sign3A_976 : i1 to i32
        %sign3A_978 = arith.constant 0 : i32
        %sign3A_979 = arith.cmpi slt, %sub3A_925, %sign3A_978 : i32
        %sign3A_980 = arith.extui %sign3A_979 : i1 to i32
        %sign3A_981 = arith.subi %sign3A_977, %sign3A_980 : i32
        %sign3A_982 = arith.constant 0 : i32
        %sign3A_983 = arith.cmpi sgt, %jit3A_973, %sign3A_982 : i32
        %sign3A_984 = arith.extui %sign3A_983 : i1 to i32
        %sign3A_985 = arith.constant 0 : i32
        %sign3A_986 = arith.cmpi slt, %jit3A_973, %sign3A_985 : i32
        %sign3A_987 = arith.extui %sign3A_986 : i1 to i32
        %sign3A_988 = arith.subi %sign3A_984, %sign3A_987 : i32
        %ne3A_989 = arith.cmpi ne, %sign3A_981, %sign3A_988 : i32
        %rem3A_990 = arith.remsi %sub3A_925, %jit3A_973 : i32
        %ne3A_991 = arith.constant 0 : i32
        %ne3A_992 = arith.cmpi ne, %rem3A_990, %ne3A_991 : i32
        %and3A_993 = arith.andi %ne3A_989, %ne3A_992 : i1
        %sub3A_994 = arith.constant 1 : i32
        %sub3A_995 = arith.subi %div3A_974, %sub3A_994 : i32
        %select_n3A_996 = arith.select %and3A_993, %sub3A_995, %div3A_974 : i32
        %jit3A_997 = arith.constant 2 : i32
        %eq3A_998 = arith.constant 0 : i32
        %eq3A_999 = arith.cmpi eq, %jit3A_997, %eq3A_998 : i32
        %jit3A_1000 = arith.constant 1 : i32
        %select_n3A_1001 = arith.select %eq3A_999, %jit3A_1000, %jit3A_997 : i32
        %rem3A_1002 = arith.remsi %sub3A_925, %select_n3A_1001 : i32
        %ne3A_1003 = arith.constant 0 : i32
        %ne3A_1004 = arith.cmpi ne, %rem3A_1002, %ne3A_1003 : i32
        %lt3A_1005 = arith.constant 0 : i32
        %lt3A_1006 = arith.cmpi slt, %rem3A_1002, %lt3A_1005 : i32
        %lt3A_1007 = arith.constant 0 : i32
        %lt3A_1008 = arith.cmpi slt, %select_n3A_1001, %lt3A_1007 : i32
        %ne3A_1009 = arith.xori %lt3A_1006, %lt3A_1008 : i1
        %and3A_1010 = arith.andi %ne3A_1009, %ne3A_1004 : i1
        %add3A_1011 = arith.addi %rem3A_1002, %select_n3A_1001 : i32
        %select_n3A_1012 = arith.select %and3A_1010, %add3A_1011, %rem3A_1002 : i32
        %mul3A_1013 = arith.constant 64 : i32
        %mul3A_1014 = arith.muli %select_n3A_1012, %mul3A_1013 : i32
        %dma_start3A_1015 = tpu.memref_slice %arg10[%select_n3A_996, %mul3A_1014] : memref<50x128xi32, #tpu.memory_space<vmem>> -> memref<1x64xi32, #tpu.memory_space<vmem>>
        %dma_start3A_1016 = tpu.memref_squeeze %dma_start3A_1015 : memref<1x64xi32, #tpu.memory_space<vmem>> -> memref<64xi32, #tpu.memory_space<vmem>>
        %dma_start3A_1017 = arith.constant 0 : i32
        %dma_start3A_1018 = arith.constant 0 : i32
        %dma_start3A_1019 = tpu.memref_slice %arg6[%dma_start3A_1017, %dma_start3A_1018] : memref<10000x128xf32, #tpu.memory_space<hbm>> -> memref<10000x128xf32, #tpu.memory_space<hbm>>
        tpu.enqueue_indirect_dma source(%dma_start3A_1019 : memref<10000x128xf32, #tpu.memory_space<hbm>>) target(%arg16 : memref<64x128xf32, #tpu.memory_space<vmem>>) offsets(%dma_start3A_1016 : memref<64xi32, #tpu.memory_space<vmem>>) semaphore(%arg28 : memref<!tpu.dma_semaphore, #tpu.memory_space<semaphore_mem>>)
        %jit3A_1020 = arith.constant 2 : i32
        %div3A_1021 = arith.divsi %sub3A_925, %jit3A_1020 : i32
        %sign3A_1022 = arith.constant 0 : i32
        %sign3A_1023 = arith.cmpi sgt, %sub3A_925, %sign3A_1022 : i32
        %sign3A_1024 = arith.extui %sign3A_1023 : i1 to i32
        %sign3A_1025 = arith.constant 0 : i32
        %sign3A_1026 = arith.cmpi slt, %sub3A_925, %sign3A_1025 : i32
        %sign3A_1027 = arith.extui %sign3A_1026 : i1 to i32
        %sign3A_1028 = arith.subi %sign3A_1024, %sign3A_1027 : i32
        %sign3A_1029 = arith.constant 0 : i32
        %sign3A_1030 = arith.cmpi sgt, %jit3A_1020, %sign3A_1029 : i32
        %sign3A_1031 = arith.extui %sign3A_1030 : i1 to i32
        %sign3A_1032 = arith.constant 0 : i32
        %sign3A_1033 = arith.cmpi slt, %jit3A_1020, %sign3A_1032 : i32
        %sign3A_1034 = arith.extui %sign3A_1033 : i1 to i32
        %sign3A_1035 = arith.subi %sign3A_1031, %sign3A_1034 : i32
        %ne3A_1036 = arith.cmpi ne, %sign3A_1028, %sign3A_1035 : i32
        %rem3A_1037 = arith.remsi %sub3A_925, %jit3A_1020 : i32
        %ne3A_1038 = arith.constant 0 : i32
        %ne3A_1039 = arith.cmpi ne, %rem3A_1037, %ne3A_1038 : i32
        %and3A_1040 = arith.andi %ne3A_1036, %ne3A_1039 : i1
        %sub3A_1041 = arith.constant 1 : i32
        %sub3A_1042 = arith.subi %div3A_1021, %sub3A_1041 : i32
        %select_n3A_1043 = arith.select %and3A_1040, %sub3A_1042, %div3A_1021 : i32
        %jit3A_1044 = arith.constant 2 : i32
        %eq3A_1045 = arith.constant 0 : i32
        %eq3A_1046 = arith.cmpi eq, %jit3A_1044, %eq3A_1045 : i32
        %jit3A_1047 = arith.constant 1 : i32
        %select_n3A_1048 = arith.select %eq3A_1046, %jit3A_1047, %jit3A_1044 : i32
        %rem3A_1049 = arith.remsi %sub3A_925, %select_n3A_1048 : i32
        %ne3A_1050 = arith.constant 0 : i32
        %ne3A_1051 = arith.cmpi ne, %rem3A_1049, %ne3A_1050 : i32
        %lt3A_1052 = arith.constant 0 : i32
        %lt3A_1053 = arith.cmpi slt, %rem3A_1049, %lt3A_1052 : i32
        %lt3A_1054 = arith.constant 0 : i32
        %lt3A_1055 = arith.cmpi slt, %select_n3A_1048, %lt3A_1054 : i32
        %ne3A_1056 = arith.xori %lt3A_1053, %lt3A_1055 : i1
        %and3A_1057 = arith.andi %ne3A_1056, %ne3A_1051 : i1
        %add3A_1058 = arith.addi %rem3A_1049, %select_n3A_1048 : i32
        %select_n3A_1059 = arith.select %and3A_1057, %add3A_1058, %rem3A_1049 : i32
        %mul3A_1060 = arith.constant 64 : i32
        %mul3A_1061 = arith.muli %select_n3A_1059, %mul3A_1060 : i32
        %dma_start3A_1062 = tpu.memref_slice %arg11[%select_n3A_1043, %mul3A_1061] : memref<50x128xi32, #tpu.memory_space<vmem>> -> memref<1x64xi32, #tpu.memory_space<vmem>>
        %dma_start3A_1063 = tpu.memref_squeeze %dma_start3A_1062 : memref<1x64xi32, #tpu.memory_space<vmem>> -> memref<64xi32, #tpu.memory_space<vmem>>
        %dma_start3A_1064 = arith.constant 0 : i32
        %dma_start3A_1065 = arith.constant 0 : i32
        %dma_start3A_1066 = tpu.memref_slice %arg7[%dma_start3A_1064, %dma_start3A_1065] : memref<10000x128xf32, #tpu.memory_space<hbm>> -> memref<10000x128xf32, #tpu.memory_space<hbm>>
        tpu.enqueue_indirect_dma source(%dma_start3A_1066 : memref<10000x128xf32, #tpu.memory_space<hbm>>) target(%arg20 : memref<64x128xf32, #tpu.memory_space<vmem>>) offsets(%dma_start3A_1063 : memref<64xi32, #tpu.memory_space<vmem>>) semaphore(%arg32 : memref<!tpu.dma_semaphore, #tpu.memory_space<semaphore_mem>>)
      } else {
      }
      %scan3A_439 = arith.constant 0 : i32
      %scan3A_440 = arith.constant 0 : i32
      %scan3A_441 = arith.constant 64 : i32
      %scan3A_442 = arith.addi %scan3A_440, %scan3A_441 : i32
      %scan3A_443 = arith.constant 2 : i32
      scf.for %scan3A_922 = %scan3A_440 to %scan3A_442 step %scan3A_443  : i32 {
        %get3A = arith.index_cast %scan3A_922 : i32 to index
        %get3A_923 = arith.constant 0 : index
        %get3A_924 = tpu.vector_load %arg17[%get3A, %get3A_923] {strides = array<i32>} : memref<64x128xf32, #tpu.memory_space<vmem>>, vector<1x16xf32>,
        %get3A_925 = vector.shape_cast %get3A_924 : vector<1x16xf32> to vector<16xf32>
        %get3A_926 = arith.index_cast %scan3A_922 : i32 to index
        %get3A_927 = arith.constant 0 : index
        %get3A_928 = tpu.vector_load %arg21[%get3A_926, %get3A_927] {strides = array<i32>} : memref<64x128xf32, #tpu.memory_space<vmem>>, vector<1x16xf32>,
        %get3A_929 = vector.shape_cast %get3A_928 : vector<1x16xf32> to vector<16xf32>
        %add3A_930 = arith.addf %get3A_925, %get3A_929 : vector<16xf32>
        %swap3A = arith.index_cast %scan3A_922 : i32 to index
        %swap3A_931 = arith.constant 0 : index
        %swap3A_932 = tpu.vector_load %arg13[%swap3A, %swap3A_931] {strides = array<i32>} : memref<64x128xf32, #tpu.memory_space<vmem>>, vector<1x16xf32>,
        %swap3A_933 = vector.shape_cast %swap3A_932 : vector<1x16xf32> to vector<16xf32>
        %swap3A_934 = vector.shape_cast %add3A_930 : vector<16xf32> to vector<1x16xf32>
        tpu.vector_store %arg13[%swap3A, %swap3A_931], %swap3A_934 {add = true, strides = array<i32>} : memref<64x128xf32, #tpu.memory_space<vmem>>, vector<1x16xf32>,
        %get3A_935 = arith.index_cast %scan3A_922 : i32 to index
        %get3A_936 = arith.constant 16 : index
        %get3A_937 = tpu.vector_load %arg17[%get3A_935, %get3A_936] {strides = array<i32>} : memref<64x128xf32, #tpu.memory_space<vmem>>, vector<1x16xf32>,
        %get3A_938 = vector.shape_cast %get3A_937 : vector<1x16xf32> to vector<16xf32>
        %get3A_939 = arith.index_cast %scan3A_922 : i32 to index
        %get3A_940 = arith.constant 16 : index
        %get3A_941 = tpu.vector_load %arg21[%get3A_939, %get3A_940] {strides = array<i32>} : memref<64x128xf32, #tpu.memory_space<vmem>>, vector<1x16xf32>,
        %get3A_942 = vector.shape_cast %get3A_941 : vector<1x16xf32> to vector<16xf32>
        %add3A_943 = arith.addf %get3A_938, %get3A_942 : vector<16xf32>
        %swap3A_944 = arith.index_cast %scan3A_922 : i32 to index
        %swap3A_945 = arith.constant 16 : index
        %swap3A_946 = tpu.vector_load %arg13[%swap3A_944, %swap3A_945] {strides = array<i32>} : memref<64x128xf32, #tpu.memory_space<vmem>>, vector<1x16xf32>,
        %swap3A_947 = vector.shape_cast %swap3A_946 : vector<1x16xf32> to vector<16xf32>
        %swap3A_948 = vector.shape_cast %add3A_943 : vector<16xf32> to vector<1x16xf32>
        tpu.vector_store %arg13[%swap3A_944, %swap3A_945], %swap3A_948 {add = true, strides = array<i32>} : memref<64x128xf32, #tpu.memory_space<vmem>>, vector<1x16xf32>,
        %get3A_949 = arith.index_cast %scan3A_922 : i32 to index
        %get3A_950 = arith.constant 32 : index
        %get3A_951 = tpu.vector_load %arg17[%get3A_949, %get3A_950] {strides = array<i32>} : memref<64x128xf32, #tpu.memory_space<vmem>>, vector<1x16xf32>,
        %get3A_952 = vector.shape_cast %get3A_951 : vector<1x16xf32> to vector<16xf32>
        %get3A_953 = arith.index_cast %scan3A_922 : i32 to index
        %get3A_954 = arith.constant 32 : index
        %get3A_955 = tpu.vector_load %arg21[%get3A_953, %get3A_954] {strides = array<i32>} : memref<64x128xf32, #tpu.memory_space<vmem>>, vector<1x16xf32>,
        %get3A_956 = vector.shape_cast %get3A_955 : vector<1x16xf32> to vector<16xf32>
        %add3A_957 = arith.addf %get3A_952, %get3A_956 : vector<16xf32>
        %swap3A_958 = arith.index_cast %scan3A_922 : i32 to index
        %swap3A_959 = arith.constant 32 : index
        %swap3A_960 = tpu.vector_load %arg13[%swap3A_958, %swap3A_959] {strides = array<i32>} : memref<64x128xf32, #tpu.memory_space<vmem>>, vector<1x16xf32>,
        %swap3A_961 = vector.shape_cast %swap3A_960 : vector<1x16xf32> to vector<16xf32>
        %swap3A_962 = vector.shape_cast %add3A_957 : vector<16xf32> to vector<1x16xf32>
        tpu.vector_store %arg13[%swap3A_958, %swap3A_959], %swap3A_962 {add = true, strides = array<i32>} : memref<64x128xf32, #tpu.memory_space<vmem>>, vector<1x16xf32>,
        %get3A_963 = arith.index_cast %scan3A_922 : i32 to index
        %get3A_964 = arith.constant 48 : index
        %get3A_965 = tpu.vector_load %arg17[%get3A_963, %get3A_964] {strides = array<i32>} : memref<64x128xf32, #tpu.memory_space<vmem>>, vector<1x16xf32>,
        %get3A_966 = vector.shape_cast %get3A_965 : vector<1x16xf32> to vector<16xf32>
        %get3A_967 = arith.index_cast %scan3A_922 : i32 to index
        %get3A_968 = arith.constant 48 : index
        %get3A_969 = tpu.vector_load %arg21[%get3A_967, %get3A_968] {strides = array<i32>} : memref<64x128xf32, #tpu.memory_space<vmem>>, vector<1x16xf32>,
        %get3A_970 = vector.shape_cast %get3A_969 : vector<1x16xf32> to vector<16xf32>
        %add3A_971 = arith.addf %get3A_966, %get3A_970 : vector<16xf32>
        %swap3A_972 = arith.index_cast %scan3A_922 : i32 to index
        %swap3A_973 = arith.constant 48 : index
        %swap3A_974 = tpu.vector_load %arg13[%swap3A_972, %swap3A_973] {strides = array<i32>} : memref<64x128xf32, #tpu.memory_space<vmem>>, vector<1x16xf32>,
        %swap3A_975 = vector.shape_cast %swap3A_974 : vector<1x16xf32> to vector<16xf32>
        %swap3A_976 = vector.shape_cast %add3A_971 : vector<16xf32> to vector<1x16xf32>
        tpu.vector_store %arg13[%swap3A_972, %swap3A_973], %swap3A_976 {add = true, strides = array<i32>} : memref<64x128xf32, #tpu.memory_space<vmem>>, vector<1x16xf32>,
        %get3A_977 = arith.index_cast %scan3A_922 : i32 to index
        %get3A_978 = arith.constant 64 : index
        %get3A_979 = tpu.vector_load %arg17[%get3A_977, %get3A_978] {strides = array<i32>} : memref<64x128xf32, #tpu.memory_space<vmem>>, vector<1x16xf32>,
        %get3A_980 = vector.shape_cast %get3A_979 : vector<1x16xf32> to vector<16xf32>
        %get3A_981 = arith.index_cast %scan3A_922 : i32 to index
        %get3A_982 = arith.constant 64 : index
        %get3A_983 = tpu.vector_load %arg21[%get3A_981, %get3A_982] {strides = array<i32>} : memref<64x128xf32, #tpu.memory_space<vmem>>, vector<1x16xf32>,
        %get3A_984 = vector.shape_cast %get3A_983 : vector<1x16xf32> to vector<16xf32>
        %add3A_985 = arith.addf %get3A_980, %get3A_984 : vector<16xf32>
        %swap3A_986 = arith.index_cast %scan3A_922 : i32 to index
        %swap3A_987 = arith.constant 64 : index
        %swap3A_988 = tpu.vector_load %arg13[%swap3A_986, %swap3A_987] {strides = array<i32>} : memref<64x128xf32, #tpu.memory_space<vmem>>, vector<1x16xf32>,
        %swap3A_989 = vector.shape_cast %swap3A_988 : vector<1x16xf32> to vector<16xf32>
        %swap3A_990 = vector.shape_cast %add3A_985 : vector<16xf32> to vector<1x16xf32>
        tpu.vector_store %arg13[%swap3A_986, %swap3A_987], %swap3A_990 {add = true, strides = array<i32>} : memref<64x128xf32, #tpu.memory_space<vmem>>, vector<1x16xf32>,
        %get3A_991 = arith.index_cast %scan3A_922 : i32 to index
        %get3A_992 = arith.constant 80 : index
        %get3A_993 = tpu.vector_load %arg17[%get3A_991, %get3A_992] {strides = array<i32>} : memref<64x128xf32, #tpu.memory_space<vmem>>, vector<1x16xf32>,
        %get3A_994 = vector.shape_cast %get3A_993 : vector<1x16xf32> to vector<16xf32>
        %get3A_995 = arith.index_cast %scan3A_922 : i32 to index
        %get3A_996 = arith.constant 80 : index
        %get3A_997 = tpu.vector_load %arg21[%get3A_995, %get3A_996] {strides = array<i32>} : memref<64x128xf32, #tpu.memory_space<vmem>>, vector<1x16xf32>,
        %get3A_998 = vector.shape_cast %get3A_997 : vector<1x16xf32> to vector<16xf32>
        %add3A_999 = arith.addf %get3A_994, %get3A_998 : vector<16xf32>
        %swap3A_1000 = arith.index_cast %scan3A_922 : i32 to index
        %swap3A_1001 = arith.constant 80 : index
        %swap3A_1002 = tpu.vector_load %arg13[%swap3A_1000, %swap3A_1001] {strides = array<i32>} : memref<64x128xf32, #tpu.memory_space<vmem>>, vector<1x16xf32>,
        %swap3A_1003 = vector.shape_cast %swap3A_1002 : vector<1x16xf32> to vector<16xf32>
        %swap3A_1004 = vector.shape_cast %add3A_999 : vector<16xf32> to vector<1x16xf32>
        tpu.vector_store %arg13[%swap3A_1000, %swap3A_1001], %swap3A_1004 {add = true, strides = array<i32>} : memref<64x128xf32, #tpu.memory_space<vmem>>, vector<1x16xf32>,
        %get3A_1005 = arith.index_cast %scan3A_922 : i32 to index
        %get3A_1006 = arith.constant 96 : index
        %get3A_1007 = tpu.vector_load %arg17[%get3A_1005, %get3A_1006] {strides = array<i32>} : memref<64x128xf32, #tpu.memory_space<vmem>>, vector<1x16xf32>,
        %get3A_1008 = vector.shape_cast %get3A_1007 : vector<1x16xf32> to vector<16xf32>
        %get3A_1009 = arith.index_cast %scan3A_922 : i32 to index
        %get3A_1010 = arith.constant 96 : index
        %get3A_1011 = tpu.vector_load %arg21[%get3A_1009, %get3A_1010] {strides = array<i32>} : memref<64x128xf32, #tpu.memory_space<vmem>>, vector<1x16xf32>,
        %get3A_1012 = vector.shape_cast %get3A_1011 : vector<1x16xf32> to vector<16xf32>
        %add3A_1013 = arith.addf %get3A_1008, %get3A_1012 : vector<16xf32>
        %swap3A_1014 = arith.index_cast %scan3A_922 : i32 to index
        %swap3A_1015 = arith.constant 96 : index
        %swap3A_1016 = tpu.vector_load %arg13[%swap3A_1014, %swap3A_1015] {strides = array<i32>} : memref<64x128xf32, #tpu.memory_space<vmem>>, vector<1x16xf32>,
        %swap3A_1017 = vector.shape_cast %swap3A_1016 : vector<1x16xf32> to vector<16xf32>
        %swap3A_1018 = vector.shape_cast %add3A_1013 : vector<16xf32> to vector<1x16xf32>
        tpu.vector_store %arg13[%swap3A_1014, %swap3A_1015], %swap3A_1018 {add = true, strides = array<i32>} : memref<64x128xf32, #tpu.memory_space<vmem>>, vector<1x16xf32>,
        %get3A_1019 = arith.index_cast %scan3A_922 : i32 to index
        %get3A_1020 = arith.constant 112 : index
        %get3A_1021 = tpu.vector_load %arg17[%get3A_1019, %get3A_1020] {strides = array<i32>} : memref<64x128xf32, #tpu.memory_space<vmem>>, vector<1x16xf32>,
        %get3A_1022 = vector.shape_cast %get3A_1021 : vector<1x16xf32> to vector<16xf32>
        %get3A_1023 = arith.index_cast %scan3A_922 : i32 to index
        %get3A_1024 = arith.constant 112 : index
        %get3A_1025 = tpu.vector_load %arg21[%get3A_1023, %get3A_1024] {strides = array<i32>} : memref<64x128xf32, #tpu.memory_space<vmem>>, vector<1x16xf32>,
        %get3A_1026 = vector.shape_cast %get3A_1025 : vector<1x16xf32> to vector<16xf32>
        %add3A_1027 = arith.addf %get3A_1022, %get3A_1026 : vector<16xf32>
        %swap3A_1028 = arith.index_cast %scan3A_922 : i32 to index
        %swap3A_1029 = arith.constant 112 : index
        %swap3A_1030 = tpu.vector_load %arg13[%swap3A_1028, %swap3A_1029] {strides = array<i32>} : memref<64x128xf32, #tpu.memory_space<vmem>>, vector<1x16xf32>,
        %swap3A_1031 = vector.shape_cast %swap3A_1030 : vector<1x16xf32> to vector<16xf32>
        %swap3A_1032 = vector.shape_cast %add3A_1027 : vector<16xf32> to vector<1x16xf32>
        tpu.vector_store %arg13[%swap3A_1028, %swap3A_1029], %swap3A_1032 {add = true, strides = array<i32>} : memref<64x128xf32, #tpu.memory_space<vmem>>, vector<1x16xf32>,
        %scan3A_1033 = arith.constant 1 : i32
        %scan3A_1034 = arith.addi %scan3A_922, %scan3A_1033 : i32
        %get3A_1035 = arith.index_cast %scan3A_1034 : i32 to index
        %get3A_1036 = arith.constant 0 : index
        %get3A_1037 = tpu.vector_load %arg17[%get3A_1035, %get3A_1036] {strides = array<i32>} : memref<64x128xf32, #tpu.memory_space<vmem>>, vector<1x16xf32>,
        %get3A_1038 = vector.shape_cast %get3A_1037 : vector<1x16xf32> to vector<16xf32>
        %get3A_1039 = arith.index_cast %scan3A_1034 : i32 to index
        %get3A_1040 = arith.constant 0 : index
        %get3A_1041 = tpu.vector_load %arg21[%get3A_1039, %get3A_1040] {strides = array<i32>} : memref<64x128xf32, #tpu.memory_space<vmem>>, vector<1x16xf32>,
        %get3A_1042 = vector.shape_cast %get3A_1041 : vector<1x16xf32> to vector<16xf32>
        %add3A_1043 = arith.addf %get3A_1038, %get3A_1042 : vector<16xf32>
        %swap3A_1044 = arith.index_cast %scan3A_1034 : i32 to index
        %swap3A_1045 = arith.constant 0 : index
        %swap3A_1046 = tpu.vector_load %arg13[%swap3A_1044, %swap3A_1045] {strides = array<i32>} : memref<64x128xf32, #tpu.memory_space<vmem>>, vector<1x16xf32>,
        %swap3A_1047 = vector.shape_cast %swap3A_1046 : vector<1x16xf32> to vector<16xf32>
        %swap3A_1048 = vector.shape_cast %add3A_1043 : vector<16xf32> to vector<1x16xf32>
        tpu.vector_store %arg13[%swap3A_1044, %swap3A_1045], %swap3A_1048 {add = true, strides = array<i32>} : memref<64x128xf32, #tpu.memory_space<vmem>>, vector<1x16xf32>,
        %get3A_1049 = arith.index_cast %scan3A_1034 : i32 to index
        %get3A_1050 = arith.constant 16 : index
        %get3A_1051 = tpu.vector_load %arg17[%get3A_1049, %get3A_1050] {strides = array<i32>} : memref<64x128xf32, #tpu.memory_space<vmem>>, vector<1x16xf32>,
        %get3A_1052 = vector.shape_cast %get3A_1051 : vector<1x16xf32> to vector<16xf32>
        %get3A_1053 = arith.index_cast %scan3A_1034 : i32 to index
        %get3A_1054 = arith.constant 16 : index
        %get3A_1055 = tpu.vector_load %arg21[%get3A_1053, %get3A_1054] {strides = array<i32>} : memref<64x128xf32, #tpu.memory_space<vmem>>, vector<1x16xf32>,
        %get3A_1056 = vector.shape_cast %get3A_1055 : vector<1x16xf32> to vector<16xf32>
        %add3A_1057 = arith.addf %get3A_1052, %get3A_1056 : vector<16xf32>
        %swap3A_1058 = arith.index_cast %scan3A_1034 : i32 to index
        %swap3A_1059 = arith.constant 16 : index
        %swap3A_1060 = tpu.vector_load %arg13[%swap3A_1058, %swap3A_1059] {strides = array<i32>} : memref<64x128xf32, #tpu.memory_space<vmem>>, vector<1x16xf32>,
        %swap3A_1061 = vector.shape_cast %swap3A_1060 : vector<1x16xf32> to vector<16xf32>
        %swap3A_1062 = vector.shape_cast %add3A_1057 : vector<16xf32> to vector<1x16xf32>
        tpu.vector_store %arg13[%swap3A_1058, %swap3A_1059], %swap3A_1062 {add = true, strides = array<i32>} : memref<64x128xf32, #tpu.memory_space<vmem>>, vector<1x16xf32>,
        %get3A_1063 = arith.index_cast %scan3A_1034 : i32 to index
        %get3A_1064 = arith.constant 32 : index
        %get3A_1065 = tpu.vector_load %arg17[%get3A_1063, %get3A_1064] {strides = array<i32>} : memref<64x128xf32, #tpu.memory_space<vmem>>, vector<1x16xf32>,
        %get3A_1066 = vector.shape_cast %get3A_1065 : vector<1x16xf32> to vector<16xf32>
        %get3A_1067 = arith.index_cast %scan3A_1034 : i32 to index
        %get3A_1068 = arith.constant 32 : index
        %get3A_1069 = tpu.vector_load %arg21[%get3A_1067, %get3A_1068] {strides = array<i32>} : memref<64x128xf32, #tpu.memory_space<vmem>>, vector<1x16xf32>,
        %get3A_1070 = vector.shape_cast %get3A_1069 : vector<1x16xf32> to vector<16xf32>
        %add3A_1071 = arith.addf %get3A_1066, %get3A_1070 : vector<16xf32>
        %swap3A_1072 = arith.index_cast %scan3A_1034 : i32 to index
        %swap3A_1073 = arith.constant 32 : index
        %swap3A_1074 = tpu.vector_load %arg13[%swap3A_1072, %swap3A_1073] {strides = array<i32>} : memref<64x128xf32, #tpu.memory_space<vmem>>, vector<1x16xf32>,
        %swap3A_1075 = vector.shape_cast %swap3A_1074 : vector<1x16xf32> to vector<16xf32>
        %swap3A_1076 = vector.shape_cast %add3A_1071 : vector<16xf32> to vector<1x16xf32>
        tpu.vector_store %arg13[%swap3A_1072, %swap3A_1073], %swap3A_1076 {add = true, strides = array<i32>} : memref<64x128xf32, #tpu.memory_space<vmem>>, vector<1x16xf32>,
        %get3A_1077 = arith.index_cast %scan3A_1034 : i32 to index
        %get3A_1078 = arith.constant 48 : index
        %get3A_1079 = tpu.vector_load %arg17[%get3A_1077, %get3A_1078] {strides = array<i32>} : memref<64x128xf32, #tpu.memory_space<vmem>>, vector<1x16xf32>,
        %get3A_1080 = vector.shape_cast %get3A_1079 : vector<1x16xf32> to vector<16xf32>
        %get3A_1081 = arith.index_cast %scan3A_1034 : i32 to index
        %get3A_1082 = arith.constant 48 : index
        %get3A_1083 = tpu.vector_load %arg21[%get3A_1081, %get3A_1082] {strides = array<i32>} : memref<64x128xf32, #tpu.memory_space<vmem>>, vector<1x16xf32>,
        %get3A_1084 = vector.shape_cast %get3A_1083 : vector<1x16xf32> to vector<16xf32>
        %add3A_1085 = arith.addf %get3A_1080, %get3A_1084 : vector<16xf32>
        %swap3A_1086 = arith.index_cast %scan3A_1034 : i32 to index
        %swap3A_1087 = arith.constant 48 : index
        %swap3A_1088 = tpu.vector_load %arg13[%swap3A_1086, %swap3A_1087] {strides = array<i32>} : memref<64x128xf32, #tpu.memory_space<vmem>>, vector<1x16xf32>,
        %swap3A_1089 = vector.shape_cast %swap3A_1088 : vector<1x16xf32> to vector<16xf32>
        %swap3A_1090 = vector.shape_cast %add3A_1085 : vector<16xf32> to vector<1x16xf32>
        tpu.vector_store %arg13[%swap3A_1086, %swap3A_1087], %swap3A_1090 {add = true, strides = array<i32>} : memref<64x128xf32, #tpu.memory_space<vmem>>, vector<1x16xf32>,
        %get3A_1091 = arith.index_cast %scan3A_1034 : i32 to index
        %get3A_1092 = arith.constant 64 : index
        %get3A_1093 = tpu.vector_load %arg17[%get3A_1091, %get3A_1092] {strides = array<i32>} : memref<64x128xf32, #tpu.memory_space<vmem>>, vector<1x16xf32>,
        %get3A_1094 = vector.shape_cast %get3A_1093 : vector<1x16xf32> to vector<16xf32>
        %get3A_1095 = arith.index_cast %scan3A_1034 : i32 to index
        %get3A_1096 = arith.constant 64 : index
        %get3A_1097 = tpu.vector_load %arg21[%get3A_1095, %get3A_1096] {strides = array<i32>} : memref<64x128xf32, #tpu.memory_space<vmem>>, vector<1x16xf32>,
        %get3A_1098 = vector.shape_cast %get3A_1097 : vector<1x16xf32> to vector<16xf32>
        %add3A_1099 = arith.addf %get3A_1094, %get3A_1098 : vector<16xf32>
        %swap3A_1100 = arith.index_cast %scan3A_1034 : i32 to index
        %swap3A_1101 = arith.constant 64 : index
        %swap3A_1102 = tpu.vector_load %arg13[%swap3A_1100, %swap3A_1101] {strides = array<i32>} : memref<64x128xf32, #tpu.memory_space<vmem>>, vector<1x16xf32>,
        %swap3A_1103 = vector.shape_cast %swap3A_1102 : vector<1x16xf32> to vector<16xf32>
        %swap3A_1104 = vector.shape_cast %add3A_1099 : vector<16xf32> to vector<1x16xf32>
        tpu.vector_store %arg13[%swap3A_1100, %swap3A_1101], %swap3A_1104 {add = true, strides = array<i32>} : memref<64x128xf32, #tpu.memory_space<vmem>>, vector<1x16xf32>,
        %get3A_1105 = arith.index_cast %scan3A_1034 : i32 to index
        %get3A_1106 = arith.constant 80 : index
        %get3A_1107 = tpu.vector_load %arg17[%get3A_1105, %get3A_1106] {strides = array<i32>} : memref<64x128xf32, #tpu.memory_space<vmem>>, vector<1x16xf32>,
        %get3A_1108 = vector.shape_cast %get3A_1107 : vector<1x16xf32> to vector<16xf32>
        %get3A_1109 = arith.index_cast %scan3A_1034 : i32 to index
        %get3A_1110 = arith.constant 80 : index
        %get3A_1111 = tpu.vector_load %arg21[%get3A_1109, %get3A_1110] {strides = array<i32>} : memref<64x128xf32, #tpu.memory_space<vmem>>, vector<1x16xf32>,
        %get3A_1112 = vector.shape_cast %get3A_1111 : vector<1x16xf32> to vector<16xf32>
        %add3A_1113 = arith.addf %get3A_1108, %get3A_1112 : vector<16xf32>
        %swap3A_1114 = arith.index_cast %scan3A_1034 : i32 to index
        %swap3A_1115 = arith.constant 80 : index
        %swap3A_1116 = tpu.vector_load %arg13[%swap3A_1114, %swap3A_1115] {strides = array<i32>} : memref<64x128xf32, #tpu.memory_space<vmem>>, vector<1x16xf32>,
        %swap3A_1117 = vector.shape_cast %swap3A_1116 : vector<1x16xf32> to vector<16xf32>
        %swap3A_1118 = vector.shape_cast %add3A_1113 : vector<16xf32> to vector<1x16xf32>
        tpu.vector_store %arg13[%swap3A_1114, %swap3A_1115], %swap3A_1118 {add = true, strides = array<i32>} : memref<64x128xf32, #tpu.memory_space<vmem>>, vector<1x16xf32>,
        %get3A_1119 = arith.index_cast %scan3A_1034 : i32 to index
        %get3A_1120 = arith.constant 96 : index
        %get3A_1121 = tpu.vector_load %arg17[%get3A_1119, %get3A_1120] {strides = array<i32>} : memref<64x128xf32, #tpu.memory_space<vmem>>, vector<1x16xf32>,
        %get3A_1122 = vector.shape_cast %get3A_1121 : vector<1x16xf32> to vector<16xf32>
        %get3A_1123 = arith.index_cast %scan3A_1034 : i32 to index
        %get3A_1124 = arith.constant 96 : index
        %get3A_1125 = tpu.vector_load %arg21[%get3A_1123, %get3A_1124] {strides = array<i32>} : memref<64x128xf32, #tpu.memory_space<vmem>>, vector<1x16xf32>,
        %get3A_1126 = vector.shape_cast %get3A_1125 : vector<1x16xf32> to vector<16xf32>
        %add3A_1127 = arith.addf %get3A_1122, %get3A_1126 : vector<16xf32>
        %swap3A_1128 = arith.index_cast %scan3A_1034 : i32 to index
        %swap3A_1129 = arith.constant 96 : index
        %swap3A_1130 = tpu.vector_load %arg13[%swap3A_1128, %swap3A_1129] {strides = array<i32>} : memref<64x128xf32, #tpu.memory_space<vmem>>, vector<1x16xf32>,
        %swap3A_1131 = vector.shape_cast %swap3A_1130 : vector<1x16xf32> to vector<16xf32>
        %swap3A_1132 = vector.shape_cast %add3A_1127 : vector<16xf32> to vector<1x16xf32>
        tpu.vector_store %arg13[%swap3A_1128, %swap3A_1129], %swap3A_1132 {add = true, strides = array<i32>} : memref<64x128xf32, #tpu.memory_space<vmem>>, vector<1x16xf32>,
        %get3A_1133 = arith.index_cast %scan3A_1034 : i32 to index
        %get3A_1134 = arith.constant 112 : index
        %get3A_1135 = tpu.vector_load %arg17[%get3A_1133, %get3A_1134] {strides = array<i32>} : memref<64x128xf32, #tpu.memory_space<vmem>>, vector<1x16xf32>,
        %get3A_1136 = vector.shape_cast %get3A_1135 : vector<1x16xf32> to vector<16xf32>
        %get3A_1137 = arith.index_cast %scan3A_1034 : i32 to index
        %get3A_1138 = arith.constant 112 : index
        %get3A_1139 = tpu.vector_load %arg21[%get3A_1137, %get3A_1138] {strides = array<i32>} : memref<64x128xf32, #tpu.memory_space<vmem>>, vector<1x16xf32>,
        %get3A_1140 = vector.shape_cast %get3A_1139 : vector<1x16xf32> to vector<16xf32>
        %add3A_1141 = arith.addf %get3A_1136, %get3A_1140 : vector<16xf32>
        %swap3A_1142 = arith.index_cast %scan3A_1034 : i32 to index
        %swap3A_1143 = arith.constant 112 : index
        %swap3A_1144 = tpu.vector_load %arg13[%swap3A_1142, %swap3A_1143] {strides = array<i32>} : memref<64x128xf32, #tpu.memory_space<vmem>>, vector<1x16xf32>,
        %swap3A_1145 = vector.shape_cast %swap3A_1144 : vector<1x16xf32> to vector<16xf32>
        %swap3A_1146 = vector.shape_cast %add3A_1141 : vector<16xf32> to vector<1x16xf32>
        tpu.vector_store %arg13[%swap3A_1142, %swap3A_1143], %swap3A_1146 {add = true, strides = array<i32>} : memref<64x128xf32, #tpu.memory_space<vmem>>, vector<1x16xf32>,
      }
      %scan3A_444 = arith.constant 64 : i32
      %jit3A_445 = arith.constant 2 : i32
      %div3A_446 = arith.divsi %add3A_283, %jit3A_445 : i32
      %sign3A_447 = arith.constant 0 : i32
      %sign3A_448 = arith.cmpi sgt, %add3A_283, %sign3A_447 : i32
      %sign3A_449 = arith.extui %sign3A_448 : i1 to i32
      %sign3A_450 = arith.constant 0 : i32
      %sign3A_451 = arith.cmpi slt, %add3A_283, %sign3A_450 : i32
      %sign3A_452 = arith.extui %sign3A_451 : i1 to i32
      %sign3A_453 = arith.subi %sign3A_449, %sign3A_452 : i32
      %sign3A_454 = arith.constant 0 : i32
      %sign3A_455 = arith.cmpi sgt, %jit3A_445, %sign3A_454 : i32
      %sign3A_456 = arith.extui %sign3A_455 : i1 to i32
      %sign3A_457 = arith.constant 0 : i32
      %sign3A_458 = arith.cmpi slt, %jit3A_445, %sign3A_457 : i32
      %sign3A_459 = arith.extui %sign3A_458 : i1 to i32
      %sign3A_460 = arith.subi %sign3A_456, %sign3A_459 : i32
      %ne3A_461 = arith.cmpi ne, %sign3A_453, %sign3A_460 : i32
      %rem3A_462 = arith.remsi %add3A_283, %jit3A_445 : i32
      %ne3A_463 = arith.constant 0 : i32
      %ne3A_464 = arith.cmpi ne, %rem3A_462, %ne3A_463 : i32
      %and3A_465 = arith.andi %ne3A_461, %ne3A_464 : i1
      %sub3A_466 = arith.constant 1 : i32
      %sub3A_467 = arith.subi %div3A_446, %sub3A_466 : i32
      %select_n3A_468 = arith.select %and3A_465, %sub3A_467, %div3A_446 : i32
      %jit3A_469 = arith.constant 2 : i32
      %eq3A_470 = arith.constant 0 : i32
      %eq3A_471 = arith.cmpi eq, %jit3A_469, %eq3A_470 : i32
      %jit3A_472 = arith.constant 1 : i32
      %select_n3A_473 = arith.select %eq3A_471, %jit3A_472, %jit3A_469 : i32
      %rem3A_474 = arith.remsi %add3A_283, %select_n3A_473 : i32
      %ne3A_475 = arith.constant 0 : i32
      %ne3A_476 = arith.cmpi ne, %rem3A_474, %ne3A_475 : i32
      %lt3A_477 = arith.constant 0 : i32
      %lt3A_478 = arith.cmpi slt, %rem3A_474, %lt3A_477 : i32
      %lt3A_479 = arith.constant 0 : i32
      %lt3A_480 = arith.cmpi slt, %select_n3A_473, %lt3A_479 : i32
      %ne3A_481 = arith.xori %lt3A_478, %lt3A_480 : i1
      %and3A_482 = arith.andi %ne3A_481, %ne3A_476 : i1
      %add3A_483 = arith.addi %rem3A_474, %select_n3A_473 : i32
      %select_n3A_484 = arith.select %and3A_482, %add3A_483, %rem3A_474 : i32
      %mul3A_485 = arith.constant 64 : i32
      %mul3A_486 = arith.muli %select_n3A_484, %mul3A_485 : i32
      %add3A_487 = arith.addi %mul3A_2, %mul3A_486 : i32
      %dma_start3A_488 = arith.constant 0 : i32
      %dma_start3A_489 = tpu.memref_slice %arg8[%select_n3A_468, %add3A_487, %dma_start3A_488] : memref<50x4096x128xf32, #tpu.memory_space<hbm>> -> memref<1x64x128xf32, #tpu.memory_space<hbm>>
      %dma_start3A_490 = tpu.memref_squeeze %dma_start3A_489 : memref<1x64x128xf32, #tpu.memory_space<hbm>> -> memref<64x128xf32, #tpu.memory_space<hbm>>
      %dma_start3A_491 = arith.constant 0 : i32
      %dma_start3A_492 = tpu.memref_slice %arg8[%select_n3A_468, %add3A_487, %dma_start3A_491] : memref<50x4096x128xf32, #tpu.memory_space<hbm>> -> memref<1x64x128xf32, #tpu.memory_space<hbm>>
      %dma_start3A_493 = tpu.memref_squeeze %dma_start3A_492 : memref<1x64x128xf32, #tpu.memory_space<hbm>> -> memref<64x128xf32, #tpu.memory_space<hbm>>
      tpu.enqueue_dma source(%arg13 : memref<64x128xf32, #tpu.memory_space<vmem>>) target(%dma_start3A_493 : memref<64x128xf32, #tpu.memory_space<hbm>>) target_semaphore(%arg37 : memref<!tpu.dma_semaphore, #tpu.memory_space<semaphore_mem>>)
      %mul3A_494 = arith.constant 4 : i32
      %mul3A_495 = arith.muli %scan3A_78, %mul3A_494 : i32
      %add3A_496 = arith.constant 2 : i32
      %add3A_497 = arith.addi %mul3A_495, %add3A_496 : i32
      %jit3A_498 = arith.constant 2 : i32
      %div3A_499 = arith.divsi %add3A_497, %jit3A_498 : i32
      %sign3A_500 = arith.constant 0 : i32
      %sign3A_501 = arith.cmpi sgt, %add3A_497, %sign3A_500 : i32
      %sign3A_502 = arith.extui %sign3A_501 : i1 to i32
      %sign3A_503 = arith.constant 0 : i32
      %sign3A_504 = arith.cmpi slt, %add3A_497, %sign3A_503 : i32
      %sign3A_505 = arith.extui %sign3A_504 : i1 to i32
      %sign3A_506 = arith.subi %sign3A_502, %sign3A_505 : i32
      %sign3A_507 = arith.constant 0 : i32
      %sign3A_508 = arith.cmpi sgt, %jit3A_498, %sign3A_507 : i32
      %sign3A_509 = arith.extui %sign3A_508 : i1 to i32
      %sign3A_510 = arith.constant 0 : i32
      %sign3A_511 = arith.cmpi slt, %jit3A_498, %sign3A_510 : i32
      %sign3A_512 = arith.extui %sign3A_511 : i1 to i32
      %sign3A_513 = arith.subi %sign3A_509, %sign3A_512 : i32
      %ne3A_514 = arith.cmpi ne, %sign3A_506, %sign3A_513 : i32
      %rem3A_515 = arith.remsi %add3A_497, %jit3A_498 : i32
      %ne3A_516 = arith.constant 0 : i32
      %ne3A_517 = arith.cmpi ne, %rem3A_515, %ne3A_516 : i32
      %and3A_518 = arith.andi %ne3A_514, %ne3A_517 : i1
      %sub3A_519 = arith.constant 1 : i32
      %sub3A_520 = arith.subi %div3A_499, %sub3A_519 : i32
      %select_n3A_521 = arith.select %and3A_518, %sub3A_520, %div3A_499 : i32
      %jit3A_522 = arith.constant 2 : i32
      %eq3A_523 = arith.constant 0 : i32
      %eq3A_524 = arith.cmpi eq, %jit3A_522, %eq3A_523 : i32
      %jit3A_525 = arith.constant 1 : i32
      %select_n3A_526 = arith.select %eq3A_524, %jit3A_525, %jit3A_522 : i32
      %rem3A_527 = arith.remsi %add3A_497, %select_n3A_526 : i32
      %ne3A_528 = arith.constant 0 : i32
      %ne3A_529 = arith.cmpi ne, %rem3A_527, %ne3A_528 : i32
      %lt3A_530 = arith.constant 0 : i32
      %lt3A_531 = arith.cmpi slt, %rem3A_527, %lt3A_530 : i32
      %lt3A_532 = arith.constant 0 : i32
      %lt3A_533 = arith.cmpi slt, %select_n3A_526, %lt3A_532 : i32
      %ne3A_534 = arith.xori %lt3A_531, %lt3A_533 : i1
      %and3A_535 = arith.andi %ne3A_534, %ne3A_529 : i1
      %add3A_536 = arith.addi %rem3A_527, %select_n3A_526 : i32
      %select_n3A_537 = arith.select %and3A_535, %add3A_536, %rem3A_527 : i32
      %mul3A_538 = arith.constant 64 : i32
      %mul3A_539 = arith.muli %select_n3A_537, %mul3A_538 : i32
      %dma_wait3A_540 = tpu.memref_slice %arg9[%select_n3A_521, %mul3A_539] : memref<50x128xi32, #tpu.memory_space<vmem>> -> memref<1x64xi32, #tpu.memory_space<vmem>>
      %dma_wait3A_541 = tpu.memref_squeeze %dma_wait3A_540 : memref<1x64xi32, #tpu.memory_space<vmem>> -> memref<64xi32, #tpu.memory_space<vmem>>
      %dma_wait3A_542 = arith.constant 0 : i32
      %dma_wait3A_543 = arith.constant 0 : i32
      %dma_wait3A_544 = tpu.memref_slice %arg5[%dma_wait3A_542, %dma_wait3A_543] : memref<100000x128xf32, #tpu.memory_space<hbm>> -> memref<100000x128xf32, #tpu.memory_space<hbm>>
      tpu.wait_indirect_dma semaphore(%arg26 : memref<!tpu.dma_semaphore, #tpu.memory_space<semaphore_mem>>) src(%dma_wait3A_544 : memref<100000x128xf32, #tpu.memory_space<hbm>>) dst(%arg14 : memref<64x128xf32, #tpu.memory_space<vmem>>)
      %jit3A_545 = arith.constant 2 : i32
      %div3A_546 = arith.divsi %add3A_497, %jit3A_545 : i32
      %sign3A_547 = arith.constant 0 : i32
      %sign3A_548 = arith.cmpi sgt, %add3A_497, %sign3A_547 : i32
      %sign3A_549 = arith.extui %sign3A_548 : i1 to i32
      %sign3A_550 = arith.constant 0 : i32
      %sign3A_551 = arith.cmpi slt, %add3A_497, %sign3A_550 : i32
      %sign3A_552 = arith.extui %sign3A_551 : i1 to i32
      %sign3A_553 = arith.subi %sign3A_549, %sign3A_552 : i32
      %sign3A_554 = arith.constant 0 : i32
      %sign3A_555 = arith.cmpi sgt, %jit3A_545, %sign3A_554 : i32
      %sign3A_556 = arith.extui %sign3A_555 : i1 to i32
      %sign3A_557 = arith.constant 0 : i32
      %sign3A_558 = arith.cmpi slt, %jit3A_545, %sign3A_557 : i32
      %sign3A_559 = arith.extui %sign3A_558 : i1 to i32
      %sign3A_560 = arith.subi %sign3A_556, %sign3A_559 : i32
      %ne3A_561 = arith.cmpi ne, %sign3A_553, %sign3A_560 : i32
      %rem3A_562 = arith.remsi %add3A_497, %jit3A_545 : i32
      %ne3A_563 = arith.constant 0 : i32
      %ne3A_564 = arith.cmpi ne, %rem3A_562, %ne3A_563 : i32
      %and3A_565 = arith.andi %ne3A_561, %ne3A_564 : i1
      %sub3A_566 = arith.constant 1 : i32
      %sub3A_567 = arith.subi %div3A_546, %sub3A_566 : i32
      %select_n3A_568 = arith.select %and3A_565, %sub3A_567, %div3A_546 : i32
      %jit3A_569 = arith.constant 2 : i32
      %eq3A_570 = arith.constant 0 : i32
      %eq3A_571 = arith.cmpi eq, %jit3A_569, %eq3A_570 : i32
      %jit3A_572 = arith.constant 1 : i32
      %select_n3A_573 = arith.select %eq3A_571, %jit3A_572, %jit3A_569 : i32
      %rem3A_574 = arith.remsi %add3A_497, %select_n3A_573 : i32
      %ne3A_575 = arith.constant 0 : i32
      %ne3A_576 = arith.cmpi ne, %rem3A_574, %ne3A_575 : i32
      %lt3A_577 = arith.constant 0 : i32
      %lt3A_578 = arith.cmpi slt, %rem3A_574, %lt3A_577 : i32
      %lt3A_579 = arith.constant 0 : i32
      %lt3A_580 = arith.cmpi slt, %select_n3A_573, %lt3A_579 : i32
      %ne3A_581 = arith.xori %lt3A_578, %lt3A_580 : i1
      %and3A_582 = arith.andi %ne3A_581, %ne3A_576 : i1
      %add3A_583 = arith.addi %rem3A_574, %select_n3A_573 : i32
      %select_n3A_584 = arith.select %and3A_582, %add3A_583, %rem3A_574 : i32
      %mul3A_585 = arith.constant 64 : i32
      %mul3A_586 = arith.muli %select_n3A_584, %mul3A_585 : i32
      %dma_wait3A_587 = tpu.memref_slice %arg10[%select_n3A_568, %mul3A_586] : memref<50x128xi32, #tpu.memory_space<vmem>> -> memref<1x64xi32, #tpu.memory_space<vmem>>
      %dma_wait3A_588 = tpu.memref_squeeze %dma_wait3A_587 : memref<1x64xi32, #tpu.memory_space<vmem>> -> memref<64xi32, #tpu.memory_space<vmem>>
      %dma_wait3A_589 = arith.constant 0 : i32
      %dma_wait3A_590 = arith.constant 0 : i32
      %dma_wait3A_591 = tpu.memref_slice %arg6[%dma_wait3A_589, %dma_wait3A_590] : memref<10000x128xf32, #tpu.memory_space<hbm>> -> memref<10000x128xf32, #tpu.memory_space<hbm>>
      tpu.wait_indirect_dma semaphore(%arg30 : memref<!tpu.dma_semaphore, #tpu.memory_space<semaphore_mem>>) src(%dma_wait3A_591 : memref<10000x128xf32, #tpu.memory_space<hbm>>) dst(%arg18 : memref<64x128xf32, #tpu.memory_space<vmem>>)
      %jit3A_592 = arith.constant 2 : i32
      %div3A_593 = arith.divsi %add3A_497, %jit3A_592 : i32
      %sign3A_594 = arith.constant 0 : i32
      %sign3A_595 = arith.cmpi sgt, %add3A_497, %sign3A_594 : i32
      %sign3A_596 = arith.extui %sign3A_595 : i1 to i32
      %sign3A_597 = arith.constant 0 : i32
      %sign3A_598 = arith.cmpi slt, %add3A_497, %sign3A_597 : i32
      %sign3A_599 = arith.extui %sign3A_598 : i1 to i32
      %sign3A_600 = arith.subi %sign3A_596, %sign3A_599 : i32
      %sign3A_601 = arith.constant 0 : i32
      %sign3A_602 = arith.cmpi sgt, %jit3A_592, %sign3A_601 : i32
      %sign3A_603 = arith.extui %sign3A_602 : i1 to i32
      %sign3A_604 = arith.constant 0 : i32
      %sign3A_605 = arith.cmpi slt, %jit3A_592, %sign3A_604 : i32
      %sign3A_606 = arith.extui %sign3A_605 : i1 to i32
      %sign3A_607 = arith.subi %sign3A_603, %sign3A_606 : i32
      %ne3A_608 = arith.cmpi ne, %sign3A_600, %sign3A_607 : i32
      %rem3A_609 = arith.remsi %add3A_497, %jit3A_592 : i32
      %ne3A_610 = arith.constant 0 : i32
      %ne3A_611 = arith.cmpi ne, %rem3A_609, %ne3A_610 : i32
      %and3A_612 = arith.andi %ne3A_608, %ne3A_611 : i1
      %sub3A_613 = arith.constant 1 : i32
      %sub3A_614 = arith.subi %div3A_593, %sub3A_613 : i32
      %select_n3A_615 = arith.select %and3A_612, %sub3A_614, %div3A_593 : i32
      %jit3A_616 = arith.constant 2 : i32
      %eq3A_617 = arith.constant 0 : i32
      %eq3A_618 = arith.cmpi eq, %jit3A_616, %eq3A_617 : i32
      %jit3A_619 = arith.constant 1 : i32
      %select_n3A_620 = arith.select %eq3A_618, %jit3A_619, %jit3A_616 : i32
      %rem3A_621 = arith.remsi %add3A_497, %select_n3A_620 : i32
      %ne3A_622 = arith.constant 0 : i32
      %ne3A_623 = arith.cmpi ne, %rem3A_621, %ne3A_622 : i32
      %lt3A_624 = arith.constant 0 : i32
      %lt3A_625 = arith.cmpi slt, %rem3A_621, %lt3A_624 : i32
      %lt3A_626 = arith.constant 0 : i32
      %lt3A_627 = arith.cmpi slt, %select_n3A_620, %lt3A_626 : i32
      %ne3A_628 = arith.xori %lt3A_625, %lt3A_627 : i1
      %and3A_629 = arith.andi %ne3A_628, %ne3A_623 : i1
      %add3A_630 = arith.addi %rem3A_621, %select_n3A_620 : i32
      %select_n3A_631 = arith.select %and3A_629, %add3A_630, %rem3A_621 : i32
      %mul3A_632 = arith.constant 64 : i32
      %mul3A_633 = arith.muli %select_n3A_631, %mul3A_632 : i32
      %dma_wait3A_634 = tpu.memref_slice %arg11[%select_n3A_615, %mul3A_633] : memref<50x128xi32, #tpu.memory_space<vmem>> -> memref<1x64xi32, #tpu.memory_space<vmem>>
      %dma_wait3A_635 = tpu.memref_squeeze %dma_wait3A_634 : memref<1x64xi32, #tpu.memory_space<vmem>> -> memref<64xi32, #tpu.memory_space<vmem>>
      %dma_wait3A_636 = arith.constant 0 : i32
      %dma_wait3A_637 = arith.constant 0 : i32
      %dma_wait3A_638 = tpu.memref_slice %arg7[%dma_wait3A_636, %dma_wait3A_637] : memref<10000x128xf32, #tpu.memory_space<hbm>> -> memref<10000x128xf32, #tpu.memory_space<hbm>>
      tpu.wait_indirect_dma semaphore(%arg34 : memref<!tpu.dma_semaphore, #tpu.memory_space<semaphore_mem>>) src(%dma_wait3A_638 : memref<10000x128xf32, #tpu.memory_space<hbm>>) dst(%arg22 : memref<64x128xf32, #tpu.memory_space<vmem>>)
      %ge3A_639 = arith.constant 1 : i32
      %ge3A_640 = arith.cmpi sge, %add3A_497, %ge3A_639 : i32
      %convert_element_type3A_641 = arith.extui %ge3A_640 : i1 to i32
      %cond3A_642 = arith.constant 0 : i32
      %cond3A_643 = arith.cmpi ne, %convert_element_type3A_641, %cond3A_642 : i32
      scf.if %cond3A_643 {
        %sub3A_922 = arith.constant 1 : i32
        %sub3A_923 = arith.subi %add3A_497, %sub3A_922 : i32
        %jit3A_924 = arith.constant 2 : i32
        %div3A_925 = arith.divsi %sub3A_923, %jit3A_924 : i32
        %sign3A_926 = arith.constant 0 : i32
        %sign3A_927 = arith.cmpi sgt, %sub3A_923, %sign3A_926 : i32
        %sign3A_928 = arith.extui %sign3A_927 : i1 to i32
        %sign3A_929 = arith.constant 0 : i32
        %sign3A_930 = arith.cmpi slt, %sub3A_923, %sign3A_929 : i32
        %sign3A_931 = arith.extui %sign3A_930 : i1 to i32
        %sign3A_932 = arith.subi %sign3A_928, %sign3A_931 : i32
        %sign3A_933 = arith.constant 0 : i32
        %sign3A_934 = arith.cmpi sgt, %jit3A_924, %sign3A_933 : i32
        %sign3A_935 = arith.extui %sign3A_934 : i1 to i32
        %sign3A_936 = arith.constant 0 : i32
        %sign3A_937 = arith.cmpi slt, %jit3A_924, %sign3A_936 : i32
        %sign3A_938 = arith.extui %sign3A_937 : i1 to i32
        %sign3A_939 = arith.subi %sign3A_935, %sign3A_938 : i32
        %ne3A_940 = arith.cmpi ne, %sign3A_932, %sign3A_939 : i32
        %rem3A_941 = arith.remsi %sub3A_923, %jit3A_924 : i32
        %ne3A_942 = arith.constant 0 : i32
        %ne3A_943 = arith.cmpi ne, %rem3A_941, %ne3A_942 : i32
        %and3A_944 = arith.andi %ne3A_940, %ne3A_943 : i1
        %sub3A_945 = arith.constant 1 : i32
        %sub3A_946 = arith.subi %div3A_925, %sub3A_945 : i32
        %select_n3A_947 = arith.select %and3A_944, %sub3A_946, %div3A_925 : i32
        %jit3A_948 = arith.constant 2 : i32
        %eq3A_949 = arith.constant 0 : i32
        %eq3A_950 = arith.cmpi eq, %jit3A_948, %eq3A_949 : i32
        %jit3A_951 = arith.constant 1 : i32
        %select_n3A_952 = arith.select %eq3A_950, %jit3A_951, %jit3A_948 : i32
        %rem3A_953 = arith.remsi %sub3A_923, %select_n3A_952 : i32
        %ne3A_954 = arith.constant 0 : i32
        %ne3A_955 = arith.cmpi ne, %rem3A_953, %ne3A_954 : i32
        %lt3A_956 = arith.constant 0 : i32
        %lt3A_957 = arith.cmpi slt, %rem3A_953, %lt3A_956 : i32
        %lt3A_958 = arith.constant 0 : i32
        %lt3A_959 = arith.cmpi slt, %select_n3A_952, %lt3A_958 : i32
        %ne3A_960 = arith.xori %lt3A_957, %lt3A_959 : i1
        %and3A_961 = arith.andi %ne3A_960, %ne3A_955 : i1
        %add3A_962 = arith.addi %rem3A_953, %select_n3A_952 : i32
        %select_n3A_963 = arith.select %and3A_961, %add3A_962, %rem3A_953 : i32
        %mul3A_964 = arith.constant 64 : i32
        %mul3A_965 = arith.muli %select_n3A_963, %mul3A_964 : i32
        %add3A_966 = arith.addi %mul3A_2, %mul3A_965 : i32
        %dma_wait3A_967 = arith.constant 0 : i32
        %dma_wait3A_968 = tpu.memref_slice %arg8[%select_n3A_947, %add3A_966, %dma_wait3A_967] : memref<50x4096x128xf32, #tpu.memory_space<hbm>> -> memref<1x64x128xf32, #tpu.memory_space<hbm>>
        %dma_wait3A_969 = tpu.memref_squeeze %dma_wait3A_968 : memref<1x64x128xf32, #tpu.memory_space<hbm>> -> memref<64x128xf32, #tpu.memory_space<hbm>>
        %dma_wait3A_970 = arith.constant 0 : i32
        %dma_wait3A_971 = tpu.memref_slice %arg8[%select_n3A_947, %add3A_966, %dma_wait3A_970] : memref<50x4096x128xf32, #tpu.memory_space<hbm>> -> memref<1x64x128xf32, #tpu.memory_space<hbm>>
        %dma_wait3A_972 = tpu.memref_squeeze %dma_wait3A_971 : memref<1x64x128xf32, #tpu.memory_space<hbm>> -> memref<64x128xf32, #tpu.memory_space<hbm>>
        tpu.wait_dma2 semaphore(%arg37 : memref<!tpu.dma_semaphore, #tpu.memory_space<semaphore_mem>>) src(%arg13 : memref<64x128xf32, #tpu.memory_space<vmem>>) dst(%dma_wait3A_972 : memref<64x128xf32, #tpu.memory_space<hbm>>)
      } else {
      }
      %add3A_644 = arith.constant 4 : i32
      %add3A_645 = arith.addi %add3A_497, %add3A_644 : i32
      %sub3A_646 = arith.constant 1 : i32
      %sub3A_647 = arith.subi %add3A_645, %sub3A_646 : i32
      %lt3A_648 = arith.constant 100 : i32
      %lt3A_649 = arith.cmpi slt, %sub3A_647, %lt3A_648 : i32
      %convert_element_type3A_650 = arith.extui %lt3A_649 : i1 to i32
      %cond3A_651 = arith.constant 0 : i32
      %cond3A_652 = arith.cmpi ne, %convert_element_type3A_650, %cond3A_651 : i32
      scf.if %cond3A_652 {
        %add3A_922 = arith.constant 4 : i32
        %add3A_923 = arith.addi %add3A_497, %add3A_922 : i32
        %sub3A_924 = arith.constant 1 : i32
        %sub3A_925 = arith.subi %add3A_923, %sub3A_924 : i32
        %jit3A_926 = arith.constant 2 : i32
        %div3A_927 = arith.divsi %sub3A_925, %jit3A_926 : i32
        %sign3A_928 = arith.constant 0 : i32
        %sign3A_929 = arith.cmpi sgt, %sub3A_925, %sign3A_928 : i32
        %sign3A_930 = arith.extui %sign3A_929 : i1 to i32
        %sign3A_931 = arith.constant 0 : i32
        %sign3A_932 = arith.cmpi slt, %sub3A_925, %sign3A_931 : i32
        %sign3A_933 = arith.extui %sign3A_932 : i1 to i32
        %sign3A_934 = arith.subi %sign3A_930, %sign3A_933 : i32
        %sign3A_935 = arith.constant 0 : i32
        %sign3A_936 = arith.cmpi sgt, %jit3A_926, %sign3A_935 : i32
        %sign3A_937 = arith.extui %sign3A_936 : i1 to i32
        %sign3A_938 = arith.constant 0 : i32
        %sign3A_939 = arith.cmpi slt, %jit3A_926, %sign3A_938 : i32
        %sign3A_940 = arith.extui %sign3A_939 : i1 to i32
        %sign3A_941 = arith.subi %sign3A_937, %sign3A_940 : i32
        %ne3A_942 = arith.cmpi ne, %sign3A_934, %sign3A_941 : i32
        %rem3A_943 = arith.remsi %sub3A_925, %jit3A_926 : i32
        %ne3A_944 = arith.constant 0 : i32
        %ne3A_945 = arith.cmpi ne, %rem3A_943, %ne3A_944 : i32
        %and3A_946 = arith.andi %ne3A_942, %ne3A_945 : i1
        %sub3A_947 = arith.constant 1 : i32
        %sub3A_948 = arith.subi %div3A_927, %sub3A_947 : i32
        %select_n3A_949 = arith.select %and3A_946, %sub3A_948, %div3A_927 : i32
        %jit3A_950 = arith.constant 2 : i32
        %eq3A_951 = arith.constant 0 : i32
        %eq3A_952 = arith.cmpi eq, %jit3A_950, %eq3A_951 : i32
        %jit3A_953 = arith.constant 1 : i32
        %select_n3A_954 = arith.select %eq3A_952, %jit3A_953, %jit3A_950 : i32
        %rem3A_955 = arith.remsi %sub3A_925, %select_n3A_954 : i32
        %ne3A_956 = arith.constant 0 : i32
        %ne3A_957 = arith.cmpi ne, %rem3A_955, %ne3A_956 : i32
        %lt3A_958 = arith.constant 0 : i32
        %lt3A_959 = arith.cmpi slt, %rem3A_955, %lt3A_958 : i32
        %lt3A_960 = arith.constant 0 : i32
        %lt3A_961 = arith.cmpi slt, %select_n3A_954, %lt3A_960 : i32
        %ne3A_962 = arith.xori %lt3A_959, %lt3A_961 : i1
        %and3A_963 = arith.andi %ne3A_962, %ne3A_957 : i1
        %add3A_964 = arith.addi %rem3A_955, %select_n3A_954 : i32
        %select_n3A_965 = arith.select %and3A_963, %add3A_964, %rem3A_955 : i32
        %mul3A_966 = arith.constant 64 : i32
        %mul3A_967 = arith.muli %select_n3A_965, %mul3A_966 : i32
        %dma_start3A_968 = tpu.memref_slice %arg9[%select_n3A_949, %mul3A_967] : memref<50x128xi32, #tpu.memory_space<vmem>> -> memref<1x64xi32, #tpu.memory_space<vmem>>
        %dma_start3A_969 = tpu.memref_squeeze %dma_start3A_968 : memref<1x64xi32, #tpu.memory_space<vmem>> -> memref<64xi32, #tpu.memory_space<vmem>>
        %dma_start3A_970 = arith.constant 0 : i32
        %dma_start3A_971 = arith.constant 0 : i32
        %dma_start3A_972 = tpu.memref_slice %arg5[%dma_start3A_970, %dma_start3A_971] : memref<100000x128xf32, #tpu.memory_space<hbm>> -> memref<100000x128xf32, #tpu.memory_space<hbm>>
        tpu.enqueue_indirect_dma source(%dma_start3A_972 : memref<100000x128xf32, #tpu.memory_space<hbm>>) target(%arg13 : memref<64x128xf32, #tpu.memory_space<vmem>>) offsets(%dma_start3A_969 : memref<64xi32, #tpu.memory_space<vmem>>) semaphore(%arg25 : memref<!tpu.dma_semaphore, #tpu.memory_space<semaphore_mem>>)
        %jit3A_973 = arith.constant 2 : i32
        %div3A_974 = arith.divsi %sub3A_925, %jit3A_973 : i32
        %sign3A_975 = arith.constant 0 : i32
        %sign3A_976 = arith.cmpi sgt, %sub3A_925, %sign3A_975 : i32
        %sign3A_977 = arith.extui %sign3A_976 : i1 to i32
        %sign3A_978 = arith.constant 0 : i32
        %sign3A_979 = arith.cmpi slt, %sub3A_925, %sign3A_978 : i32
        %sign3A_980 = arith.extui %sign3A_979 : i1 to i32
        %sign3A_981 = arith.subi %sign3A_977, %sign3A_980 : i32
        %sign3A_982 = arith.constant 0 : i32
        %sign3A_983 = arith.cmpi sgt, %jit3A_973, %sign3A_982 : i32
        %sign3A_984 = arith.extui %sign3A_983 : i1 to i32
        %sign3A_985 = arith.constant 0 : i32
        %sign3A_986 = arith.cmpi slt, %jit3A_973, %sign3A_985 : i32
        %sign3A_987 = arith.extui %sign3A_986 : i1 to i32
        %sign3A_988 = arith.subi %sign3A_984, %sign3A_987 : i32
        %ne3A_989 = arith.cmpi ne, %sign3A_981, %sign3A_988 : i32
        %rem3A_990 = arith.remsi %sub3A_925, %jit3A_973 : i32
        %ne3A_991 = arith.constant 0 : i32
        %ne3A_992 = arith.cmpi ne, %rem3A_990, %ne3A_991 : i32
        %and3A_993 = arith.andi %ne3A_989, %ne3A_992 : i1
        %sub3A_994 = arith.constant 1 : i32
        %sub3A_995 = arith.subi %div3A_974, %sub3A_994 : i32
        %select_n3A_996 = arith.select %and3A_993, %sub3A_995, %div3A_974 : i32
        %jit3A_997 = arith.constant 2 : i32
        %eq3A_998 = arith.constant 0 : i32
        %eq3A_999 = arith.cmpi eq, %jit3A_997, %eq3A_998 : i32
        %jit3A_1000 = arith.constant 1 : i32
        %select_n3A_1001 = arith.select %eq3A_999, %jit3A_1000, %jit3A_997 : i32
        %rem3A_1002 = arith.remsi %sub3A_925, %select_n3A_1001 : i32
        %ne3A_1003 = arith.constant 0 : i32
        %ne3A_1004 = arith.cmpi ne, %rem3A_1002, %ne3A_1003 : i32
        %lt3A_1005 = arith.constant 0 : i32
        %lt3A_1006 = arith.cmpi slt, %rem3A_1002, %lt3A_1005 : i32
        %lt3A_1007 = arith.constant 0 : i32
        %lt3A_1008 = arith.cmpi slt, %select_n3A_1001, %lt3A_1007 : i32
        %ne3A_1009 = arith.xori %lt3A_1006, %lt3A_1008 : i1
        %and3A_1010 = arith.andi %ne3A_1009, %ne3A_1004 : i1
        %add3A_1011 = arith.addi %rem3A_1002, %select_n3A_1001 : i32
        %select_n3A_1012 = arith.select %and3A_1010, %add3A_1011, %rem3A_1002 : i32
        %mul3A_1013 = arith.constant 64 : i32
        %mul3A_1014 = arith.muli %select_n3A_1012, %mul3A_1013 : i32
        %dma_start3A_1015 = tpu.memref_slice %arg10[%select_n3A_996, %mul3A_1014] : memref<50x128xi32, #tpu.memory_space<vmem>> -> memref<1x64xi32, #tpu.memory_space<vmem>>
        %dma_start3A_1016 = tpu.memref_squeeze %dma_start3A_1015 : memref<1x64xi32, #tpu.memory_space<vmem>> -> memref<64xi32, #tpu.memory_space<vmem>>
        %dma_start3A_1017 = arith.constant 0 : i32
        %dma_start3A_1018 = arith.constant 0 : i32
        %dma_start3A_1019 = tpu.memref_slice %arg6[%dma_start3A_1017, %dma_start3A_1018] : memref<10000x128xf32, #tpu.memory_space<hbm>> -> memref<10000x128xf32, #tpu.memory_space<hbm>>
        tpu.enqueue_indirect_dma source(%dma_start3A_1019 : memref<10000x128xf32, #tpu.memory_space<hbm>>) target(%arg17 : memref<64x128xf32, #tpu.memory_space<vmem>>) offsets(%dma_start3A_1016 : memref<64xi32, #tpu.memory_space<vmem>>) semaphore(%arg29 : memref<!tpu.dma_semaphore, #tpu.memory_space<semaphore_mem>>)
        %jit3A_1020 = arith.constant 2 : i32
        %div3A_1021 = arith.divsi %sub3A_925, %jit3A_1020 : i32
        %sign3A_1022 = arith.constant 0 : i32
        %sign3A_1023 = arith.cmpi sgt, %sub3A_925, %sign3A_1022 : i32
        %sign3A_1024 = arith.extui %sign3A_1023 : i1 to i32
        %sign3A_1025 = arith.constant 0 : i32
        %sign3A_1026 = arith.cmpi slt, %sub3A_925, %sign3A_1025 : i32
        %sign3A_1027 = arith.extui %sign3A_1026 : i1 to i32
        %sign3A_1028 = arith.subi %sign3A_1024, %sign3A_1027 : i32
        %sign3A_1029 = arith.constant 0 : i32
        %sign3A_1030 = arith.cmpi sgt, %jit3A_1020, %sign3A_1029 : i32
        %sign3A_1031 = arith.extui %sign3A_1030 : i1 to i32
        %sign3A_1032 = arith.constant 0 : i32
        %sign3A_1033 = arith.cmpi slt, %jit3A_1020, %sign3A_1032 : i32
        %sign3A_1034 = arith.extui %sign3A_1033 : i1 to i32
        %sign3A_1035 = arith.subi %sign3A_1031, %sign3A_1034 : i32
        %ne3A_1036 = arith.cmpi ne, %sign3A_1028, %sign3A_1035 : i32
        %rem3A_1037 = arith.remsi %sub3A_925, %jit3A_1020 : i32
        %ne3A_1038 = arith.constant 0 : i32
        %ne3A_1039 = arith.cmpi ne, %rem3A_1037, %ne3A_1038 : i32
        %and3A_1040 = arith.andi %ne3A_1036, %ne3A_1039 : i1
        %sub3A_1041 = arith.constant 1 : i32
        %sub3A_1042 = arith.subi %div3A_1021, %sub3A_1041 : i32
        %select_n3A_1043 = arith.select %and3A_1040, %sub3A_1042, %div3A_1021 : i32
        %jit3A_1044 = arith.constant 2 : i32
        %eq3A_1045 = arith.constant 0 : i32
        %eq3A_1046 = arith.cmpi eq, %jit3A_1044, %eq3A_1045 : i32
        %jit3A_1047 = arith.constant 1 : i32
        %select_n3A_1048 = arith.select %eq3A_1046, %jit3A_1047, %jit3A_1044 : i32
        %rem3A_1049 = arith.remsi %sub3A_925, %select_n3A_1048 : i32
        %ne3A_1050 = arith.constant 0 : i32
        %ne3A_1051 = arith.cmpi ne, %rem3A_1049, %ne3A_1050 : i32
        %lt3A_1052 = arith.constant 0 : i32
        %lt3A_1053 = arith.cmpi slt, %rem3A_1049, %lt3A_1052 : i32
        %lt3A_1054 = arith.constant 0 : i32
        %lt3A_1055 = arith.cmpi slt, %select_n3A_1048, %lt3A_1054 : i32
        %ne3A_1056 = arith.xori %lt3A_1053, %lt3A_1055 : i1
        %and3A_1057 = arith.andi %ne3A_1056, %ne3A_1051 : i1
        %add3A_1058 = arith.addi %rem3A_1049, %select_n3A_1048 : i32
        %select_n3A_1059 = arith.select %and3A_1057, %add3A_1058, %rem3A_1049 : i32
        %mul3A_1060 = arith.constant 64 : i32
        %mul3A_1061 = arith.muli %select_n3A_1059, %mul3A_1060 : i32
        %dma_start3A_1062 = tpu.memref_slice %arg11[%select_n3A_1043, %mul3A_1061] : memref<50x128xi32, #tpu.memory_space<vmem>> -> memref<1x64xi32, #tpu.memory_space<vmem>>
        %dma_start3A_1063 = tpu.memref_squeeze %dma_start3A_1062 : memref<1x64xi32, #tpu.memory_space<vmem>> -> memref<64xi32, #tpu.memory_space<vmem>>
        %dma_start3A_1064 = arith.constant 0 : i32
        %dma_start3A_1065 = arith.constant 0 : i32
        %dma_start3A_1066 = tpu.memref_slice %arg7[%dma_start3A_1064, %dma_start3A_1065] : memref<10000x128xf32, #tpu.memory_space<hbm>> -> memref<10000x128xf32, #tpu.memory_space<hbm>>
        tpu.enqueue_indirect_dma source(%dma_start3A_1066 : memref<10000x128xf32, #tpu.memory_space<hbm>>) target(%arg21 : memref<64x128xf32, #tpu.memory_space<vmem>>) offsets(%dma_start3A_1063 : memref<64xi32, #tpu.memory_space<vmem>>) semaphore(%arg33 : memref<!tpu.dma_semaphore, #tpu.memory_space<semaphore_mem>>)
      } else {
      }
      %scan3A_653 = arith.constant 0 : i32
      %scan3A_654 = arith.constant 0 : i32
      %scan3A_655 = arith.constant 64 : i32
      %scan3A_656 = arith.addi %scan3A_654, %scan3A_655 : i32
      %scan3A_657 = arith.constant 2 : i32
      scf.for %scan3A_922 = %scan3A_654 to %scan3A_656 step %scan3A_657  : i32 {
        %get3A = arith.index_cast %scan3A_922 : i32 to index
        %get3A_923 = arith.constant 0 : index
        %get3A_924 = tpu.vector_load %arg18[%get3A, %get3A_923] {strides = array<i32>} : memref<64x128xf32, #tpu.memory_space<vmem>>, vector<1x16xf32>,
        %get3A_925 = vector.shape_cast %get3A_924 : vector<1x16xf32> to vector<16xf32>
        %get3A_926 = arith.index_cast %scan3A_922 : i32 to index
        %get3A_927 = arith.constant 0 : index
        %get3A_928 = tpu.vector_load %arg22[%get3A_926, %get3A_927] {strides = array<i32>} : memref<64x128xf32, #tpu.memory_space<vmem>>, vector<1x16xf32>,
        %get3A_929 = vector.shape_cast %get3A_928 : vector<1x16xf32> to vector<16xf32>
        %add3A_930 = arith.addf %get3A_925, %get3A_929 : vector<16xf32>
        %swap3A = arith.index_cast %scan3A_922 : i32 to index
        %swap3A_931 = arith.constant 0 : index
        %swap3A_932 = tpu.vector_load %arg14[%swap3A, %swap3A_931] {strides = array<i32>} : memref<64x128xf32, #tpu.memory_space<vmem>>, vector<1x16xf32>,
        %swap3A_933 = vector.shape_cast %swap3A_932 : vector<1x16xf32> to vector<16xf32>
        %swap3A_934 = vector.shape_cast %add3A_930 : vector<16xf32> to vector<1x16xf32>
        tpu.vector_store %arg14[%swap3A, %swap3A_931], %swap3A_934 {add = true, strides = array<i32>} : memref<64x128xf32, #tpu.memory_space<vmem>>, vector<1x16xf32>,
        %get3A_935 = arith.index_cast %scan3A_922 : i32 to index
        %get3A_936 = arith.constant 16 : index
        %get3A_937 = tpu.vector_load %arg18[%get3A_935, %get3A_936] {strides = array<i32>} : memref<64x128xf32, #tpu.memory_space<vmem>>, vector<1x16xf32>,
        %get3A_938 = vector.shape_cast %get3A_937 : vector<1x16xf32> to vector<16xf32>
        %get3A_939 = arith.index_cast %scan3A_922 : i32 to index
        %get3A_940 = arith.constant 16 : index
        %get3A_941 = tpu.vector_load %arg22[%get3A_939, %get3A_940] {strides = array<i32>} : memref<64x128xf32, #tpu.memory_space<vmem>>, vector<1x16xf32>,
        %get3A_942 = vector.shape_cast %get3A_941 : vector<1x16xf32> to vector<16xf32>
        %add3A_943 = arith.addf %get3A_938, %get3A_942 : vector<16xf32>
        %swap3A_944 = arith.index_cast %scan3A_922 : i32 to index
        %swap3A_945 = arith.constant 16 : index
        %swap3A_946 = tpu.vector_load %arg14[%swap3A_944, %swap3A_945] {strides = array<i32>} : memref<64x128xf32, #tpu.memory_space<vmem>>, vector<1x16xf32>,
        %swap3A_947 = vector.shape_cast %swap3A_946 : vector<1x16xf32> to vector<16xf32>
        %swap3A_948 = vector.shape_cast %add3A_943 : vector<16xf32> to vector<1x16xf32>
        tpu.vector_store %arg14[%swap3A_944, %swap3A_945], %swap3A_948 {add = true, strides = array<i32>} : memref<64x128xf32, #tpu.memory_space<vmem>>, vector<1x16xf32>,
        %get3A_949 = arith.index_cast %scan3A_922 : i32 to index
        %get3A_950 = arith.constant 32 : index
        %get3A_951 = tpu.vector_load %arg18[%get3A_949, %get3A_950] {strides = array<i32>} : memref<64x128xf32, #tpu.memory_space<vmem>>, vector<1x16xf32>,
        %get3A_952 = vector.shape_cast %get3A_951 : vector<1x16xf32> to vector<16xf32>
        %get3A_953 = arith.index_cast %scan3A_922 : i32 to index
        %get3A_954 = arith.constant 32 : index
        %get3A_955 = tpu.vector_load %arg22[%get3A_953, %get3A_954] {strides = array<i32>} : memref<64x128xf32, #tpu.memory_space<vmem>>, vector<1x16xf32>,
        %get3A_956 = vector.shape_cast %get3A_955 : vector<1x16xf32> to vector<16xf32>
        %add3A_957 = arith.addf %get3A_952, %get3A_956 : vector<16xf32>
        %swap3A_958 = arith.index_cast %scan3A_922 : i32 to index
        %swap3A_959 = arith.constant 32 : index
        %swap3A_960 = tpu.vector_load %arg14[%swap3A_958, %swap3A_959] {strides = array<i32>} : memref<64x128xf32, #tpu.memory_space<vmem>>, vector<1x16xf32>,
        %swap3A_961 = vector.shape_cast %swap3A_960 : vector<1x16xf32> to vector<16xf32>
        %swap3A_962 = vector.shape_cast %add3A_957 : vector<16xf32> to vector<1x16xf32>
        tpu.vector_store %arg14[%swap3A_958, %swap3A_959], %swap3A_962 {add = true, strides = array<i32>} : memref<64x128xf32, #tpu.memory_space<vmem>>, vector<1x16xf32>,
        %get3A_963 = arith.index_cast %scan3A_922 : i32 to index
        %get3A_964 = arith.constant 48 : index
        %get3A_965 = tpu.vector_load %arg18[%get3A_963, %get3A_964] {strides = array<i32>} : memref<64x128xf32, #tpu.memory_space<vmem>>, vector<1x16xf32>,
        %get3A_966 = vector.shape_cast %get3A_965 : vector<1x16xf32> to vector<16xf32>
        %get3A_967 = arith.index_cast %scan3A_922 : i32 to index
        %get3A_968 = arith.constant 48 : index
        %get3A_969 = tpu.vector_load %arg22[%get3A_967, %get3A_968] {strides = array<i32>} : memref<64x128xf32, #tpu.memory_space<vmem>>, vector<1x16xf32>,
        %get3A_970 = vector.shape_cast %get3A_969 : vector<1x16xf32> to vector<16xf32>
        %add3A_971 = arith.addf %get3A_966, %get3A_970 : vector<16xf32>
        %swap3A_972 = arith.index_cast %scan3A_922 : i32 to index
        %swap3A_973 = arith.constant 48 : index
        %swap3A_974 = tpu.vector_load %arg14[%swap3A_972, %swap3A_973] {strides = array<i32>} : memref<64x128xf32, #tpu.memory_space<vmem>>, vector<1x16xf32>,
        %swap3A_975 = vector.shape_cast %swap3A_974 : vector<1x16xf32> to vector<16xf32>
        %swap3A_976 = vector.shape_cast %add3A_971 : vector<16xf32> to vector<1x16xf32>
        tpu.vector_store %arg14[%swap3A_972, %swap3A_973], %swap3A_976 {add = true, strides = array<i32>} : memref<64x128xf32, #tpu.memory_space<vmem>>, vector<1x16xf32>,
        %get3A_977 = arith.index_cast %scan3A_922 : i32 to index
        %get3A_978 = arith.constant 64 : index
        %get3A_979 = tpu.vector_load %arg18[%get3A_977, %get3A_978] {strides = array<i32>} : memref<64x128xf32, #tpu.memory_space<vmem>>, vector<1x16xf32>,
        %get3A_980 = vector.shape_cast %get3A_979 : vector<1x16xf32> to vector<16xf32>
        %get3A_981 = arith.index_cast %scan3A_922 : i32 to index
        %get3A_982 = arith.constant 64 : index
        %get3A_983 = tpu.vector_load %arg22[%get3A_981, %get3A_982] {strides = array<i32>} : memref<64x128xf32, #tpu.memory_space<vmem>>, vector<1x16xf32>,
        %get3A_984 = vector.shape_cast %get3A_983 : vector<1x16xf32> to vector<16xf32>
        %add3A_985 = arith.addf %get3A_980, %get3A_984 : vector<16xf32>
        %swap3A_986 = arith.index_cast %scan3A_922 : i32 to index
        %swap3A_987 = arith.constant 64 : index
        %swap3A_988 = tpu.vector_load %arg14[%swap3A_986, %swap3A_987] {strides = array<i32>} : memref<64x128xf32, #tpu.memory_space<vmem>>, vector<1x16xf32>,
        %swap3A_989 = vector.shape_cast %swap3A_988 : vector<1x16xf32> to vector<16xf32>
        %swap3A_990 = vector.shape_cast %add3A_985 : vector<16xf32> to vector<1x16xf32>
        tpu.vector_store %arg14[%swap3A_986, %swap3A_987], %swap3A_990 {add = true, strides = array<i32>} : memref<64x128xf32, #tpu.memory_space<vmem>>, vector<1x16xf32>,
        %get3A_991 = arith.index_cast %scan3A_922 : i32 to index
        %get3A_992 = arith.constant 80 : index
        %get3A_993 = tpu.vector_load %arg18[%get3A_991, %get3A_992] {strides = array<i32>} : memref<64x128xf32, #tpu.memory_space<vmem>>, vector<1x16xf32>,
        %get3A_994 = vector.shape_cast %get3A_993 : vector<1x16xf32> to vector<16xf32>
        %get3A_995 = arith.index_cast %scan3A_922 : i32 to index
        %get3A_996 = arith.constant 80 : index
        %get3A_997 = tpu.vector_load %arg22[%get3A_995, %get3A_996] {strides = array<i32>} : memref<64x128xf32, #tpu.memory_space<vmem>>, vector<1x16xf32>,
        %get3A_998 = vector.shape_cast %get3A_997 : vector<1x16xf32> to vector<16xf32>
        %add3A_999 = arith.addf %get3A_994, %get3A_998 : vector<16xf32>
        %swap3A_1000 = arith.index_cast %scan3A_922 : i32 to index
        %swap3A_1001 = arith.constant 80 : index
        %swap3A_1002 = tpu.vector_load %arg14[%swap3A_1000, %swap3A_1001] {strides = array<i32>} : memref<64x128xf32, #tpu.memory_space<vmem>>, vector<1x16xf32>,
        %swap3A_1003 = vector.shape_cast %swap3A_1002 : vector<1x16xf32> to vector<16xf32>
        %swap3A_1004 = vector.shape_cast %add3A_999 : vector<16xf32> to vector<1x16xf32>
        tpu.vector_store %arg14[%swap3A_1000, %swap3A_1001], %swap3A_1004 {add = true, strides = array<i32>} : memref<64x128xf32, #tpu.memory_space<vmem>>, vector<1x16xf32>,
        %get3A_1005 = arith.index_cast %scan3A_922 : i32 to index
        %get3A_1006 = arith.constant 96 : index
        %get3A_1007 = tpu.vector_load %arg18[%get3A_1005, %get3A_1006] {strides = array<i32>} : memref<64x128xf32, #tpu.memory_space<vmem>>, vector<1x16xf32>,
        %get3A_1008 = vector.shape_cast %get3A_1007 : vector<1x16xf32> to vector<16xf32>
        %get3A_1009 = arith.index_cast %scan3A_922 : i32 to index
        %get3A_1010 = arith.constant 96 : index
        %get3A_1011 = tpu.vector_load %arg22[%get3A_1009, %get3A_1010] {strides = array<i32>} : memref<64x128xf32, #tpu.memory_space<vmem>>, vector<1x16xf32>,
        %get3A_1012 = vector.shape_cast %get3A_1011 : vector<1x16xf32> to vector<16xf32>
        %add3A_1013 = arith.addf %get3A_1008, %get3A_1012 : vector<16xf32>
        %swap3A_1014 = arith.index_cast %scan3A_922 : i32 to index
        %swap3A_1015 = arith.constant 96 : index
        %swap3A_1016 = tpu.vector_load %arg14[%swap3A_1014, %swap3A_1015] {strides = array<i32>} : memref<64x128xf32, #tpu.memory_space<vmem>>, vector<1x16xf32>,
        %swap3A_1017 = vector.shape_cast %swap3A_1016 : vector<1x16xf32> to vector<16xf32>
        %swap3A_1018 = vector.shape_cast %add3A_1013 : vector<16xf32> to vector<1x16xf32>
        tpu.vector_store %arg14[%swap3A_1014, %swap3A_1015], %swap3A_1018 {add = true, strides = array<i32>} : memref<64x128xf32, #tpu.memory_space<vmem>>, vector<1x16xf32>,
        %get3A_1019 = arith.index_cast %scan3A_922 : i32 to index
        %get3A_1020 = arith.constant 112 : index
        %get3A_1021 = tpu.vector_load %arg18[%get3A_1019, %get3A_1020] {strides = array<i32>} : memref<64x128xf32, #tpu.memory_space<vmem>>, vector<1x16xf32>,
        %get3A_1022 = vector.shape_cast %get3A_1021 : vector<1x16xf32> to vector<16xf32>
        %get3A_1023 = arith.index_cast %scan3A_922 : i32 to index
        %get3A_1024 = arith.constant 112 : index
        %get3A_1025 = tpu.vector_load %arg22[%get3A_1023, %get3A_1024] {strides = array<i32>} : memref<64x128xf32, #tpu.memory_space<vmem>>, vector<1x16xf32>,
        %get3A_1026 = vector.shape_cast %get3A_1025 : vector<1x16xf32> to vector<16xf32>
        %add3A_1027 = arith.addf %get3A_1022, %get3A_1026 : vector<16xf32>
        %swap3A_1028 = arith.index_cast %scan3A_922 : i32 to index
        %swap3A_1029 = arith.constant 112 : index
        %swap3A_1030 = tpu.vector_load %arg14[%swap3A_1028, %swap3A_1029] {strides = array<i32>} : memref<64x128xf32, #tpu.memory_space<vmem>>, vector<1x16xf32>,
        %swap3A_1031 = vector.shape_cast %swap3A_1030 : vector<1x16xf32> to vector<16xf32>
        %swap3A_1032 = vector.shape_cast %add3A_1027 : vector<16xf32> to vector<1x16xf32>
        tpu.vector_store %arg14[%swap3A_1028, %swap3A_1029], %swap3A_1032 {add = true, strides = array<i32>} : memref<64x128xf32, #tpu.memory_space<vmem>>, vector<1x16xf32>,
        %scan3A_1033 = arith.constant 1 : i32
        %scan3A_1034 = arith.addi %scan3A_922, %scan3A_1033 : i32
        %get3A_1035 = arith.index_cast %scan3A_1034 : i32 to index
        %get3A_1036 = arith.constant 0 : index
        %get3A_1037 = tpu.vector_load %arg18[%get3A_1035, %get3A_1036] {strides = array<i32>} : memref<64x128xf32, #tpu.memory_space<vmem>>, vector<1x16xf32>,
        %get3A_1038 = vector.shape_cast %get3A_1037 : vector<1x16xf32> to vector<16xf32>
        %get3A_1039 = arith.index_cast %scan3A_1034 : i32 to index
        %get3A_1040 = arith.constant 0 : index
        %get3A_1041 = tpu.vector_load %arg22[%get3A_1039, %get3A_1040] {strides = array<i32>} : memref<64x128xf32, #tpu.memory_space<vmem>>, vector<1x16xf32>,
        %get3A_1042 = vector.shape_cast %get3A_1041 : vector<1x16xf32> to vector<16xf32>
        %add3A_1043 = arith.addf %get3A_1038, %get3A_1042 : vector<16xf32>
        %swap3A_1044 = arith.index_cast %scan3A_1034 : i32 to index
        %swap3A_1045 = arith.constant 0 : index
        %swap3A_1046 = tpu.vector_load %arg14[%swap3A_1044, %swap3A_1045] {strides = array<i32>} : memref<64x128xf32, #tpu.memory_space<vmem>>, vector<1x16xf32>,
        %swap3A_1047 = vector.shape_cast %swap3A_1046 : vector<1x16xf32> to vector<16xf32>
        %swap3A_1048 = vector.shape_cast %add3A_1043 : vector<16xf32> to vector<1x16xf32>
        tpu.vector_store %arg14[%swap3A_1044, %swap3A_1045], %swap3A_1048 {add = true, strides = array<i32>} : memref<64x128xf32, #tpu.memory_space<vmem>>, vector<1x16xf32>,
        %get3A_1049 = arith.index_cast %scan3A_1034 : i32 to index
        %get3A_1050 = arith.constant 16 : index
        %get3A_1051 = tpu.vector_load %arg18[%get3A_1049, %get3A_1050] {strides = array<i32>} : memref<64x128xf32, #tpu.memory_space<vmem>>, vector<1x16xf32>,
        %get3A_1052 = vector.shape_cast %get3A_1051 : vector<1x16xf32> to vector<16xf32>
        %get3A_1053 = arith.index_cast %scan3A_1034 : i32 to index
        %get3A_1054 = arith.constant 16 : index
        %get3A_1055 = tpu.vector_load %arg22[%get3A_1053, %get3A_1054] {strides = array<i32>} : memref<64x128xf32, #tpu.memory_space<vmem>>, vector<1x16xf32>,
        %get3A_1056 = vector.shape_cast %get3A_1055 : vector<1x16xf32> to vector<16xf32>
        %add3A_1057 = arith.addf %get3A_1052, %get3A_1056 : vector<16xf32>
        %swap3A_1058 = arith.index_cast %scan3A_1034 : i32 to index
        %swap3A_1059 = arith.constant 16 : index
        %swap3A_1060 = tpu.vector_load %arg14[%swap3A_1058, %swap3A_1059] {strides = array<i32>} : memref<64x128xf32, #tpu.memory_space<vmem>>, vector<1x16xf32>,
        %swap3A_1061 = vector.shape_cast %swap3A_1060 : vector<1x16xf32> to vector<16xf32>
        %swap3A_1062 = vector.shape_cast %add3A_1057 : vector<16xf32> to vector<1x16xf32>
        tpu.vector_store %arg14[%swap3A_1058, %swap3A_1059], %swap3A_1062 {add = true, strides = array<i32>} : memref<64x128xf32, #tpu.memory_space<vmem>>, vector<1x16xf32>,
        %get3A_1063 = arith.index_cast %scan3A_1034 : i32 to index
        %get3A_1064 = arith.constant 32 : index
        %get3A_1065 = tpu.vector_load %arg18[%get3A_1063, %get3A_1064] {strides = array<i32>} : memref<64x128xf32, #tpu.memory_space<vmem>>, vector<1x16xf32>,
        %get3A_1066 = vector.shape_cast %get3A_1065 : vector<1x16xf32> to vector<16xf32>
        %get3A_1067 = arith.index_cast %scan3A_1034 : i32 to index
        %get3A_1068 = arith.constant 32 : index
        %get3A_1069 = tpu.vector_load %arg22[%get3A_1067, %get3A_1068] {strides = array<i32>} : memref<64x128xf32, #tpu.memory_space<vmem>>, vector<1x16xf32>,
        %get3A_1070 = vector.shape_cast %get3A_1069 : vector<1x16xf32> to vector<16xf32>
        %add3A_1071 = arith.addf %get3A_1066, %get3A_1070 : vector<16xf32>
        %swap3A_1072 = arith.index_cast %scan3A_1034 : i32 to index
        %swap3A_1073 = arith.constant 32 : index
        %swap3A_1074 = tpu.vector_load %arg14[%swap3A_1072, %swap3A_1073] {strides = array<i32>} : memref<64x128xf32, #tpu.memory_space<vmem>>, vector<1x16xf32>,
        %swap3A_1075 = vector.shape_cast %swap3A_1074 : vector<1x16xf32> to vector<16xf32>
        %swap3A_1076 = vector.shape_cast %add3A_1071 : vector<16xf32> to vector<1x16xf32>
        tpu.vector_store %arg14[%swap3A_1072, %swap3A_1073], %swap3A_1076 {add = true, strides = array<i32>} : memref<64x128xf32, #tpu.memory_space<vmem>>, vector<1x16xf32>,
        %get3A_1077 = arith.index_cast %scan3A_1034 : i32 to index
        %get3A_1078 = arith.constant 48 : index
        %get3A_1079 = tpu.vector_load %arg18[%get3A_1077, %get3A_1078] {strides = array<i32>} : memref<64x128xf32, #tpu.memory_space<vmem>>, vector<1x16xf32>,
        %get3A_1080 = vector.shape_cast %get3A_1079 : vector<1x16xf32> to vector<16xf32>
        %get3A_1081 = arith.index_cast %scan3A_1034 : i32 to index
        %get3A_1082 = arith.constant 48 : index
        %get3A_1083 = tpu.vector_load %arg22[%get3A_1081, %get3A_1082] {strides = array<i32>} : memref<64x128xf32, #tpu.memory_space<vmem>>, vector<1x16xf32>,
        %get3A_1084 = vector.shape_cast %get3A_1083 : vector<1x16xf32> to vector<16xf32>
        %add3A_1085 = arith.addf %get3A_1080, %get3A_1084 : vector<16xf32>
        %swap3A_1086 = arith.index_cast %scan3A_1034 : i32 to index
        %swap3A_1087 = arith.constant 48 : index
        %swap3A_1088 = tpu.vector_load %arg14[%swap3A_1086, %swap3A_1087] {strides = array<i32>} : memref<64x128xf32, #tpu.memory_space<vmem>>, vector<1x16xf32>,
        %swap3A_1089 = vector.shape_cast %swap3A_1088 : vector<1x16xf32> to vector<16xf32>
        %swap3A_1090 = vector.shape_cast %add3A_1085 : vector<16xf32> to vector<1x16xf32>
        tpu.vector_store %arg14[%swap3A_1086, %swap3A_1087], %swap3A_1090 {add = true, strides = array<i32>} : memref<64x128xf32, #tpu.memory_space<vmem>>, vector<1x16xf32>,
        %get3A_1091 = arith.index_cast %scan3A_1034 : i32 to index
        %get3A_1092 = arith.constant 64 : index
        %get3A_1093 = tpu.vector_load %arg18[%get3A_1091, %get3A_1092] {strides = array<i32>} : memref<64x128xf32, #tpu.memory_space<vmem>>, vector<1x16xf32>,
        %get3A_1094 = vector.shape_cast %get3A_1093 : vector<1x16xf32> to vector<16xf32>
        %get3A_1095 = arith.index_cast %scan3A_1034 : i32 to index
        %get3A_1096 = arith.constant 64 : index
        %get3A_1097 = tpu.vector_load %arg22[%get3A_1095, %get3A_1096] {strides = array<i32>} : memref<64x128xf32, #tpu.memory_space<vmem>>, vector<1x16xf32>,
        %get3A_1098 = vector.shape_cast %get3A_1097 : vector<1x16xf32> to vector<16xf32>
        %add3A_1099 = arith.addf %get3A_1094, %get3A_1098 : vector<16xf32>
        %swap3A_1100 = arith.index_cast %scan3A_1034 : i32 to index
        %swap3A_1101 = arith.constant 64 : index
        %swap3A_1102 = tpu.vector_load %arg14[%swap3A_1100, %swap3A_1101] {strides = array<i32>} : memref<64x128xf32, #tpu.memory_space<vmem>>, vector<1x16xf32>,
        %swap3A_1103 = vector.shape_cast %swap3A_1102 : vector<1x16xf32> to vector<16xf32>
        %swap3A_1104 = vector.shape_cast %add3A_1099 : vector<16xf32> to vector<1x16xf32>
        tpu.vector_store %arg14[%swap3A_1100, %swap3A_1101], %swap3A_1104 {add = true, strides = array<i32>} : memref<64x128xf32, #tpu.memory_space<vmem>>, vector<1x16xf32>,
        %get3A_1105 = arith.index_cast %scan3A_1034 : i32 to index
        %get3A_1106 = arith.constant 80 : index
        %get3A_1107 = tpu.vector_load %arg18[%get3A_1105, %get3A_1106] {strides = array<i32>} : memref<64x128xf32, #tpu.memory_space<vmem>>, vector<1x16xf32>,
        %get3A_1108 = vector.shape_cast %get3A_1107 : vector<1x16xf32> to vector<16xf32>
        %get3A_1109 = arith.index_cast %scan3A_1034 : i32 to index
        %get3A_1110 = arith.constant 80 : index
        %get3A_1111 = tpu.vector_load %arg22[%get3A_1109, %get3A_1110] {strides = array<i32>} : memref<64x128xf32, #tpu.memory_space<vmem>>, vector<1x16xf32>,
        %get3A_1112 = vector.shape_cast %get3A_1111 : vector<1x16xf32> to vector<16xf32>
        %add3A_1113 = arith.addf %get3A_1108, %get3A_1112 : vector<16xf32>
        %swap3A_1114 = arith.index_cast %scan3A_1034 : i32 to index
        %swap3A_1115 = arith.constant 80 : index
        %swap3A_1116 = tpu.vector_load %arg14[%swap3A_1114, %swap3A_1115] {strides = array<i32>} : memref<64x128xf32, #tpu.memory_space<vmem>>, vector<1x16xf32>,
        %swap3A_1117 = vector.shape_cast %swap3A_1116 : vector<1x16xf32> to vector<16xf32>
        %swap3A_1118 = vector.shape_cast %add3A_1113 : vector<16xf32> to vector<1x16xf32>
        tpu.vector_store %arg14[%swap3A_1114, %swap3A_1115], %swap3A_1118 {add = true, strides = array<i32>} : memref<64x128xf32, #tpu.memory_space<vmem>>, vector<1x16xf32>,
        %get3A_1119 = arith.index_cast %scan3A_1034 : i32 to index
        %get3A_1120 = arith.constant 96 : index
        %get3A_1121 = tpu.vector_load %arg18[%get3A_1119, %get3A_1120] {strides = array<i32>} : memref<64x128xf32, #tpu.memory_space<vmem>>, vector<1x16xf32>,
        %get3A_1122 = vector.shape_cast %get3A_1121 : vector<1x16xf32> to vector<16xf32>
        %get3A_1123 = arith.index_cast %scan3A_1034 : i32 to index
        %get3A_1124 = arith.constant 96 : index
        %get3A_1125 = tpu.vector_load %arg22[%get3A_1123, %get3A_1124] {strides = array<i32>} : memref<64x128xf32, #tpu.memory_space<vmem>>, vector<1x16xf32>,
        %get3A_1126 = vector.shape_cast %get3A_1125 : vector<1x16xf32> to vector<16xf32>
        %add3A_1127 = arith.addf %get3A_1122, %get3A_1126 : vector<16xf32>
        %swap3A_1128 = arith.index_cast %scan3A_1034 : i32 to index
        %swap3A_1129 = arith.constant 96 : index
        %swap3A_1130 = tpu.vector_load %arg14[%swap3A_1128, %swap3A_1129] {strides = array<i32>} : memref<64x128xf32, #tpu.memory_space<vmem>>, vector<1x16xf32>,
        %swap3A_1131 = vector.shape_cast %swap3A_1130 : vector<1x16xf32> to vector<16xf32>
        %swap3A_1132 = vector.shape_cast %add3A_1127 : vector<16xf32> to vector<1x16xf32>
        tpu.vector_store %arg14[%swap3A_1128, %swap3A_1129], %swap3A_1132 {add = true, strides = array<i32>} : memref<64x128xf32, #tpu.memory_space<vmem>>, vector<1x16xf32>,
        %get3A_1133 = arith.index_cast %scan3A_1034 : i32 to index
        %get3A_1134 = arith.constant 112 : index
        %get3A_1135 = tpu.vector_load %arg18[%get3A_1133, %get3A_1134] {strides = array<i32>} : memref<64x128xf32, #tpu.memory_space<vmem>>, vector<1x16xf32>,
        %get3A_1136 = vector.shape_cast %get3A_1135 : vector<1x16xf32> to vector<16xf32>
        %get3A_1137 = arith.index_cast %scan3A_1034 : i32 to index
        %get3A_1138 = arith.constant 112 : index
        %get3A_1139 = tpu.vector_load %arg22[%get3A_1137, %get3A_1138] {strides = array<i32>} : memref<64x128xf32, #tpu.memory_space<vmem>>, vector<1x16xf32>,
        %get3A_1140 = vector.shape_cast %get3A_1139 : vector<1x16xf32> to vector<16xf32>
        %add3A_1141 = arith.addf %get3A_1136, %get3A_1140 : vector<16xf32>
        %swap3A_1142 = arith.index_cast %scan3A_1034 : i32 to index
        %swap3A_1143 = arith.constant 112 : index
        %swap3A_1144 = tpu.vector_load %arg14[%swap3A_1142, %swap3A_1143] {strides = array<i32>} : memref<64x128xf32, #tpu.memory_space<vmem>>, vector<1x16xf32>,
        %swap3A_1145 = vector.shape_cast %swap3A_1144 : vector<1x16xf32> to vector<16xf32>
        %swap3A_1146 = vector.shape_cast %add3A_1141 : vector<16xf32> to vector<1x16xf32>
        tpu.vector_store %arg14[%swap3A_1142, %swap3A_1143], %swap3A_1146 {add = true, strides = array<i32>} : memref<64x128xf32, #tpu.memory_space<vmem>>, vector<1x16xf32>,
      }
      %scan3A_658 = arith.constant 64 : i32
      %jit3A_659 = arith.constant 2 : i32
      %div3A_660 = arith.divsi %add3A_497, %jit3A_659 : i32
      %sign3A_661 = arith.constant 0 : i32
      %sign3A_662 = arith.cmpi sgt, %add3A_497, %sign3A_661 : i32
      %sign3A_663 = arith.extui %sign3A_662 : i1 to i32
      %sign3A_664 = arith.constant 0 : i32
      %sign3A_665 = arith.cmpi slt, %add3A_497, %sign3A_664 : i32
      %sign3A_666 = arith.extui %sign3A_665 : i1 to i32
      %sign3A_667 = arith.subi %sign3A_663, %sign3A_666 : i32
      %sign3A_668 = arith.constant 0 : i32
      %sign3A_669 = arith.cmpi sgt, %jit3A_659, %sign3A_668 : i32
      %sign3A_670 = arith.extui %sign3A_669 : i1 to i32
      %sign3A_671 = arith.constant 0 : i32
      %sign3A_672 = arith.cmpi slt, %jit3A_659, %sign3A_671 : i32
      %sign3A_673 = arith.extui %sign3A_672 : i1 to i32
      %sign3A_674 = arith.subi %sign3A_670, %sign3A_673 : i32
      %ne3A_675 = arith.cmpi ne, %sign3A_667, %sign3A_674 : i32
      %rem3A_676 = arith.remsi %add3A_497, %jit3A_659 : i32
      %ne3A_677 = arith.constant 0 : i32
      %ne3A_678 = arith.cmpi ne, %rem3A_676, %ne3A_677 : i32
      %and3A_679 = arith.andi %ne3A_675, %ne3A_678 : i1
      %sub3A_680 = arith.constant 1 : i32
      %sub3A_681 = arith.subi %div3A_660, %sub3A_680 : i32
      %select_n3A_682 = arith.select %and3A_679, %sub3A_681, %div3A_660 : i32
      %jit3A_683 = arith.constant 2 : i32
      %eq3A_684 = arith.constant 0 : i32
      %eq3A_685 = arith.cmpi eq, %jit3A_683, %eq3A_684 : i32
      %jit3A_686 = arith.constant 1 : i32
      %select_n3A_687 = arith.select %eq3A_685, %jit3A_686, %jit3A_683 : i32
      %rem3A_688 = arith.remsi %add3A_497, %select_n3A_687 : i32
      %ne3A_689 = arith.constant 0 : i32
      %ne3A_690 = arith.cmpi ne, %rem3A_688, %ne3A_689 : i32
      %lt3A_691 = arith.constant 0 : i32
      %lt3A_692 = arith.cmpi slt, %rem3A_688, %lt3A_691 : i32
      %lt3A_693 = arith.constant 0 : i32
      %lt3A_694 = arith.cmpi slt, %select_n3A_687, %lt3A_693 : i32
      %ne3A_695 = arith.xori %lt3A_692, %lt3A_694 : i1
      %and3A_696 = arith.andi %ne3A_695, %ne3A_690 : i1
      %add3A_697 = arith.addi %rem3A_688, %select_n3A_687 : i32
      %select_n3A_698 = arith.select %and3A_696, %add3A_697, %rem3A_688 : i32
      %mul3A_699 = arith.constant 64 : i32
      %mul3A_700 = arith.muli %select_n3A_698, %mul3A_699 : i32
      %add3A_701 = arith.addi %mul3A_2, %mul3A_700 : i32
      %dma_start3A_702 = arith.constant 0 : i32
      %dma_start3A_703 = tpu.memref_slice %arg8[%select_n3A_682, %add3A_701, %dma_start3A_702] : memref<50x4096x128xf32, #tpu.memory_space<hbm>> -> memref<1x64x128xf32, #tpu.memory_space<hbm>>
      %dma_start3A_704 = tpu.memref_squeeze %dma_start3A_703 : memref<1x64x128xf32, #tpu.memory_space<hbm>> -> memref<64x128xf32, #tpu.memory_space<hbm>>
      %dma_start3A_705 = arith.constant 0 : i32
      %dma_start3A_706 = tpu.memref_slice %arg8[%select_n3A_682, %add3A_701, %dma_start3A_705] : memref<50x4096x128xf32, #tpu.memory_space<hbm>> -> memref<1x64x128xf32, #tpu.memory_space<hbm>>
      %dma_start3A_707 = tpu.memref_squeeze %dma_start3A_706 : memref<1x64x128xf32, #tpu.memory_space<hbm>> -> memref<64x128xf32, #tpu.memory_space<hbm>>
      tpu.enqueue_dma source(%arg14 : memref<64x128xf32, #tpu.memory_space<vmem>>) target(%dma_start3A_707 : memref<64x128xf32, #tpu.memory_space<hbm>>) target_semaphore(%arg38 : memref<!tpu.dma_semaphore, #tpu.memory_space<semaphore_mem>>)
      %mul3A_708 = arith.constant 4 : i32
      %mul3A_709 = arith.muli %scan3A_78, %mul3A_708 : i32
      %add3A_710 = arith.constant 3 : i32
      %add3A_711 = arith.addi %mul3A_709, %add3A_710 : i32
      %jit3A_712 = arith.constant 2 : i32
      %div3A_713 = arith.divsi %add3A_711, %jit3A_712 : i32
      %sign3A_714 = arith.constant 0 : i32
      %sign3A_715 = arith.cmpi sgt, %add3A_711, %sign3A_714 : i32
      %sign3A_716 = arith.extui %sign3A_715 : i1 to i32
      %sign3A_717 = arith.constant 0 : i32
      %sign3A_718 = arith.cmpi slt, %add3A_711, %sign3A_717 : i32
      %sign3A_719 = arith.extui %sign3A_718 : i1 to i32
      %sign3A_720 = arith.subi %sign3A_716, %sign3A_719 : i32
      %sign3A_721 = arith.constant 0 : i32
      %sign3A_722 = arith.cmpi sgt, %jit3A_712, %sign3A_721 : i32
      %sign3A_723 = arith.extui %sign3A_722 : i1 to i32
      %sign3A_724 = arith.constant 0 : i32
      %sign3A_725 = arith.cmpi slt, %jit3A_712, %sign3A_724 : i32
      %sign3A_726 = arith.extui %sign3A_725 : i1 to i32
      %sign3A_727 = arith.subi %sign3A_723, %sign3A_726 : i32
      %ne3A_728 = arith.cmpi ne, %sign3A_720, %sign3A_727 : i32
      %rem3A_729 = arith.remsi %add3A_711, %jit3A_712 : i32
      %ne3A_730 = arith.constant 0 : i32
      %ne3A_731 = arith.cmpi ne, %rem3A_729, %ne3A_730 : i32
      %and3A_732 = arith.andi %ne3A_728, %ne3A_731 : i1
      %sub3A_733 = arith.constant 1 : i32
      %sub3A_734 = arith.subi %div3A_713, %sub3A_733 : i32
      %select_n3A_735 = arith.select %and3A_732, %sub3A_734, %div3A_713 : i32
      %jit3A_736 = arith.constant 2 : i32
      %eq3A_737 = arith.constant 0 : i32
      %eq3A_738 = arith.cmpi eq, %jit3A_736, %eq3A_737 : i32
      %jit3A_739 = arith.constant 1 : i32
      %select_n3A_740 = arith.select %eq3A_738, %jit3A_739, %jit3A_736 : i32
      %rem3A_741 = arith.remsi %add3A_711, %select_n3A_740 : i32
      %ne3A_742 = arith.constant 0 : i32
      %ne3A_743 = arith.cmpi ne, %rem3A_741, %ne3A_742 : i32
      %lt3A_744 = arith.constant 0 : i32
      %lt3A_745 = arith.cmpi slt, %rem3A_741, %lt3A_744 : i32
      %lt3A_746 = arith.constant 0 : i32
      %lt3A_747 = arith.cmpi slt, %select_n3A_740, %lt3A_746 : i32
      %ne3A_748 = arith.xori %lt3A_745, %lt3A_747 : i1
      %and3A_749 = arith.andi %ne3A_748, %ne3A_743 : i1
      %add3A_750 = arith.addi %rem3A_741, %select_n3A_740 : i32
      %select_n3A_751 = arith.select %and3A_749, %add3A_750, %rem3A_741 : i32
      %mul3A_752 = arith.constant 64 : i32
      %mul3A_753 = arith.muli %select_n3A_751, %mul3A_752 : i32
      %dma_wait3A_754 = tpu.memref_slice %arg9[%select_n3A_735, %mul3A_753] : memref<50x128xi32, #tpu.memory_space<vmem>> -> memref<1x64xi32, #tpu.memory_space<vmem>>
      %dma_wait3A_755 = tpu.memref_squeeze %dma_wait3A_754 : memref<1x64xi32, #tpu.memory_space<vmem>> -> memref<64xi32, #tpu.memory_space<vmem>>
      %dma_wait3A_756 = arith.constant 0 : i32
      %dma_wait3A_757 = arith.constant 0 : i32
      %dma_wait3A_758 = tpu.memref_slice %arg5[%dma_wait3A_756, %dma_wait3A_757] : memref<100000x128xf32, #tpu.memory_space<hbm>> -> memref<100000x128xf32, #tpu.memory_space<hbm>>
      tpu.wait_indirect_dma semaphore(%arg27 : memref<!tpu.dma_semaphore, #tpu.memory_space<semaphore_mem>>) src(%dma_wait3A_758 : memref<100000x128xf32, #tpu.memory_space<hbm>>) dst(%arg15 : memref<64x128xf32, #tpu.memory_space<vmem>>)
      %jit3A_759 = arith.constant 2 : i32
      %div3A_760 = arith.divsi %add3A_711, %jit3A_759 : i32
      %sign3A_761 = arith.constant 0 : i32
      %sign3A_762 = arith.cmpi sgt, %add3A_711, %sign3A_761 : i32
      %sign3A_763 = arith.extui %sign3A_762 : i1 to i32
      %sign3A_764 = arith.constant 0 : i32
      %sign3A_765 = arith.cmpi slt, %add3A_711, %sign3A_764 : i32
      %sign3A_766 = arith.extui %sign3A_765 : i1 to i32
      %sign3A_767 = arith.subi %sign3A_763, %sign3A_766 : i32
      %sign3A_768 = arith.constant 0 : i32
      %sign3A_769 = arith.cmpi sgt, %jit3A_759, %sign3A_768 : i32
      %sign3A_770 = arith.extui %sign3A_769 : i1 to i32
      %sign3A_771 = arith.constant 0 : i32
      %sign3A_772 = arith.cmpi slt, %jit3A_759, %sign3A_771 : i32
      %sign3A_773 = arith.extui %sign3A_772 : i1 to i32
      %sign3A_774 = arith.subi %sign3A_770, %sign3A_773 : i32
      %ne3A_775 = arith.cmpi ne, %sign3A_767, %sign3A_774 : i32
      %rem3A_776 = arith.remsi %add3A_711, %jit3A_759 : i32
      %ne3A_777 = arith.constant 0 : i32
      %ne3A_778 = arith.cmpi ne, %rem3A_776, %ne3A_777 : i32
      %and3A_779 = arith.andi %ne3A_775, %ne3A_778 : i1
      %sub3A_780 = arith.constant 1 : i32
      %sub3A_781 = arith.subi %div3A_760, %sub3A_780 : i32
      %select_n3A_782 = arith.select %and3A_779, %sub3A_781, %div3A_760 : i32
      %jit3A_783 = arith.constant 2 : i32
      %eq3A_784 = arith.constant 0 : i32
      %eq3A_785 = arith.cmpi eq, %jit3A_783, %eq3A_784 : i32
      %jit3A_786 = arith.constant 1 : i32
      %select_n3A_787 = arith.select %eq3A_785, %jit3A_786, %jit3A_783 : i32
      %rem3A_788 = arith.remsi %add3A_711, %select_n3A_787 : i32
      %ne3A_789 = arith.constant 0 : i32
      %ne3A_790 = arith.cmpi ne, %rem3A_788, %ne3A_789 : i32
      %lt3A_791 = arith.constant 0 : i32
      %lt3A_792 = arith.cmpi slt, %rem3A_788, %lt3A_791 : i32
      %lt3A_793 = arith.constant 0 : i32
      %lt3A_794 = arith.cmpi slt, %select_n3A_787, %lt3A_793 : i32
      %ne3A_795 = arith.xori %lt3A_792, %lt3A_794 : i1
      %and3A_796 = arith.andi %ne3A_795, %ne3A_790 : i1
      %add3A_797 = arith.addi %rem3A_788, %select_n3A_787 : i32
      %select_n3A_798 = arith.select %and3A_796, %add3A_797, %rem3A_788 : i32
      %mul3A_799 = arith.constant 64 : i32
      %mul3A_800 = arith.muli %select_n3A_798, %mul3A_799 : i32
      %dma_wait3A_801 = tpu.memref_slice %arg10[%select_n3A_782, %mul3A_800] : memref<50x128xi32, #tpu.memory_space<vmem>> -> memref<1x64xi32, #tpu.memory_space<vmem>>
      %dma_wait3A_802 = tpu.memref_squeeze %dma_wait3A_801 : memref<1x64xi32, #tpu.memory_space<vmem>> -> memref<64xi32, #tpu.memory_space<vmem>>
      %dma_wait3A_803 = arith.constant 0 : i32
      %dma_wait3A_804 = arith.constant 0 : i32
      %dma_wait3A_805 = tpu.memref_slice %arg6[%dma_wait3A_803, %dma_wait3A_804] : memref<10000x128xf32, #tpu.memory_space<hbm>> -> memref<10000x128xf32, #tpu.memory_space<hbm>>
      tpu.wait_indirect_dma semaphore(%arg31 : memref<!tpu.dma_semaphore, #tpu.memory_space<semaphore_mem>>) src(%dma_wait3A_805 : memref<10000x128xf32, #tpu.memory_space<hbm>>) dst(%arg19 : memref<64x128xf32, #tpu.memory_space<vmem>>)
      %jit3A_806 = arith.constant 2 : i32
      %div3A_807 = arith.divsi %add3A_711, %jit3A_806 : i32
      %sign3A_808 = arith.constant 0 : i32
      %sign3A_809 = arith.cmpi sgt, %add3A_711, %sign3A_808 : i32
      %sign3A_810 = arith.extui %sign3A_809 : i1 to i32
      %sign3A_811 = arith.constant 0 : i32
      %sign3A_812 = arith.cmpi slt, %add3A_711, %sign3A_811 : i32
      %sign3A_813 = arith.extui %sign3A_812 : i1 to i32
      %sign3A_814 = arith.subi %sign3A_810, %sign3A_813 : i32
      %sign3A_815 = arith.constant 0 : i32
      %sign3A_816 = arith.cmpi sgt, %jit3A_806, %sign3A_815 : i32
      %sign3A_817 = arith.extui %sign3A_816 : i1 to i32
      %sign3A_818 = arith.constant 0 : i32
      %sign3A_819 = arith.cmpi slt, %jit3A_806, %sign3A_818 : i32
      %sign3A_820 = arith.extui %sign3A_819 : i1 to i32
      %sign3A_821 = arith.subi %sign3A_817, %sign3A_820 : i32
      %ne3A_822 = arith.cmpi ne, %sign3A_814, %sign3A_821 : i32
      %rem3A_823 = arith.remsi %add3A_711, %jit3A_806 : i32
      %ne3A_824 = arith.constant 0 : i32
      %ne3A_825 = arith.cmpi ne, %rem3A_823, %ne3A_824 : i32
      %and3A_826 = arith.andi %ne3A_822, %ne3A_825 : i1
      %sub3A_827 = arith.constant 1 : i32
      %sub3A_828 = arith.subi %div3A_807, %sub3A_827 : i32
      %select_n3A_829 = arith.select %and3A_826, %sub3A_828, %div3A_807 : i32
      %jit3A_830 = arith.constant 2 : i32
      %eq3A_831 = arith.constant 0 : i32
      %eq3A_832 = arith.cmpi eq, %jit3A_830, %eq3A_831 : i32
      %jit3A_833 = arith.constant 1 : i32
      %select_n3A_834 = arith.select %eq3A_832, %jit3A_833, %jit3A_830 : i32
      %rem3A_835 = arith.remsi %add3A_711, %select_n3A_834 : i32
      %ne3A_836 = arith.constant 0 : i32
      %ne3A_837 = arith.cmpi ne, %rem3A_835, %ne3A_836 : i32
      %lt3A_838 = arith.constant 0 : i32
      %lt3A_839 = arith.cmpi slt, %rem3A_835, %lt3A_838 : i32
      %lt3A_840 = arith.constant 0 : i32
      %lt3A_841 = arith.cmpi slt, %select_n3A_834, %lt3A_840 : i32
      %ne3A_842 = arith.xori %lt3A_839, %lt3A_841 : i1
      %and3A_843 = arith.andi %ne3A_842, %ne3A_837 : i1
      %add3A_844 = arith.addi %rem3A_835, %select_n3A_834 : i32
      %select_n3A_845 = arith.select %and3A_843, %add3A_844, %rem3A_835 : i32
      %mul3A_846 = arith.constant 64 : i32
      %mul3A_847 = arith.muli %select_n3A_845, %mul3A_846 : i32
      %dma_wait3A_848 = tpu.memref_slice %arg11[%select_n3A_829, %mul3A_847] : memref<50x128xi32, #tpu.memory_space<vmem>> -> memref<1x64xi32, #tpu.memory_space<vmem>>
      %dma_wait3A_849 = tpu.memref_squeeze %dma_wait3A_848 : memref<1x64xi32, #tpu.memory_space<vmem>> -> memref<64xi32, #tpu.memory_space<vmem>>
      %dma_wait3A_850 = arith.constant 0 : i32
      %dma_wait3A_851 = arith.constant 0 : i32
      %dma_wait3A_852 = tpu.memref_slice %arg7[%dma_wait3A_850, %dma_wait3A_851] : memref<10000x128xf32, #tpu.memory_space<hbm>> -> memref<10000x128xf32, #tpu.memory_space<hbm>>
      tpu.wait_indirect_dma semaphore(%arg35 : memref<!tpu.dma_semaphore, #tpu.memory_space<semaphore_mem>>) src(%dma_wait3A_852 : memref<10000x128xf32, #tpu.memory_space<hbm>>) dst(%arg23 : memref<64x128xf32, #tpu.memory_space<vmem>>)
      %ge3A_853 = arith.constant 1 : i32
      %ge3A_854 = arith.cmpi sge, %add3A_711, %ge3A_853 : i32
      %convert_element_type3A_855 = arith.extui %ge3A_854 : i1 to i32
      %cond3A_856 = arith.constant 0 : i32
      %cond3A_857 = arith.cmpi ne, %convert_element_type3A_855, %cond3A_856 : i32
      scf.if %cond3A_857 {
        %sub3A_922 = arith.constant 1 : i32
        %sub3A_923 = arith.subi %add3A_711, %sub3A_922 : i32
        %jit3A_924 = arith.constant 2 : i32
        %div3A_925 = arith.divsi %sub3A_923, %jit3A_924 : i32
        %sign3A_926 = arith.constant 0 : i32
        %sign3A_927 = arith.cmpi sgt, %sub3A_923, %sign3A_926 : i32
        %sign3A_928 = arith.extui %sign3A_927 : i1 to i32
        %sign3A_929 = arith.constant 0 : i32
        %sign3A_930 = arith.cmpi slt, %sub3A_923, %sign3A_929 : i32
        %sign3A_931 = arith.extui %sign3A_930 : i1 to i32
        %sign3A_932 = arith.subi %sign3A_928, %sign3A_931 : i32
        %sign3A_933 = arith.constant 0 : i32
        %sign3A_934 = arith.cmpi sgt, %jit3A_924, %sign3A_933 : i32
        %sign3A_935 = arith.extui %sign3A_934 : i1 to i32
        %sign3A_936 = arith.constant 0 : i32
        %sign3A_937 = arith.cmpi slt, %jit3A_924, %sign3A_936 : i32
        %sign3A_938 = arith.extui %sign3A_937 : i1 to i32
        %sign3A_939 = arith.subi %sign3A_935, %sign3A_938 : i32
        %ne3A_940 = arith.cmpi ne, %sign3A_932, %sign3A_939 : i32
        %rem3A_941 = arith.remsi %sub3A_923, %jit3A_924 : i32
        %ne3A_942 = arith.constant 0 : i32
        %ne3A_943 = arith.cmpi ne, %rem3A_941, %ne3A_942 : i32
        %and3A_944 = arith.andi %ne3A_940, %ne3A_943 : i1
        %sub3A_945 = arith.constant 1 : i32
        %sub3A_946 = arith.subi %div3A_925, %sub3A_945 : i32
        %select_n3A_947 = arith.select %and3A_944, %sub3A_946, %div3A_925 : i32
        %jit3A_948 = arith.constant 2 : i32
        %eq3A_949 = arith.constant 0 : i32
        %eq3A_950 = arith.cmpi eq, %jit3A_948, %eq3A_949 : i32
        %jit3A_951 = arith.constant 1 : i32
        %select_n3A_952 = arith.select %eq3A_950, %jit3A_951, %jit3A_948 : i32
        %rem3A_953 = arith.remsi %sub3A_923, %select_n3A_952 : i32
        %ne3A_954 = arith.constant 0 : i32
        %ne3A_955 = arith.cmpi ne, %rem3A_953, %ne3A_954 : i32
        %lt3A_956 = arith.constant 0 : i32
        %lt3A_957 = arith.cmpi slt, %rem3A_953, %lt3A_956 : i32
        %lt3A_958 = arith.constant 0 : i32
        %lt3A_959 = arith.cmpi slt, %select_n3A_952, %lt3A_958 : i32
        %ne3A_960 = arith.xori %lt3A_957, %lt3A_959 : i1
        %and3A_961 = arith.andi %ne3A_960, %ne3A_955 : i1
        %add3A_962 = arith.addi %rem3A_953, %select_n3A_952 : i32
        %select_n3A_963 = arith.select %and3A_961, %add3A_962, %rem3A_953 : i32
        %mul3A_964 = arith.constant 64 : i32
        %mul3A_965 = arith.muli %select_n3A_963, %mul3A_964 : i32
        %add3A_966 = arith.addi %mul3A_2, %mul3A_965 : i32
        %dma_wait3A_967 = arith.constant 0 : i32
        %dma_wait3A_968 = tpu.memref_slice %arg8[%select_n3A_947, %add3A_966, %dma_wait3A_967] : memref<50x4096x128xf32, #tpu.memory_space<hbm>> -> memref<1x64x128xf32, #tpu.memory_space<hbm>>
        %dma_wait3A_969 = tpu.memref_squeeze %dma_wait3A_968 : memref<1x64x128xf32, #tpu.memory_space<hbm>> -> memref<64x128xf32, #tpu.memory_space<hbm>>
        %dma_wait3A_970 = arith.constant 0 : i32
        %dma_wait3A_971 = tpu.memref_slice %arg8[%select_n3A_947, %add3A_966, %dma_wait3A_970] : memref<50x4096x128xf32, #tpu.memory_space<hbm>> -> memref<1x64x128xf32, #tpu.memory_space<hbm>>
        %dma_wait3A_972 = tpu.memref_squeeze %dma_wait3A_971 : memref<1x64x128xf32, #tpu.memory_space<hbm>> -> memref<64x128xf32, #tpu.memory_space<hbm>>
        tpu.wait_dma2 semaphore(%arg38 : memref<!tpu.dma_semaphore, #tpu.memory_space<semaphore_mem>>) src(%arg14 : memref<64x128xf32, #tpu.memory_space<vmem>>) dst(%dma_wait3A_972 : memref<64x128xf32, #tpu.memory_space<hbm>>)
      } else {
      }
      %add3A_858 = arith.constant 4 : i32
      %add3A_859 = arith.addi %add3A_711, %add3A_858 : i32
      %sub3A_860 = arith.constant 1 : i32
      %sub3A_861 = arith.subi %add3A_859, %sub3A_860 : i32
      %lt3A_862 = arith.constant 100 : i32
      %lt3A_863 = arith.cmpi slt, %sub3A_861, %lt3A_862 : i32
      %convert_element_type3A_864 = arith.extui %lt3A_863 : i1 to i32
      %cond3A_865 = arith.constant 0 : i32
      %cond3A_866 = arith.cmpi ne, %convert_element_type3A_864, %cond3A_865 : i32
      scf.if %cond3A_866 {
        %add3A_922 = arith.constant 4 : i32
        %add3A_923 = arith.addi %add3A_711, %add3A_922 : i32
        %sub3A_924 = arith.constant 1 : i32
        %sub3A_925 = arith.subi %add3A_923, %sub3A_924 : i32
        %jit3A_926 = arith.constant 2 : i32
        %div3A_927 = arith.divsi %sub3A_925, %jit3A_926 : i32
        %sign3A_928 = arith.constant 0 : i32
        %sign3A_929 = arith.cmpi sgt, %sub3A_925, %sign3A_928 : i32
        %sign3A_930 = arith.extui %sign3A_929 : i1 to i32
        %sign3A_931 = arith.constant 0 : i32
        %sign3A_932 = arith.cmpi slt, %sub3A_925, %sign3A_931 : i32
        %sign3A_933 = arith.extui %sign3A_932 : i1 to i32
        %sign3A_934 = arith.subi %sign3A_930, %sign3A_933 : i32
        %sign3A_935 = arith.constant 0 : i32
        %sign3A_936 = arith.cmpi sgt, %jit3A_926, %sign3A_935 : i32
        %sign3A_937 = arith.extui %sign3A_936 : i1 to i32
        %sign3A_938 = arith.constant 0 : i32
        %sign3A_939 = arith.cmpi slt, %jit3A_926, %sign3A_938 : i32
        %sign3A_940 = arith.extui %sign3A_939 : i1 to i32
        %sign3A_941 = arith.subi %sign3A_937, %sign3A_940 : i32
        %ne3A_942 = arith.cmpi ne, %sign3A_934, %sign3A_941 : i32
        %rem3A_943 = arith.remsi %sub3A_925, %jit3A_926 : i32
        %ne3A_944 = arith.constant 0 : i32
        %ne3A_945 = arith.cmpi ne, %rem3A_943, %ne3A_944 : i32
        %and3A_946 = arith.andi %ne3A_942, %ne3A_945 : i1
        %sub3A_947 = arith.constant 1 : i32
        %sub3A_948 = arith.subi %div3A_927, %sub3A_947 : i32
        %select_n3A_949 = arith.select %and3A_946, %sub3A_948, %div3A_927 : i32
        %jit3A_950 = arith.constant 2 : i32
        %eq3A_951 = arith.constant 0 : i32
        %eq3A_952 = arith.cmpi eq, %jit3A_950, %eq3A_951 : i32
        %jit3A_953 = arith.constant 1 : i32
        %select_n3A_954 = arith.select %eq3A_952, %jit3A_953, %jit3A_950 : i32
        %rem3A_955 = arith.remsi %sub3A_925, %select_n3A_954 : i32
        %ne3A_956 = arith.constant 0 : i32
        %ne3A_957 = arith.cmpi ne, %rem3A_955, %ne3A_956 : i32
        %lt3A_958 = arith.constant 0 : i32
        %lt3A_959 = arith.cmpi slt, %rem3A_955, %lt3A_958 : i32
        %lt3A_960 = arith.constant 0 : i32
        %lt3A_961 = arith.cmpi slt, %select_n3A_954, %lt3A_960 : i32
        %ne3A_962 = arith.xori %lt3A_959, %lt3A_961 : i1
        %and3A_963 = arith.andi %ne3A_962, %ne3A_957 : i1
        %add3A_964 = arith.addi %rem3A_955, %select_n3A_954 : i32
        %select_n3A_965 = arith.select %and3A_963, %add3A_964, %rem3A_955 : i32
        %mul3A_966 = arith.constant 64 : i32
        %mul3A_967 = arith.muli %select_n3A_965, %mul3A_966 : i32
        %dma_start3A_968 = tpu.memref_slice %arg9[%select_n3A_949, %mul3A_967] : memref<50x128xi32, #tpu.memory_space<vmem>> -> memref<1x64xi32, #tpu.memory_space<vmem>>
        %dma_start3A_969 = tpu.memref_squeeze %dma_start3A_968 : memref<1x64xi32, #tpu.memory_space<vmem>> -> memref<64xi32, #tpu.memory_space<vmem>>
        %dma_start3A_970 = arith.constant 0 : i32
        %dma_start3A_971 = arith.constant 0 : i32
        %dma_start3A_972 = tpu.memref_slice %arg5[%dma_start3A_970, %dma_start3A_971] : memref<100000x128xf32, #tpu.memory_space<hbm>> -> memref<100000x128xf32, #tpu.memory_space<hbm>>
        tpu.enqueue_indirect_dma source(%dma_start3A_972 : memref<100000x128xf32, #tpu.memory_space<hbm>>) target(%arg14 : memref<64x128xf32, #tpu.memory_space<vmem>>) offsets(%dma_start3A_969 : memref<64xi32, #tpu.memory_space<vmem>>) semaphore(%arg26 : memref<!tpu.dma_semaphore, #tpu.memory_space<semaphore_mem>>)
        %jit3A_973 = arith.constant 2 : i32
        %div3A_974 = arith.divsi %sub3A_925, %jit3A_973 : i32
        %sign3A_975 = arith.constant 0 : i32
        %sign3A_976 = arith.cmpi sgt, %sub3A_925, %sign3A_975 : i32
        %sign3A_977 = arith.extui %sign3A_976 : i1 to i32
        %sign3A_978 = arith.constant 0 : i32
        %sign3A_979 = arith.cmpi slt, %sub3A_925, %sign3A_978 : i32
        %sign3A_980 = arith.extui %sign3A_979 : i1 to i32
        %sign3A_981 = arith.subi %sign3A_977, %sign3A_980 : i32
        %sign3A_982 = arith.constant 0 : i32
        %sign3A_983 = arith.cmpi sgt, %jit3A_973, %sign3A_982 : i32
        %sign3A_984 = arith.extui %sign3A_983 : i1 to i32
        %sign3A_985 = arith.constant 0 : i32
        %sign3A_986 = arith.cmpi slt, %jit3A_973, %sign3A_985 : i32
        %sign3A_987 = arith.extui %sign3A_986 : i1 to i32
        %sign3A_988 = arith.subi %sign3A_984, %sign3A_987 : i32
        %ne3A_989 = arith.cmpi ne, %sign3A_981, %sign3A_988 : i32
        %rem3A_990 = arith.remsi %sub3A_925, %jit3A_973 : i32
        %ne3A_991 = arith.constant 0 : i32
        %ne3A_992 = arith.cmpi ne, %rem3A_990, %ne3A_991 : i32
        %and3A_993 = arith.andi %ne3A_989, %ne3A_992 : i1
        %sub3A_994 = arith.constant 1 : i32
        %sub3A_995 = arith.subi %div3A_974, %sub3A_994 : i32
        %select_n3A_996 = arith.select %and3A_993, %sub3A_995, %div3A_974 : i32
        %jit3A_997 = arith.constant 2 : i32
        %eq3A_998 = arith.constant 0 : i32
        %eq3A_999 = arith.cmpi eq, %jit3A_997, %eq3A_998 : i32
        %jit3A_1000 = arith.constant 1 : i32
        %select_n3A_1001 = arith.select %eq3A_999, %jit3A_1000, %jit3A_997 : i32
        %rem3A_1002 = arith.remsi %sub3A_925, %select_n3A_1001 : i32
        %ne3A_1003 = arith.constant 0 : i32
        %ne3A_1004 = arith.cmpi ne, %rem3A_1002, %ne3A_1003 : i32
        %lt3A_1005 = arith.constant 0 : i32
        %lt3A_1006 = arith.cmpi slt, %rem3A_1002, %lt3A_1005 : i32
        %lt3A_1007 = arith.constant 0 : i32
        %lt3A_1008 = arith.cmpi slt, %select_n3A_1001, %lt3A_1007 : i32
        %ne3A_1009 = arith.xori %lt3A_1006, %lt3A_1008 : i1
        %and3A_1010 = arith.andi %ne3A_1009, %ne3A_1004 : i1
        %add3A_1011 = arith.addi %rem3A_1002, %select_n3A_1001 : i32
        %select_n3A_1012 = arith.select %and3A_1010, %add3A_1011, %rem3A_1002 : i32
        %mul3A_1013 = arith.constant 64 : i32
        %mul3A_1014 = arith.muli %select_n3A_1012, %mul3A_1013 : i32
        %dma_start3A_1015 = tpu.memref_slice %arg10[%select_n3A_996, %mul3A_1014] : memref<50x128xi32, #tpu.memory_space<vmem>> -> memref<1x64xi32, #tpu.memory_space<vmem>>
        %dma_start3A_1016 = tpu.memref_squeeze %dma_start3A_1015 : memref<1x64xi32, #tpu.memory_space<vmem>> -> memref<64xi32, #tpu.memory_space<vmem>>
        %dma_start3A_1017 = arith.constant 0 : i32
        %dma_start3A_1018 = arith.constant 0 : i32
        %dma_start3A_1019 = tpu.memref_slice %arg6[%dma_start3A_1017, %dma_start3A_1018] : memref<10000x128xf32, #tpu.memory_space<hbm>> -> memref<10000x128xf32, #tpu.memory_space<hbm>>
        tpu.enqueue_indirect_dma source(%dma_start3A_1019 : memref<10000x128xf32, #tpu.memory_space<hbm>>) target(%arg18 : memref<64x128xf32, #tpu.memory_space<vmem>>) offsets(%dma_start3A_1016 : memref<64xi32, #tpu.memory_space<vmem>>) semaphore(%arg30 : memref<!tpu.dma_semaphore, #tpu.memory_space<semaphore_mem>>)
        %jit3A_1020 = arith.constant 2 : i32
        %div3A_1021 = arith.divsi %sub3A_925, %jit3A_1020 : i32
        %sign3A_1022 = arith.constant 0 : i32
        %sign3A_1023 = arith.cmpi sgt, %sub3A_925, %sign3A_1022 : i32
        %sign3A_1024 = arith.extui %sign3A_1023 : i1 to i32
        %sign3A_1025 = arith.constant 0 : i32
        %sign3A_1026 = arith.cmpi slt, %sub3A_925, %sign3A_1025 : i32
        %sign3A_1027 = arith.extui %sign3A_1026 : i1 to i32
        %sign3A_1028 = arith.subi %sign3A_1024, %sign3A_1027 : i32
        %sign3A_1029 = arith.constant 0 : i32
        %sign3A_1030 = arith.cmpi sgt, %jit3A_1020, %sign3A_1029 : i32
        %sign3A_1031 = arith.extui %sign3A_1030 : i1 to i32
        %sign3A_1032 = arith.constant 0 : i32
        %sign3A_1033 = arith.cmpi slt, %jit3A_1020, %sign3A_1032 : i32
        %sign3A_1034 = arith.extui %sign3A_1033 : i1 to i32
        %sign3A_1035 = arith.subi %sign3A_1031, %sign3A_1034 : i32
        %ne3A_1036 = arith.cmpi ne, %sign3A_1028, %sign3A_1035 : i32
        %rem3A_1037 = arith.remsi %sub3A_925, %jit3A_1020 : i32
        %ne3A_1038 = arith.constant 0 : i32
        %ne3A_1039 = arith.cmpi ne, %rem3A_1037, %ne3A_1038 : i32
        %and3A_1040 = arith.andi %ne3A_1036, %ne3A_1039 : i1
        %sub3A_1041 = arith.constant 1 : i32
        %sub3A_1042 = arith.subi %div3A_1021, %sub3A_1041 : i32
        %select_n3A_1043 = arith.select %and3A_1040, %sub3A_1042, %div3A_1021 : i32
        %jit3A_1044 = arith.constant 2 : i32
        %eq3A_1045 = arith.constant 0 : i32
        %eq3A_1046 = arith.cmpi eq, %jit3A_1044, %eq3A_1045 : i32
        %jit3A_1047 = arith.constant 1 : i32
        %select_n3A_1048 = arith.select %eq3A_1046, %jit3A_1047, %jit3A_1044 : i32
        %rem3A_1049 = arith.remsi %sub3A_925, %select_n3A_1048 : i32
        %ne3A_1050 = arith.constant 0 : i32
        %ne3A_1051 = arith.cmpi ne, %rem3A_1049, %ne3A_1050 : i32
        %lt3A_1052 = arith.constant 0 : i32
        %lt3A_1053 = arith.cmpi slt, %rem3A_1049, %lt3A_1052 : i32
        %lt3A_1054 = arith.constant 0 : i32
        %lt3A_1055 = arith.cmpi slt, %select_n3A_1048, %lt3A_1054 : i32
        %ne3A_1056 = arith.xori %lt3A_1053, %lt3A_1055 : i1
        %and3A_1057 = arith.andi %ne3A_1056, %ne3A_1051 : i1
        %add3A_1058 = arith.addi %rem3A_1049, %select_n3A_1048 : i32
        %select_n3A_1059 = arith.select %and3A_1057, %add3A_1058, %rem3A_1049 : i32
        %mul3A_1060 = arith.constant 64 : i32
        %mul3A_1061 = arith.muli %select_n3A_1059, %mul3A_1060 : i32
        %dma_start3A_1062 = tpu.memref_slice %arg11[%select_n3A_1043, %mul3A_1061] : memref<50x128xi32, #tpu.memory_space<vmem>> -> memref<1x64xi32, #tpu.memory_space<vmem>>
        %dma_start3A_1063 = tpu.memref_squeeze %dma_start3A_1062 : memref<1x64xi32, #tpu.memory_space<vmem>> -> memref<64xi32, #tpu.memory_space<vmem>>
        %dma_start3A_1064 = arith.constant 0 : i32
        %dma_start3A_1065 = arith.constant 0 : i32
        %dma_start3A_1066 = tpu.memref_slice %arg7[%dma_start3A_1064, %dma_start3A_1065] : memref<10000x128xf32, #tpu.memory_space<hbm>> -> memref<10000x128xf32, #tpu.memory_space<hbm>>
        tpu.enqueue_indirect_dma source(%dma_start3A_1066 : memref<10000x128xf32, #tpu.memory_space<hbm>>) target(%arg22 : memref<64x128xf32, #tpu.memory_space<vmem>>) offsets(%dma_start3A_1063 : memref<64xi32, #tpu.memory_space<vmem>>) semaphore(%arg34 : memref<!tpu.dma_semaphore, #tpu.memory_space<semaphore_mem>>)
      } else {
      }
      %scan3A_867 = arith.constant 0 : i32
      %scan3A_868 = arith.constant 0 : i32
      %scan3A_869 = arith.constant 64 : i32
      %scan3A_870 = arith.addi %scan3A_868, %scan3A_869 : i32
      %scan3A_871 = arith.constant 2 : i32
      scf.for %scan3A_922 = %scan3A_868 to %scan3A_870 step %scan3A_871  : i32 {
        %get3A = arith.index_cast %scan3A_922 : i32 to index
        %get3A_923 = arith.constant 0 : index
        %get3A_924 = tpu.vector_load %arg19[%get3A, %get3A_923] {strides = array<i32>} : memref<64x128xf32, #tpu.memory_space<vmem>>, vector<1x16xf32>,
        %get3A_925 = vector.shape_cast %get3A_924 : vector<1x16xf32> to vector<16xf32>
        %get3A_926 = arith.index_cast %scan3A_922 : i32 to index
        %get3A_927 = arith.constant 0 : index
        %get3A_928 = tpu.vector_load %arg23[%get3A_926, %get3A_927] {strides = array<i32>} : memref<64x128xf32, #tpu.memory_space<vmem>>, vector<1x16xf32>,
        %get3A_929 = vector.shape_cast %get3A_928 : vector<1x16xf32> to vector<16xf32>
        %add3A_930 = arith.addf %get3A_925, %get3A_929 : vector<16xf32>
        %swap3A = arith.index_cast %scan3A_922 : i32 to index
        %swap3A_931 = arith.constant 0 : index
        %swap3A_932 = tpu.vector_load %arg15[%swap3A, %swap3A_931] {strides = array<i32>} : memref<64x128xf32, #tpu.memory_space<vmem>>, vector<1x16xf32>,
        %swap3A_933 = vector.shape_cast %swap3A_932 : vector<1x16xf32> to vector<16xf32>
        %swap3A_934 = vector.shape_cast %add3A_930 : vector<16xf32> to vector<1x16xf32>
        tpu.vector_store %arg15[%swap3A, %swap3A_931], %swap3A_934 {add = true, strides = array<i32>} : memref<64x128xf32, #tpu.memory_space<vmem>>, vector<1x16xf32>,
        %get3A_935 = arith.index_cast %scan3A_922 : i32 to index
        %get3A_936 = arith.constant 16 : index
        %get3A_937 = tpu.vector_load %arg19[%get3A_935, %get3A_936] {strides = array<i32>} : memref<64x128xf32, #tpu.memory_space<vmem>>, vector<1x16xf32>,
        %get3A_938 = vector.shape_cast %get3A_937 : vector<1x16xf32> to vector<16xf32>
        %get3A_939 = arith.index_cast %scan3A_922 : i32 to index
        %get3A_940 = arith.constant 16 : index
        %get3A_941 = tpu.vector_load %arg23[%get3A_939, %get3A_940] {strides = array<i32>} : memref<64x128xf32, #tpu.memory_space<vmem>>, vector<1x16xf32>,
        %get3A_942 = vector.shape_cast %get3A_941 : vector<1x16xf32> to vector<16xf32>
        %add3A_943 = arith.addf %get3A_938, %get3A_942 : vector<16xf32>
        %swap3A_944 = arith.index_cast %scan3A_922 : i32 to index
        %swap3A_945 = arith.constant 16 : index
        %swap3A_946 = tpu.vector_load %arg15[%swap3A_944, %swap3A_945] {strides = array<i32>} : memref<64x128xf32, #tpu.memory_space<vmem>>, vector<1x16xf32>,
        %swap3A_947 = vector.shape_cast %swap3A_946 : vector<1x16xf32> to vector<16xf32>
        %swap3A_948 = vector.shape_cast %add3A_943 : vector<16xf32> to vector<1x16xf32>
        tpu.vector_store %arg15[%swap3A_944, %swap3A_945], %swap3A_948 {add = true, strides = array<i32>} : memref<64x128xf32, #tpu.memory_space<vmem>>, vector<1x16xf32>,
        %get3A_949 = arith.index_cast %scan3A_922 : i32 to index
        %get3A_950 = arith.constant 32 : index
        %get3A_951 = tpu.vector_load %arg19[%get3A_949, %get3A_950] {strides = array<i32>} : memref<64x128xf32, #tpu.memory_space<vmem>>, vector<1x16xf32>,
        %get3A_952 = vector.shape_cast %get3A_951 : vector<1x16xf32> to vector<16xf32>
        %get3A_953 = arith.index_cast %scan3A_922 : i32 to index
        %get3A_954 = arith.constant 32 : index
        %get3A_955 = tpu.vector_load %arg23[%get3A_953, %get3A_954] {strides = array<i32>} : memref<64x128xf32, #tpu.memory_space<vmem>>, vector<1x16xf32>,
        %get3A_956 = vector.shape_cast %get3A_955 : vector<1x16xf32> to vector<16xf32>
        %add3A_957 = arith.addf %get3A_952, %get3A_956 : vector<16xf32>
        %swap3A_958 = arith.index_cast %scan3A_922 : i32 to index
        %swap3A_959 = arith.constant 32 : index
        %swap3A_960 = tpu.vector_load %arg15[%swap3A_958, %swap3A_959] {strides = array<i32>} : memref<64x128xf32, #tpu.memory_space<vmem>>, vector<1x16xf32>,
        %swap3A_961 = vector.shape_cast %swap3A_960 : vector<1x16xf32> to vector<16xf32>
        %swap3A_962 = vector.shape_cast %add3A_957 : vector<16xf32> to vector<1x16xf32>
        tpu.vector_store %arg15[%swap3A_958, %swap3A_959], %swap3A_962 {add = true, strides = array<i32>} : memref<64x128xf32, #tpu.memory_space<vmem>>, vector<1x16xf32>,
        %get3A_963 = arith.index_cast %scan3A_922 : i32 to index
        %get3A_964 = arith.constant 48 : index
        %get3A_965 = tpu.vector_load %arg19[%get3A_963, %get3A_964] {strides = array<i32>} : memref<64x128xf32, #tpu.memory_space<vmem>>, vector<1x16xf32>,
        %get3A_966 = vector.shape_cast %get3A_965 : vector<1x16xf32> to vector<16xf32>
        %get3A_967 = arith.index_cast %scan3A_922 : i32 to index
        %get3A_968 = arith.constant 48 : index
        %get3A_969 = tpu.vector_load %arg23[%get3A_967, %get3A_968] {strides = array<i32>} : memref<64x128xf32, #tpu.memory_space<vmem>>, vector<1x16xf32>,
        %get3A_970 = vector.shape_cast %get3A_969 : vector<1x16xf32> to vector<16xf32>
        %add3A_971 = arith.addf %get3A_966, %get3A_970 : vector<16xf32>
        %swap3A_972 = arith.index_cast %scan3A_922 : i32 to index
        %swap3A_973 = arith.constant 48 : index
        %swap3A_974 = tpu.vector_load %arg15[%swap3A_972, %swap3A_973] {strides = array<i32>} : memref<64x128xf32, #tpu.memory_space<vmem>>, vector<1x16xf32>,
        %swap3A_975 = vector.shape_cast %swap3A_974 : vector<1x16xf32> to vector<16xf32>
        %swap3A_976 = vector.shape_cast %add3A_971 : vector<16xf32> to vector<1x16xf32>
        tpu.vector_store %arg15[%swap3A_972, %swap3A_973], %swap3A_976 {add = true, strides = array<i32>} : memref<64x128xf32, #tpu.memory_space<vmem>>, vector<1x16xf32>,
        %get3A_977 = arith.index_cast %scan3A_922 : i32 to index
        %get3A_978 = arith.constant 64 : index
        %get3A_979 = tpu.vector_load %arg19[%get3A_977, %get3A_978] {strides = array<i32>} : memref<64x128xf32, #tpu.memory_space<vmem>>, vector<1x16xf32>,
        %get3A_980 = vector.shape_cast %get3A_979 : vector<1x16xf32> to vector<16xf32>
        %get3A_981 = arith.index_cast %scan3A_922 : i32 to index
        %get3A_982 = arith.constant 64 : index
        %get3A_983 = tpu.vector_load %arg23[%get3A_981, %get3A_982] {strides = array<i32>} : memref<64x128xf32, #tpu.memory_space<vmem>>, vector<1x16xf32>,
        %get3A_984 = vector.shape_cast %get3A_983 : vector<1x16xf32> to vector<16xf32>
        %add3A_985 = arith.addf %get3A_980, %get3A_984 : vector<16xf32>
        %swap3A_986 = arith.index_cast %scan3A_922 : i32 to index
        %swap3A_987 = arith.constant 64 : index
        %swap3A_988 = tpu.vector_load %arg15[%swap3A_986, %swap3A_987] {strides = array<i32>} : memref<64x128xf32, #tpu.memory_space<vmem>>, vector<1x16xf32>,
        %swap3A_989 = vector.shape_cast %swap3A_988 : vector<1x16xf32> to vector<16xf32>
        %swap3A_990 = vector.shape_cast %add3A_985 : vector<16xf32> to vector<1x16xf32>
        tpu.vector_store %arg15[%swap3A_986, %swap3A_987], %swap3A_990 {add = true, strides = array<i32>} : memref<64x128xf32, #tpu.memory_space<vmem>>, vector<1x16xf32>,
        %get3A_991 = arith.index_cast %scan3A_922 : i32 to index
        %get3A_992 = arith.constant 80 : index
        %get3A_993 = tpu.vector_load %arg19[%get3A_991, %get3A_992] {strides = array<i32>} : memref<64x128xf32, #tpu.memory_space<vmem>>, vector<1x16xf32>,
        %get3A_994 = vector.shape_cast %get3A_993 : vector<1x16xf32> to vector<16xf32>
        %get3A_995 = arith.index_cast %scan3A_922 : i32 to index
        %get3A_996 = arith.constant 80 : index
        %get3A_997 = tpu.vector_load %arg23[%get3A_995, %get3A_996] {strides = array<i32>} : memref<64x128xf32, #tpu.memory_space<vmem>>, vector<1x16xf32>,
        %get3A_998 = vector.shape_cast %get3A_997 : vector<1x16xf32> to vector<16xf32>
        %add3A_999 = arith.addf %get3A_994, %get3A_998 : vector<16xf32>
        %swap3A_1000 = arith.index_cast %scan3A_922 : i32 to index
        %swap3A_1001 = arith.constant 80 : index
        %swap3A_1002 = tpu.vector_load %arg15[%swap3A_1000, %swap3A_1001] {strides = array<i32>} : memref<64x128xf32, #tpu.memory_space<vmem>>, vector<1x16xf32>,
        %swap3A_1003 = vector.shape_cast %swap3A_1002 : vector<1x16xf32> to vector<16xf32>
        %swap3A_1004 = vector.shape_cast %add3A_999 : vector<16xf32> to vector<1x16xf32>
        tpu.vector_store %arg15[%swap3A_1000, %swap3A_1001], %swap3A_1004 {add = true, strides = array<i32>} : memref<64x128xf32, #tpu.memory_space<vmem>>, vector<1x16xf32>,
        %get3A_1005 = arith.index_cast %scan3A_922 : i32 to index
        %get3A_1006 = arith.constant 96 : index
        %get3A_1007 = tpu.vector_load %arg19[%get3A_1005, %get3A_1006] {strides = array<i32>} : memref<64x128xf32, #tpu.memory_space<vmem>>, vector<1x16xf32>,
        %get3A_1008 = vector.shape_cast %get3A_1007 : vector<1x16xf32> to vector<16xf32>
        %get3A_1009 = arith.index_cast %scan3A_922 : i32 to index
        %get3A_1010 = arith.constant 96 : index
        %get3A_1011 = tpu.vector_load %arg23[%get3A_1009, %get3A_1010] {strides = array<i32>} : memref<64x128xf32, #tpu.memory_space<vmem>>, vector<1x16xf32>,
        %get3A_1012 = vector.shape_cast %get3A_1011 : vector<1x16xf32> to vector<16xf32>
        %add3A_1013 = arith.addf %get3A_1008, %get3A_1012 : vector<16xf32>
        %swap3A_1014 = arith.index_cast %scan3A_922 : i32 to index
        %swap3A_1015 = arith.constant 96 : index
        %swap3A_1016 = tpu.vector_load %arg15[%swap3A_1014, %swap3A_1015] {strides = array<i32>} : memref<64x128xf32, #tpu.memory_space<vmem>>, vector<1x16xf32>,
        %swap3A_1017 = vector.shape_cast %swap3A_1016 : vector<1x16xf32> to vector<16xf32>
        %swap3A_1018 = vector.shape_cast %add3A_1013 : vector<16xf32> to vector<1x16xf32>
        tpu.vector_store %arg15[%swap3A_1014, %swap3A_1015], %swap3A_1018 {add = true, strides = array<i32>} : memref<64x128xf32, #tpu.memory_space<vmem>>, vector<1x16xf32>,
        %get3A_1019 = arith.index_cast %scan3A_922 : i32 to index
        %get3A_1020 = arith.constant 112 : index
        %get3A_1021 = tpu.vector_load %arg19[%get3A_1019, %get3A_1020] {strides = array<i32>} : memref<64x128xf32, #tpu.memory_space<vmem>>, vector<1x16xf32>,
        %get3A_1022 = vector.shape_cast %get3A_1021 : vector<1x16xf32> to vector<16xf32>
        %get3A_1023 = arith.index_cast %scan3A_922 : i32 to index
        %get3A_1024 = arith.constant 112 : index
        %get3A_1025 = tpu.vector_load %arg23[%get3A_1023, %get3A_1024] {strides = array<i32>} : memref<64x128xf32, #tpu.memory_space<vmem>>, vector<1x16xf32>,
        %get3A_1026 = vector.shape_cast %get3A_1025 : vector<1x16xf32> to vector<16xf32>
        %add3A_1027 = arith.addf %get3A_1022, %get3A_1026 : vector<16xf32>
        %swap3A_1028 = arith.index_cast %scan3A_922 : i32 to index
        %swap3A_1029 = arith.constant 112 : index
        %swap3A_1030 = tpu.vector_load %arg15[%swap3A_1028, %swap3A_1029] {strides = array<i32>} : memref<64x128xf32, #tpu.memory_space<vmem>>, vector<1x16xf32>,
        %swap3A_1031 = vector.shape_cast %swap3A_1030 : vector<1x16xf32> to vector<16xf32>
        %swap3A_1032 = vector.shape_cast %add3A_1027 : vector<16xf32> to vector<1x16xf32>
        tpu.vector_store %arg15[%swap3A_1028, %swap3A_1029], %swap3A_1032 {add = true, strides = array<i32>} : memref<64x128xf32, #tpu.memory_space<vmem>>, vector<1x16xf32>,
        %scan3A_1033 = arith.constant 1 : i32
        %scan3A_1034 = arith.addi %scan3A_922, %scan3A_1033 : i32
        %get3A_1035 = arith.index_cast %scan3A_1034 : i32 to index
        %get3A_1036 = arith.constant 0 : index
        %get3A_1037 = tpu.vector_load %arg19[%get3A_1035, %get3A_1036] {strides = array<i32>} : memref<64x128xf32, #tpu.memory_space<vmem>>, vector<1x16xf32>,
        %get3A_1038 = vector.shape_cast %get3A_1037 : vector<1x16xf32> to vector<16xf32>
        %get3A_1039 = arith.index_cast %scan3A_1034 : i32 to index
        %get3A_1040 = arith.constant 0 : index
        %get3A_1041 = tpu.vector_load %arg23[%get3A_1039, %get3A_1040] {strides = array<i32>} : memref<64x128xf32, #tpu.memory_space<vmem>>, vector<1x16xf32>,
        %get3A_1042 = vector.shape_cast %get3A_1041 : vector<1x16xf32> to vector<16xf32>
        %add3A_1043 = arith.addf %get3A_1038, %get3A_1042 : vector<16xf32>
        %swap3A_1044 = arith.index_cast %scan3A_1034 : i32 to index
        %swap3A_1045 = arith.constant 0 : index
        %swap3A_1046 = tpu.vector_load %arg15[%swap3A_1044, %swap3A_1045] {strides = array<i32>} : memref<64x128xf32, #tpu.memory_space<vmem>>, vector<1x16xf32>,
        %swap3A_1047 = vector.shape_cast %swap3A_1046 : vector<1x16xf32> to vector<16xf32>
        %swap3A_1048 = vector.shape_cast %add3A_1043 : vector<16xf32> to vector<1x16xf32>
        tpu.vector_store %arg15[%swap3A_1044, %swap3A_1045], %swap3A_1048 {add = true, strides = array<i32>} : memref<64x128xf32, #tpu.memory_space<vmem>>, vector<1x16xf32>,
        %get3A_1049 = arith.index_cast %scan3A_1034 : i32 to index
        %get3A_1050 = arith.constant 16 : index
        %get3A_1051 = tpu.vector_load %arg19[%get3A_1049, %get3A_1050] {strides = array<i32>} : memref<64x128xf32, #tpu.memory_space<vmem>>, vector<1x16xf32>,
        %get3A_1052 = vector.shape_cast %get3A_1051 : vector<1x16xf32> to vector<16xf32>
        %get3A_1053 = arith.index_cast %scan3A_1034 : i32 to index
        %get3A_1054 = arith.constant 16 : index
        %get3A_1055 = tpu.vector_load %arg23[%get3A_1053, %get3A_1054] {strides = array<i32>} : memref<64x128xf32, #tpu.memory_space<vmem>>, vector<1x16xf32>,
        %get3A_1056 = vector.shape_cast %get3A_1055 : vector<1x16xf32> to vector<16xf32>
        %add3A_1057 = arith.addf %get3A_1052, %get3A_1056 : vector<16xf32>
        %swap3A_1058 = arith.index_cast %scan3A_1034 : i32 to index
        %swap3A_1059 = arith.constant 16 : index
        %swap3A_1060 = tpu.vector_load %arg15[%swap3A_1058, %swap3A_1059] {strides = array<i32>} : memref<64x128xf32, #tpu.memory_space<vmem>>, vector<1x16xf32>,
        %swap3A_1061 = vector.shape_cast %swap3A_1060 : vector<1x16xf32> to vector<16xf32>
        %swap3A_1062 = vector.shape_cast %add3A_1057 : vector<16xf32> to vector<1x16xf32>
        tpu.vector_store %arg15[%swap3A_1058, %swap3A_1059], %swap3A_1062 {add = true, strides = array<i32>} : memref<64x128xf32, #tpu.memory_space<vmem>>, vector<1x16xf32>,
        %get3A_1063 = arith.index_cast %scan3A_1034 : i32 to index
        %get3A_1064 = arith.constant 32 : index
        %get3A_1065 = tpu.vector_load %arg19[%get3A_1063, %get3A_1064] {strides = array<i32>} : memref<64x128xf32, #tpu.memory_space<vmem>>, vector<1x16xf32>,
        %get3A_1066 = vector.shape_cast %get3A_1065 : vector<1x16xf32> to vector<16xf32>
        %get3A_1067 = arith.index_cast %scan3A_1034 : i32 to index
        %get3A_1068 = arith.constant 32 : index
        %get3A_1069 = tpu.vector_load %arg23[%get3A_1067, %get3A_1068] {strides = array<i32>} : memref<64x128xf32, #tpu.memory_space<vmem>>, vector<1x16xf32>,
        %get3A_1070 = vector.shape_cast %get3A_1069 : vector<1x16xf32> to vector<16xf32>
        %add3A_1071 = arith.addf %get3A_1066, %get3A_1070 : vector<16xf32>
        %swap3A_1072 = arith.index_cast %scan3A_1034 : i32 to index
        %swap3A_1073 = arith.constant 32 : index
        %swap3A_1074 = tpu.vector_load %arg15[%swap3A_1072, %swap3A_1073] {strides = array<i32>} : memref<64x128xf32, #tpu.memory_space<vmem>>, vector<1x16xf32>,
        %swap3A_1075 = vector.shape_cast %swap3A_1074 : vector<1x16xf32> to vector<16xf32>
        %swap3A_1076 = vector.shape_cast %add3A_1071 : vector<16xf32> to vector<1x16xf32>
        tpu.vector_store %arg15[%swap3A_1072, %swap3A_1073], %swap3A_1076 {add = true, strides = array<i32>} : memref<64x128xf32, #tpu.memory_space<vmem>>, vector<1x16xf32>,
        %get3A_1077 = arith.index_cast %scan3A_1034 : i32 to index
        %get3A_1078 = arith.constant 48 : index
        %get3A_1079 = tpu.vector_load %arg19[%get3A_1077, %get3A_1078] {strides = array<i32>} : memref<64x128xf32, #tpu.memory_space<vmem>>, vector<1x16xf32>,
        %get3A_1080 = vector.shape_cast %get3A_1079 : vector<1x16xf32> to vector<16xf32>
        %get3A_1081 = arith.index_cast %scan3A_1034 : i32 to index
        %get3A_1082 = arith.constant 48 : index
        %get3A_1083 = tpu.vector_load %arg23[%get3A_1081, %get3A_1082] {strides = array<i32>} : memref<64x128xf32, #tpu.memory_space<vmem>>, vector<1x16xf32>,
        %get3A_1084 = vector.shape_cast %get3A_1083 : vector<1x16xf32> to vector<16xf32>
        %add3A_1085 = arith.addf %get3A_1080, %get3A_1084 : vector<16xf32>
        %swap3A_1086 = arith.index_cast %scan3A_1034 : i32 to index
        %swap3A_1087 = arith.constant 48 : index
        %swap3A_1088 = tpu.vector_load %arg15[%swap3A_1086, %swap3A_1087] {strides = array<i32>} : memref<64x128xf32, #tpu.memory_space<vmem>>, vector<1x16xf32>,
        %swap3A_1089 = vector.shape_cast %swap3A_1088 : vector<1x16xf32> to vector<16xf32>
        %swap3A_1090 = vector.shape_cast %add3A_1085 : vector<16xf32> to vector<1x16xf32>
        tpu.vector_store %arg15[%swap3A_1086, %swap3A_1087], %swap3A_1090 {add = true, strides = array<i32>} : memref<64x128xf32, #tpu.memory_space<vmem>>, vector<1x16xf32>,
        %get3A_1091 = arith.index_cast %scan3A_1034 : i32 to index
        %get3A_1092 = arith.constant 64 : index
        %get3A_1093 = tpu.vector_load %arg19[%get3A_1091, %get3A_1092] {strides = array<i32>} : memref<64x128xf32, #tpu.memory_space<vmem>>, vector<1x16xf32>,
        %get3A_1094 = vector.shape_cast %get3A_1093 : vector<1x16xf32> to vector<16xf32>
        %get3A_1095 = arith.index_cast %scan3A_1034 : i32 to index
        %get3A_1096 = arith.constant 64 : index
        %get3A_1097 = tpu.vector_load %arg23[%get3A_1095, %get3A_1096] {strides = array<i32>} : memref<64x128xf32, #tpu.memory_space<vmem>>, vector<1x16xf32>,
        %get3A_1098 = vector.shape_cast %get3A_1097 : vector<1x16xf32> to vector<16xf32>
        %add3A_1099 = arith.addf %get3A_1094, %get3A_1098 : vector<16xf32>
        %swap3A_1100 = arith.index_cast %scan3A_1034 : i32 to index
        %swap3A_1101 = arith.constant 64 : index
        %swap3A_1102 = tpu.vector_load %arg15[%swap3A_1100, %swap3A_1101] {strides = array<i32>} : memref<64x128xf32, #tpu.memory_space<vmem>>, vector<1x16xf32>,
        %swap3A_1103 = vector.shape_cast %swap3A_1102 : vector<1x16xf32> to vector<16xf32>
        %swap3A_1104 = vector.shape_cast %add3A_1099 : vector<16xf32> to vector<1x16xf32>
        tpu.vector_store %arg15[%swap3A_1100, %swap3A_1101], %swap3A_1104 {add = true, strides = array<i32>} : memref<64x128xf32, #tpu.memory_space<vmem>>, vector<1x16xf32>,
        %get3A_1105 = arith.index_cast %scan3A_1034 : i32 to index
        %get3A_1106 = arith.constant 80 : index
        %get3A_1107 = tpu.vector_load %arg19[%get3A_1105, %get3A_1106] {strides = array<i32>} : memref<64x128xf32, #tpu.memory_space<vmem>>, vector<1x16xf32>,
        %get3A_1108 = vector.shape_cast %get3A_1107 : vector<1x16xf32> to vector<16xf32>
        %get3A_1109 = arith.index_cast %scan3A_1034 : i32 to index
        %get3A_1110 = arith.constant 80 : index
        %get3A_1111 = tpu.vector_load %arg23[%get3A_1109, %get3A_1110] {strides = array<i32>} : memref<64x128xf32, #tpu.memory_space<vmem>>, vector<1x16xf32>,
        %get3A_1112 = vector.shape_cast %get3A_1111 : vector<1x16xf32> to vector<16xf32>
        %add3A_1113 = arith.addf %get3A_1108, %get3A_1112 : vector<16xf32>
        %swap3A_1114 = arith.index_cast %scan3A_1034 : i32 to index
        %swap3A_1115 = arith.constant 80 : index
        %swap3A_1116 = tpu.vector_load %arg15[%swap3A_1114, %swap3A_1115] {strides = array<i32>} : memref<64x128xf32, #tpu.memory_space<vmem>>, vector<1x16xf32>,
        %swap3A_1117 = vector.shape_cast %swap3A_1116 : vector<1x16xf32> to vector<16xf32>
        %swap3A_1118 = vector.shape_cast %add3A_1113 : vector<16xf32> to vector<1x16xf32>
        tpu.vector_store %arg15[%swap3A_1114, %swap3A_1115], %swap3A_1118 {add = true, strides = array<i32>} : memref<64x128xf32, #tpu.memory_space<vmem>>, vector<1x16xf32>,
        %get3A_1119 = arith.index_cast %scan3A_1034 : i32 to index
        %get3A_1120 = arith.constant 96 : index
        %get3A_1121 = tpu.vector_load %arg19[%get3A_1119, %get3A_1120] {strides = array<i32>} : memref<64x128xf32, #tpu.memory_space<vmem>>, vector<1x16xf32>,
        %get3A_1122 = vector.shape_cast %get3A_1121 : vector<1x16xf32> to vector<16xf32>
        %get3A_1123 = arith.index_cast %scan3A_1034 : i32 to index
        %get3A_1124 = arith.constant 96 : index
        %get3A_1125 = tpu.vector_load %arg23[%get3A_1123, %get3A_1124] {strides = array<i32>} : memref<64x128xf32, #tpu.memory_space<vmem>>, vector<1x16xf32>,
        %get3A_1126 = vector.shape_cast %get3A_1125 : vector<1x16xf32> to vector<16xf32>
        %add3A_1127 = arith.addf %get3A_1122, %get3A_1126 : vector<16xf32>
        %swap3A_1128 = arith.index_cast %scan3A_1034 : i32 to index
        %swap3A_1129 = arith.constant 96 : index
        %swap3A_1130 = tpu.vector_load %arg15[%swap3A_1128, %swap3A_1129] {strides = array<i32>} : memref<64x128xf32, #tpu.memory_space<vmem>>, vector<1x16xf32>,
        %swap3A_1131 = vector.shape_cast %swap3A_1130 : vector<1x16xf32> to vector<16xf32>
        %swap3A_1132 = vector.shape_cast %add3A_1127 : vector<16xf32> to vector<1x16xf32>
        tpu.vector_store %arg15[%swap3A_1128, %swap3A_1129], %swap3A_1132 {add = true, strides = array<i32>} : memref<64x128xf32, #tpu.memory_space<vmem>>, vector<1x16xf32>,
        %get3A_1133 = arith.index_cast %scan3A_1034 : i32 to index
        %get3A_1134 = arith.constant 112 : index
        %get3A_1135 = tpu.vector_load %arg19[%get3A_1133, %get3A_1134] {strides = array<i32>} : memref<64x128xf32, #tpu.memory_space<vmem>>, vector<1x16xf32>,
        %get3A_1136 = vector.shape_cast %get3A_1135 : vector<1x16xf32> to vector<16xf32>
        %get3A_1137 = arith.index_cast %scan3A_1034 : i32 to index
        %get3A_1138 = arith.constant 112 : index
        %get3A_1139 = tpu.vector_load %arg23[%get3A_1137, %get3A_1138] {strides = array<i32>} : memref<64x128xf32, #tpu.memory_space<vmem>>, vector<1x16xf32>,
        %get3A_1140 = vector.shape_cast %get3A_1139 : vector<1x16xf32> to vector<16xf32>
        %add3A_1141 = arith.addf %get3A_1136, %get3A_1140 : vector<16xf32>
        %swap3A_1142 = arith.index_cast %scan3A_1034 : i32 to index
        %swap3A_1143 = arith.constant 112 : index
        %swap3A_1144 = tpu.vector_load %arg15[%swap3A_1142, %swap3A_1143] {strides = array<i32>} : memref<64x128xf32, #tpu.memory_space<vmem>>, vector<1x16xf32>,
        %swap3A_1145 = vector.shape_cast %swap3A_1144 : vector<1x16xf32> to vector<16xf32>
        %swap3A_1146 = vector.shape_cast %add3A_1141 : vector<16xf32> to vector<1x16xf32>
        tpu.vector_store %arg15[%swap3A_1142, %swap3A_1143], %swap3A_1146 {add = true, strides = array<i32>} : memref<64x128xf32, #tpu.memory_space<vmem>>, vector<1x16xf32>,
      }
      %scan3A_872 = arith.constant 64 : i32
      %jit3A_873 = arith.constant 2 : i32
      %div3A_874 = arith.divsi %add3A_711, %jit3A_873 : i32
      %sign3A_875 = arith.constant 0 : i32
      %sign3A_876 = arith.cmpi sgt, %add3A_711, %sign3A_875 : i32
      %sign3A_877 = arith.extui %sign3A_876 : i1 to i32
      %sign3A_878 = arith.constant 0 : i32
      %sign3A_879 = arith.cmpi slt, %add3A_711, %sign3A_878 : i32
      %sign3A_880 = arith.extui %sign3A_879 : i1 to i32
      %sign3A_881 = arith.subi %sign3A_877, %sign3A_880 : i32
      %sign3A_882 = arith.constant 0 : i32
      %sign3A_883 = arith.cmpi sgt, %jit3A_873, %sign3A_882 : i32
      %sign3A_884 = arith.extui %sign3A_883 : i1 to i32
      %sign3A_885 = arith.constant 0 : i32
      %sign3A_886 = arith.cmpi slt, %jit3A_873, %sign3A_885 : i32
      %sign3A_887 = arith.extui %sign3A_886 : i1 to i32
      %sign3A_888 = arith.subi %sign3A_884, %sign3A_887 : i32
      %ne3A_889 = arith.cmpi ne, %sign3A_881, %sign3A_888 : i32
      %rem3A_890 = arith.remsi %add3A_711, %jit3A_873 : i32
      %ne3A_891 = arith.constant 0 : i32
      %ne3A_892 = arith.cmpi ne, %rem3A_890, %ne3A_891 : i32
      %and3A_893 = arith.andi %ne3A_889, %ne3A_892 : i1
      %sub3A_894 = arith.constant 1 : i32
      %sub3A_895 = arith.subi %div3A_874, %sub3A_894 : i32
      %select_n3A_896 = arith.select %and3A_893, %sub3A_895, %div3A_874 : i32
      %jit3A_897 = arith.constant 2 : i32
      %eq3A_898 = arith.constant 0 : i32
      %eq3A_899 = arith.cmpi eq, %jit3A_897, %eq3A_898 : i32
      %jit3A_900 = arith.constant 1 : i32
      %select_n3A_901 = arith.select %eq3A_899, %jit3A_900, %jit3A_897 : i32
      %rem3A_902 = arith.remsi %add3A_711, %select_n3A_901 : i32
      %ne3A_903 = arith.constant 0 : i32
      %ne3A_904 = arith.cmpi ne, %rem3A_902, %ne3A_903 : i32
      %lt3A_905 = arith.constant 0 : i32
      %lt3A_906 = arith.cmpi slt, %rem3A_902, %lt3A_905 : i32
      %lt3A_907 = arith.constant 0 : i32
      %lt3A_908 = arith.cmpi slt, %select_n3A_901, %lt3A_907 : i32
      %ne3A_909 = arith.xori %lt3A_906, %lt3A_908 : i1
      %and3A_910 = arith.andi %ne3A_909, %ne3A_904 : i1
      %add3A_911 = arith.addi %rem3A_902, %select_n3A_901 : i32
      %select_n3A_912 = arith.select %and3A_910, %add3A_911, %rem3A_902 : i32
      %mul3A_913 = arith.constant 64 : i32
      %mul3A_914 = arith.muli %select_n3A_912, %mul3A_913 : i32
      %add3A_915 = arith.addi %mul3A_2, %mul3A_914 : i32
      %dma_start3A_916 = arith.constant 0 : i32
      %dma_start3A_917 = tpu.memref_slice %arg8[%select_n3A_896, %add3A_915, %dma_start3A_916] : memref<50x4096x128xf32, #tpu.memory_space<hbm>> -> memref<1x64x128xf32, #tpu.memory_space<hbm>>
      %dma_start3A_918 = tpu.memref_squeeze %dma_start3A_917 : memref<1x64x128xf32, #tpu.memory_space<hbm>> -> memref<64x128xf32, #tpu.memory_space<hbm>>
      %dma_start3A_919 = arith.constant 0 : i32
      %dma_start3A_920 = tpu.memref_slice %arg8[%select_n3A_896, %add3A_915, %dma_start3A_919] : memref<50x4096x128xf32, #tpu.memory_space<hbm>> -> memref<1x64x128xf32, #tpu.memory_space<hbm>>
      %dma_start3A_921 = tpu.memref_squeeze %dma_start3A_920 : memref<1x64x128xf32, #tpu.memory_space<hbm>> -> memref<64x128xf32, #tpu.memory_space<hbm>>
      tpu.enqueue_dma source(%arg15 : memref<64x128xf32, #tpu.memory_space<vmem>>) target(%dma_start3A_921 : memref<64x128xf32, #tpu.memory_space<hbm>>) target_semaphore(%arg39 : memref<!tpu.dma_semaphore, #tpu.memory_space<semaphore_mem>>)
    }
    %scan3A_69 = arith.constant 25 : i32
    %add3A_70 = arith.constant 64 : i32
    %add3A_71 = arith.addi %mul3A_2, %add3A_70 : i32
    %dma_wait3A = arith.constant 49 : i32
    %dma_wait3A_72 = arith.constant 0 : i32
    %dma_wait3A_73 = tpu.memref_slice %arg8[%dma_wait3A, %add3A_71, %dma_wait3A_72] : memref<50x4096x128xf32, #tpu.memory_space<hbm>> -> memref<1x64x128xf32, #tpu.memory_space<hbm>>
    %dma_wait3A_74 = tpu.memref_squeeze %dma_wait3A_73 : memref<1x64x128xf32, #tpu.memory_space<hbm>> -> memref<64x128xf32, #tpu.memory_space<hbm>>
    %dma_wait3A_75 = arith.constant 0 : i32
    %dma_wait3A_76 = tpu.memref_slice %arg8[%dma_wait3A, %add3A_71, %dma_wait3A_75] : memref<50x4096x128xf32, #tpu.memory_space<hbm>> -> memref<1x64x128xf32, #tpu.memory_space<hbm>>
    %dma_wait3A_77 = tpu.memref_squeeze %dma_wait3A_76 : memref<1x64x128xf32, #tpu.memory_space<hbm>> -> memref<64x128xf32, #tpu.memory_space<hbm>>
    tpu.wait_dma2 semaphore(%arg39 : memref<!tpu.dma_semaphore, #tpu.memory_space<semaphore_mem>>) src(%arg15 : memref<64x128xf32, #tpu.memory_space<vmem>>) dst(%dma_wait3A_77 : memref<64x128xf32, #tpu.memory_space<hbm>>)
    return
  }
}

</mosaic_0001>

<sc_bundles>
// kernel: _emb_call.3.cloned.1.call-start
scs
__scs_entry_jumppad:
0x0: {  	(pc) =	sbr.rel $0x88, $3  }
0x1: {  	(tag) =	ssettag $0x0;
	lr =	simm.s32 $0x1  }
0x2: {  	[smem:$0x3F9B] =	sst lr;
	_ =	strace $0xD0000000  }
0x3: {  	_ = 	snop  }
0x4: {  	_ = 	snop  }
0x5: {  	_ = 	snop  }
0x6: {  	_ = 	snop  }
0x7: {  	_ = 	snop  }
__scs_overlays_trampoline_lowered:
0x8: {  	[smem:$0x3FAA] =	sst s0  }
0x9: {  	[smem:$0x3FAB] =	sst s1  }
0xa: {  	[smem:$0x3FAC] =	sst s2  }
0xb: {  	[smem:$0x3FAD] =	sst s3  }
0xc: {  	[smem:$0x3FAE] =	sst s4  }
0xd: {  	[smem:$0x3FAF] =	sst s5  }
0xe: {  	[smem:$0x3FB0] =	sst s6  }
0xf: {  	[smem:$0x3FB1] =	sst s7  }
0x10: {  	[smem:$0x3FB2] =	sst s8  }
0x11: {  	[smem:$0x3FB3] =	sst s9;
	s0 =	simm.s32 @!p0 $0x0  }
0x12: {  	s1 =	sld [smem:$0x3F99];
	s0 =	simm.s32 @p0 $0x1  }
0x13: {  	[smem:$0x3FB4] =	sst s0;
	s0 =	simm.s32 @!p1 $0x0  }
0x14: {  	s2 =	sld [smem:$0x3F98];
	s0 =	simm.s32 @p1 $0x1  }
0x15: {  	[smem:$0x3FB5] =	sst s0;
	s0 =	simm.s32 @!p2 $0x0  }
0x16: {  	s3 =	sld [smem:$0x3FDB];
	s0 =	simm.s32 @p2 $0x1  }
0x17: {  	s4 =	simm.s32 $0x1BF5;
	[smem:$0x3FB7] =	sst s0  }
0x18: {  	s0 =	sld [smem:$0x3F9A];
	_ =	swait.ge [sflag:s4], $0x0  }
0x19: {  	s7 =	sld [smem:$0x3F9B]  }
0x1a: {  	s8 =	sadd.s32 $0xFFFFE003, lr  }
0x1b: {  	s9 =	sadd.s32 $0xFFFFFEF7, lr;
	s5 =	simm.s32 $0xFFFFFFFF;
	p2 =	slt.u32 s8, $0xFFFFF086  }
0x1c: {  	p1 =	slt.u32 s9, $0xF7A;
	s5 =	simm.s32 @!p2 $0x0  }
0x1d: {  	s5 =	simm.s32 @p1 $0x1;
	p0 =	seq.s32 s7, s2  }
0x1e: {  	s7 =	smul.u32 @!p0 $0xF7A, s2;
	p2 =	seq.s32 @!p0 s5, $0x0  }
0x1f: {  	s9 =	smul.u32 $0xF7A, s1;
	s8 =	simm.s32 @!p0 $0x1BF5;
	p2 =	por !p2, p0  }
0x20: {  	[sflag:s8] =	ssyncset.s32 @!p0 $0xFFFFF086;
	s6 =	sadd.s32 @!p0 s3, s7;
	s7 =	simm.s32 @!p0 $0x108  }
0x21: {  	s3 =	sadd.s32 s3, s9;
	s6 =	sadd.s32 @!p0 $0x88, s6;
	s7 =	simm.s32 @p2 $0x1082  }
0x22: {  	[simem:s7], [sflag:s8] =	dma.local @!p0 [hbm:s6], $0xF7A  }
0x23: {  	s9 =	sor.u32 $0xD0000000, s2;
	s6 =	simm.s32 $0x108;
	_ =	swait.ge @!p0 [sflag:s8], $0x0  }
0x24: {  	s3 =	sadd.s32 $0x88, s3;
	s6 =	simm.s32 @!p1 $0x1082;
	[sflag:s4] =	ssyncset.s32 $0xFFFFF086  }
0x25: {  	[simem:s6], [sflag:s4] =	dma.local [hbm:s3], $0xF7A  }
0x26: {  	[smem:$0x3F9B] =	sst s1;
	(tag) =	ssettag s2;
	_ =	strace s9  }
0x27: {  	s1 =	sld [smem:$0x3FAB]  }
0x28: {  	s2 =	sld [smem:$0x3FAC]  }
0x29: {  	s4 =	sld [smem:$0x3FAE]  }
0x2a: {  	p0 =	seq.s32 s5, $0x0;
	s5 =	sld [smem:$0x3FAF]  }
0x2b: {  	s6 =	sld [smem:$0x3FB0]  }
0x2c: {  	s7 =	sld [smem:$0x3FB1]  }
0x2d: {  	s3 =	simm.s32 $0x108;
	s8 =	sld [smem:$0x3FB2]  }
0x2e: {  	s3 =	simm.s32 @!p0 $0x1082;
	s9 =	sld [smem:$0x3FB3]  }
0x2f: {  	lr =	sadd.s32 s0, s3;
	s0 =	sld [smem:$0x3FAA]  }
0x30: {  	s3 =	sld [smem:$0x3FAD]  }
0x31: {  	[smem:$0x3FB6] =	sst s10  }
0x32: {  	s10 =	sld [smem:$0x3FB4];
	_ =	sdelay $0x3  }
0x33: {  	p0 =	seq.s32 s10, $0x1;
	s10 =	sld [smem:$0x3FB6];
	_ =	sdelay $0x3  }
0x34: {  	[smem:$0x3FB6] =	sst s10  }
0x35: {  	s10 =	sld [smem:$0x3FB5];
	_ =	sdelay $0x3  }
0x36: {  	p1 =	seq.s32 s10, $0x1;
	s10 =	sld [smem:$0x3FB6];
	_ =	sdelay $0x3  }
0x37: {  	[smem:$0x3FB6] =	sst s10  }
0x38: {  	s10 =	sld [smem:$0x3FB7]  }
0x39: {  	_ = 	snop;
	(pc) =	sbr.ind lr, $3  }
0x3a: {  	_ = 	snop  }
0x3b: {  	_ = 	snop  }
0x3c: {  	p2 =	seq.s32 s10, $0x1;
	s10 =	sld [smem:$0x3FB6]  }
0x3d: {  	_ =	shalt  }
0x3e: {  	_ =	shalt  }
0x3f: {  	_ =	shalt  }
0x40: {  	_ =	shalt  }
0x41: {  	_ =	shalt  }
0x42: {  	_ =	shalt  }
0x43: {  	_ =	shalt  }
0x44: {  	_ =	shalt  }
0x45: {  	_ =	shalt  }
0x46: {  	_ =	shalt  }
0x47: {  	_ =	shalt  }
0x48: {  	_ =	shalt  }
0x49: {  	_ =	shalt  }
0x4a: {  	_ =	shalt  }
0x4b: {  	_ =	shalt  }
0x4c: {  	_ =	shalt  }
0x4d: {  	_ =	shalt  }
0x4e: {  	_ =	shalt  }
0x4f: {  	_ =	shalt  }
0x50: {  	_ =	shalt  }
0x51: {  	_ =	shalt  }
0x52: {  	_ =	shalt  }
0x53: {  	_ =	shalt  }
0x54: {  	_ =	shalt  }
0x55: {  	_ =	shalt  }
0x56: {  	_ =	shalt  }
0x57: {  	_ =	shalt  }
0x58: {  	_ =	shalt  }
0x59: {  	_ =	shalt  }
0x5a: {  	_ =	shalt  }
0x5b: {  	_ =	shalt  }
0x5c: {  	_ =	shalt  }
0x5d: {  	_ =	shalt  }
0x5e: {  	_ =	shalt  }
0x5f: {  	_ =	shalt  }
0x60: {  	_ =	shalt  }
0x61: {  	_ =	shalt  }
0x62: {  	_ =	shalt  }
0x63: {  	_ =	shalt  }
0x64: {  	_ =	shalt  }
0x65: {  	_ =	shalt  }
0x66: {  	_ =	shalt  }
0x67: {  	_ =	shalt  }
0x68: {  	_ =	shalt  }
0x69: {  	_ =	shalt  }
0x6a: {  	_ =	shalt  }
0x6b: {  	_ =	shalt  }
0x6c: {  	_ =	shalt  }
0x6d: {  	_ =	shalt  }
0x6e: {  	_ =	shalt  }
0x6f: {  	_ =	shalt  }
0x70: {  	_ =	shalt  }
0x71: {  	_ =	shalt  }
0x72: {  	_ =	shalt  }
0x73: {  	_ =	shalt  }
0x74: {  	_ =	shalt  }
0x75: {  	_ =	shalt  }
0x76: {  	_ =	shalt  }
0x77: {  	_ =	shalt  }
0x78: {  	_ =	shalt  }
0x79: {  	_ =	shalt  }
0x7a: {  	_ =	shalt  }
0x7b: {  	_ =	shalt  }
0x7c: {  	_ =	shalt  }
0x7d: {  	_ =	shalt  }
0x7e: {  	_ =	shalt  }
0x7f: {  	_ =	shalt  }
0x80: {  	_ =	shalt  }
0x81: {  	_ =	shalt  }
0x82: {  	_ =	shalt  }
0x83: {  	_ =	shalt  }
0x84: {  	_ =	shalt  }
0x85: {  	_ =	shalt  }
0x86: {  	_ =	shalt  }
0x87: {  	_ =	shalt  }
.Lfunc_end0:
.L_simem_size_0:
called_computation_lowered:
.L_overlay_start_0:
0x88: {  	s2 =	sld [smem:$0x3FD9]  }
0x89: {  	s3 =	sld [smem:$0x3FFE];
	_ =	sdelay $0x1  }
0x8a: {  	s1 =	srdreg.scid  }
0x8b: {  	s0 =	sand.u32 $0x1, s1  }
0x8c: {  	s18 =	sshll.u32 s0, $0xA;
	s2 =	sadd.s32 s3, s2  }
0x8d: {  	s2 =	sadd.s32 s2, s18  }
0x8e: {  	[smem:$0x3FC2] =	sst s2  }
0x8f: {  	_ = 	snop  }
0x90: {  	s2 =	sld [smem:$0x3FC9]  }
0x91: {  	s19 =	sld [smem:$0x3FC8]  }
0x92: {  	s4 =	sld [smem:$0x3FC7]  }
0x93: {  	s5 =	sld [smem:$0x3FC6]  }
0x94: {  	s6 =	sld [smem:$0x3FC5]  }
0x95: {  	s7 =	sld [smem:$0x3FC4]  }
0x96: {  	s8 =	sld [smem:$0x3FD0];
	(tm) =	ssettm $0x1  }
0x97: {  	s9 =	sld [smem:$0x3FFB];
	_ =	sdelay $0x3  }
0x98: {  	_ =	strace s9  }
0x99: {  	s9 =	sld [smem:$0x3FFC];
	_ =	sdelay $0x3  }
0x9a: {  	_ =	strace s9  }
0x9b: {  	s9 =	sld [smem:$0x3FFD];
	_ =	sdelay $0x3  }
0x9c: {  	_ =	strace s9  }
0x9d: {  	_ =	strace $0x8FFFFFFF  }
0x9e: {  	s20 =	sld [smem:$0x3FDB];
	_ =	sdelay $0x1  }
0x9f: {  	s10 =	simm.s32 $_scs_section_size  }
0xa0: {  	s11 =	simm.s32 $_size__tile_overlayer_lowered;
	s12 =	simm.s32 $_tile_overlayer_lowered  }
0xa1: {  	s23 =	simm.s32 $0x1BFF;
	s22 =	sshll.u32 s12, $0x1;
	s9 =	sadd.s32 s10, s20  }
0xa2: {  	s13 =	simm.s32 $0x0;
	s21 =	sshll.u32 s11, $0x1;
	s11 =	sadd.s32 s22, s9  }
0xa3: {  	[timem:s13], [sflag:s23] =	dma.local [hbm:s11], s21  }
0xa4: {  	_ =	swait.ge [sflag:s23], s21  }
0xa5: {  	s10 =	ssub.s32 $0x0, s21;
	[sflag:s23] =	ssyncset.done $0x0  }
0xa6: {  	[sflag:s23] =	ssyncadd.s32 s10;
	_ =	sdelay $0x1  }
0xa7: {  	s24 =	simm.s32 $0x1B8B  }
0xa8: {  	_ =	swait.ge [sflag:s24], $0x1  }
0xa9: {  	[sflag:s24] =	ssyncset.done $0x0  }
0xaa: {  	s25 =	simm.s32 $0x1B8E;
	[sflag:s24] =	ssyncadd.s32 $0xFFFFFFFF  }
0xab: {  	s26 =	simm.s32 $execute0_lowered;
	[smem:$0x3FD2] =	sst s25  }
0xac: {  	s10 =	sshll.u32 s26, $0x1;
	_ =	strace $0x80000046;
	[dreg:$0x1] =	wrdreg $0xFFFFFFFF  }
0xad: {  	s28 =	simm.s32 $_size_execute0_lowered;
	s9 =	sadd.s32 s9, s10;
	[dreg:$0x0] =	wrdreg $0x0  }
0xae: {  	s10 =	sshll.u32 s28, $0x1;
	[dreg:$0x2] =	wrdreg s9  }
0xaf: {  	[dreg:$0x3] =	wrdreg s10  }
0xb0: {  	[dreg:$0x4] =	wrdreg $0xC0  }
0xb1: {  	_ =	task [dreg:s13], $0x5FFFF  }
0xb2: {  	[dreg:$0x1] =	wrdreg $0xFFFFFFFF  }
0xb3: {  	[dreg:$0x0] =	wrdreg $0x60  }
0xb4: {  	[dreg:$0x2] =	wrdreg s2  }
0xb5: {  	[dreg:$0x3] =	wrdreg s19  }
0xb6: {  	[dreg:$0x4] =	wrdreg s4  }
0xb7: {  	[dreg:$0x5] =	wrdreg s5  }
0xb8: {  	[dreg:$0x6] =	wrdreg s6  }
0xb9: {  	[dreg:$0x7] =	wrdreg s7  }
0xba: {  	[dreg:$0x8] =	wrdreg s8  }
0xbb: {  	[dreg:$0x9] =	wrdreg $0x9  }
0xbc: {  	_ =	task.clear_ibuf [dreg:s13], $0xAFFFF;
	_ =	strace $0x90000046  }
0xbd: {  	s29 =	simm.s32 $0x9;
	_ =	strace $0x80000048  }
0xbe: {  	_ =	swait.ge [sflag:s29], $0x1  }
0xbf: {  	[sflag:s29] =	ssyncadd.s32 $0xFFFFFFFF  }
0xc0: {  	_ =	strace $0x90000048  }
0xc1: {  	_ =	sfence  }
0xc2: {  	s30 =	sld [smem:$0x0];
	_ =	sdelay $0x2  }
0xc3: {  	s31 =	sshll.u32 s1, $0xD;
	s1 =	sshrl.u32 s1, $0x2  }
0xc4: {  	s3 =	sand.u32 $0x4000, s31;
	s1 =	sadd.s32 s1, s30  }
0xc5: {  	s0 =	sor.u32 s3, s0;
	s1 =	sshll.u32 s1, $0x11  }
0xc6: {  	s0 =	sor.u32 s1, s0  }
0xc7: {  	s0 =	sadd.s32 $0x8F2B, s0  }
0xc8: {  	[sflag:s0] =	ssyncadd.remote.s32 $0x1  }
0xc9: {  	_ =	sfence.sel $0xFFFF  }
0xca: {  	[dreg:$0x0] =	wrdreg $0xFFFFFFFF;
	(pc) =	sbr.abs _section_cstart, $3  }
0xcb: {  	[dreg:$0x1] =	wrdreg $0xFFFFFFFF  }
0xcc: {  	_ =	task.clear_ibuf [dreg:s13], $0x2FFFF;
	_ =	strace $0x9FFFFFFF  }
0xcd: {  	(tm) =	ssettm $0x7FFFFFFF  }
tec
execute0_lowered:
.L_overlay_start_1:
0x0: {  	(tag) =	ssettag $0x1  }
0x1: {  	s0 =	rddreg [dreg:$0x0]  }
0x2: {  	s3 =	rddreg [dreg:$0x1]  }
0x3: {  	s5 =	rddreg [dreg:$0x2]  }
0x4: {  	s1 =	rddreg [dreg:$0x3]  }
0x5: {  	s2 =	rddreg [dreg:$0x4]  }
0x6: {  	s4 =	rddreg [dreg:$0x5]  }
0x7: {  	s10 =	rddreg [dreg:$0x6]  }
0x8: {  	s6 =	srdreg.scid;
	s8 =	stileid.u32  }
0x9: {  	s17 =	simm.s32 $0x5;
	s28 =	simm.s32 $0xB400;
	s19 =	simm.s32 $0x6  }
0xa: {  	s14 =	simm.s32 $0x3;
	s20 =	simm.s32 $0x7;
	s15 =	simm.s32 $0xC  }
0xb: {  	s16 =	simm.s32 $0xF;
	s18 =	simm.s32 $0x0;
	s7 =	sand.u32 $0x1, s6  }
0xc: {  	s6 =	simm.s32 $0x0;
	s8 =	sshll.u32 s8, $0x8;
	s29 =	sadd.s32 $0x10000, s10  }
0xd: {  	s9 =	sshll.u32 s7, $0x7;
	[smem:$0x7FF] =	sst s6;
	s7 =	ssub.s32 $0x2, s7  }
0xe: {  	s8 =	sor.u32 s9, s8;
	_ =	strace $0x80000047;
	s21 =	sshrl.u32 s7, $0x1  }
0xf: {  	[dreg:$0xc] =	wrdreg s29;
	s11 =	sadd.s32 s0, s8;
	s22 =	ssub.s32 s7, s21  }
0x10: {  	s24 =	sshll.u32 s8, $0x4;
	s25 =	sadd.s32 s3, s8;
	s5 =	sadd.s32 s5, s8  }
0x11: {  	s3 =	simm.s32 $0x1;
	s21 =	simm.s32 $0x9;
	s8 =	simm.s32 $0xA  }
0x12: {  	s7 =	simm.s32 $0xE;
	[dreg:$0x8] =	wrdreg s11;
	s23 =	sadd.s32 $0x6000, s11  }
0x13: {  	s13 =	smov.u32 s24;
	s26 =	sadd.s32 s24, s10;
	[dreg:$0xa] =	wrdreg s25  }
0x14: {  	s0 =	smax.u32 s22, $0x1;
	s30 =	sadd.s32 $0x6000, s25;
	[dreg:$0xb] =	wrdreg s5  }
0x15: {  	s31 =	sadd.s32 $0x6000, s5;
	s25 =	simm.s32 $0x40;
	[dreg:$0x9] =	wrdreg s23  }
0x16: {  	s22 =	simm.s32 $0xD;
	s10 =	simm.s32 $0x4;
	[dreg:$0xd] =	wrdreg s0  }
0x17: {  	s11 =	simm.s32 $0x8;
	s12 =	sadd.s32 $0x400, s26;
	[dreg:$0xe] =	wrdreg s30  }
0x18: {  	[dreg:$0xf] =	wrdreg s31;
	s0 =	simm.s32 $0x2;
	s23 =	simm.s32 $0xB  }
.LBB2_1:
0x19: {  	[dreg:$0x10] =	wrdreg s18  }
0x1a: {  	s5 =	rddreg [dreg:$0x8];
	s9 =	simm.s32 $0x400;
	s18 =	simm.s32 $0x8000  }
0x1b: {  	[tilespmem:s6], [sflag:$0x11] =	stream.strided.gather [hbm4b:s5+s9], $0x1800, s18, s9, $0x38;
	[tilespmem:$0x1D400] =	vst v63  }
0x1c: {  	s26 =	rddreg [dreg:$0x9];
	s24 =	simm.s32 $0x1800  }
0x1d: {  	[tilespmem:s24], [sflag:$0x11] =	stream.linear.gather [hbm4b:s26+s6], $0x100, $0x38;
	[tilespmem:$0x1D400] =	vst v63  }
0x1e: {  	s24 =	simm.s32 $0x11  }
0x1f: {  	_ =	swait.ge [sflag:s24], $0x1900  }
0x20: {  	[sflag:s24] =	ssyncset.done $0x0  }
0x21: {  	s26 =	simm.s32 $0x1C00;
	s29 =	rddreg [dreg:$0xa];
	[sflag:s24] =	ssyncadd.s32 $0xFFFFE700  }
0x22: {  	[tilespmem:s26], [sflag:$0x11] =	stream.strided.gather [hbm4b:s29+s9], $0x1800, s18, s9, $0x38;
	[tilespmem:$0x1D400] =	vst v63  }
0x23: {  	s30 =	rddreg [dreg:$0xe];
	s29 =	simm.s32 $0x3400  }
0x24: {  	[tilespmem:s29], [sflag:$0x11] =	stream.linear.gather [hbm4b:s30+s6], $0x100, $0x38;
	[tilespmem:$0x1D400] =	vst v63  }
0x25: {  	_ =	swait.ge [sflag:s24], $0x1900  }
0x26: {  	[sflag:s24] =	ssyncset.done $0x0  }
0x27: {  	s29 =	simm.s32 $0x3800;
	s31 =	rddreg [dreg:$0xb];
	[sflag:s24] =	ssyncadd.s32 $0xFFFFE700  }
0x28: {  	[tilespmem:s29], [sflag:$0x11] =	stream.strided.gather [hbm4b:s31+s9], $0x1800, s18, s9, $0x38;
	[tilespmem:$0x1D400] =	vst v63  }
0x29: {  	s30 =	simm.s32 $0x5000;
	s18 =	rddreg [dreg:$0xf]  }
0x2a: {  	[tilespmem:s30], [sflag:$0x11] =	stream.linear.gather [hbm4b:s18+s6], $0x100, $0x38;
	[tilespmem:$0x1D400] =	vst v63  }
0x2b: {  	_ =	swait.ge [sflag:s24], $0x1900  }
0x2c: {  	[sflag:s24] =	ssyncset.done $0x0  }
0x2d: {  	s31 =	simm.s32 $0x5400;
	[sflag:s24] =	ssyncadd.s32 $0xFFFFE700  }
0x2e: {  	[tilespmem:s31], [sflag:$0x1] =	stream.indirect.gather [hbm4b:s1+s25], $0x80, s6, s25, $0xb8;
	[tilespmem:$0x1D400] =	vst v63  }
0x2f: {  	s9 =	simm.s32 $0xD400  }
0x30: {  	[tilespmem:s9], [sflag:$0x5] =	stream.indirect.gather [hbm4b:s2+s25], $0x80, s26, s25, $0xb8;
	[tilespmem:$0x1D400] =	vst v63  }
0x31: {  	s18 =	simm.s32 $0x15400  }
0x32: {  	[tilespmem:s18], [sflag:$0x9] =	stream.indirect.gather [hbm4b:s4+s25], $0x80, s29, s25, $0xb8;
	[tilespmem:$0x1D400] =	vst v63  }
0x33: {  	s24 =	simm.s32 $0x7400  }
0x34: {  	[tilespmem:s24], [sflag:$0x2] =	stream.indirect.gather [hbm4b:s1+s25], $0x80, s25, s25, $0xb8;
	[tilespmem:$0x1D400] =	vst v63  }
0x35: {  	s26 =	simm.s32 $0x1C40;
	s29 =	simm.s32 $0xF400  }
0x36: {  	[tilespmem:s29], [sflag:$0x6] =	stream.indirect.gather [hbm4b:s2+s25], $0x80, s26, s25, $0xb8;
	[tilespmem:$0x1D400] =	vst v63  }
0x37: {  	s30 =	simm.s32 $0x3840;
	s31 =	simm.s32 $0x17400  }
0x38: {  	[tilespmem:s31], [sflag:$0xA] =	stream.indirect.gather [hbm4b:s4+s25], $0x80, s30, s25, $0xb8;
	[tilespmem:$0x1D400] =	vst v63  }
0x39: {  	s18 =	simm.s32 $0x80;
	s24 =	simm.s32 $0x9400  }
0x3a: {  	[tilespmem:s24], [sflag:$0x3] =	stream.indirect.gather [hbm4b:s1+s25], $0x80, s18, s25, $0xb8;
	[tilespmem:$0x1D400] =	vst v63  }
0x3b: {  	s26 =	simm.s32 $0x1C80;
	s29 =	simm.s32 $0x11400  }
0x3c: {  	[tilespmem:s29], [sflag:$0x7] =	stream.indirect.gather [hbm4b:s2+s25], $0x80, s26, s25, $0xb8;
	[tilespmem:$0x1D400] =	vst v63  }
0x3d: {  	s30 =	simm.s32 $0x3880;
	s31 =	simm.s32 $0x19400;
	s18 =	simm.s32 $0x0  }
0x3e: {  	[tilespmem:s31], [sflag:$0xB] =	stream.indirect.gather [hbm4b:s4+s25], $0x80, s30, s25, $0xb8;
	[tilespmem:$0x1D400] =	vst v63  }
.LBB2_2:
0x3f: {  	_ =	swait.ge [sflag:s3], $0x2000  }
0x40: {  	[sflag:s3] =	ssyncset.done $0x0  }
0x41: {  	[sflag:s3] =	ssyncadd.s32 $0xFFFFE000  }
0x42: {  	_ =	swait.ge [sflag:s17], $0x2000  }
0x43: {  	[sflag:s17] =	ssyncset.done $0x0  }
0x44: {  	[sflag:s17] =	ssyncadd.s32 $0xFFFFE000  }
0x45: {  	_ =	swait.ge [sflag:s21], $0x2000  }
0x46: {  	p0 =	seq.s32 s18, $0x0;
	[sflag:s21] =	ssyncset.done $0x0  }
0x47: {  	s9 =	simm.s32 @!p0 $0x10;
	[sflag:s21] =	ssyncadd.s32 $0xFFFFE000  }
0x48: {  	s5 =	sshll.u32 s18, $0x2;
	_ =	swait.ge @!p0 [sflag:s9], $0x2000  }
0x49: {  	s5 =	sor.u32 $0x3, s5;
	[sflag:s9] =	ssyncset.done @!p0 $0x0  }
0x4a: {  	s30 =	sshll.u32 s5, $0x6;
	[sflag:s9] =	ssyncadd.s32 @!p0 $0xFFFFE000  }
0x4b: {  	[tilespmem:s28], [sflag:$0x4] =	stream.indirect.gather [hbm4b:s1+s25], $0x80, s30, s25, $0xb8;
	[tilespmem:$0x1D400] =	vst v63  }
0x4c: {  	s26 =	simm.s32 $0x13400;
	s24 =	sadd.s32 $0x1C00, s30  }
0x4d: {  	[tilespmem:s26], [sflag:$0x8] =	stream.indirect.gather [hbm4b:s2+s25], $0x80, s24, s25, $0xb8;
	[tilespmem:$0x1D400] =	vst v63  }
0x4e: {  	s31 =	simm.s32 $0x1B400;
	s29 =	simm.s32 $0x0;
	s9 =	sadd.s32 $0x3800, s30  }
0x4f: {  	[tilespmem:s31], [sflag:$0xC] =	stream.indirect.gather [hbm4b:s4+s25], $0x80, s9, s25, $0xb8;
	[tilespmem:$0x1D400] =	vst v63  }
0x50: {  	v0 =	vld [tilespmem:s29+$0xD4F0]  }
0x51: {  	v1 =	vld [tilespmem:s29+$0x154F0]  }
0x52: {  	v2 =	vld [tilespmem:s29+$0xD400]  }
0x53: {  	v3 =	vld [tilespmem:s29+$0x15400]  }
0x54: {  	v4 =	vld [tilespmem:s29+$0xD410]  }
0x55: {  	v5 =	vld [tilespmem:s29+$0x15410]  }
0x56: {  	v6 =	vld [tilespmem:s29+$0xD420]  }
0x57: {  	v7 =	vld [tilespmem:s29+$0x15430]  }
0x58: {  	v8 =	vld [tilespmem:s29+$0xD440]  }
0x59: {  	v9 =	vld [tilespmem:s29+$0x15440]  }
0x5a: {  	v10 =	vld [tilespmem:s29+$0xD450]  }
0x5b: {  	v11 =	vld [tilespmem:s29+$0x15450]  }
0x5c: {  	v12 =	vld [tilespmem:s29+$0xD460]  }
0x5d: {  	v13 =	vld [tilespmem:s29+$0x15460]  }
0x5e: {  	v14 =	vld [tilespmem:s29+$0xD470]  }
0x5f: {  	v15 =	vld [tilespmem:s29+$0x15470]  }
0x60: {  	v16 =	vld [tilespmem:s29+$0xD480]  }
0x61: {  	v17 =	vld [tilespmem:s29+$0x15480]  }
0x62: {  	v18 =	vld [tilespmem:s29+$0xD490]  }
0x63: {  	v19 =	vld [tilespmem:s29+$0x15490]  }
0x64: {  	v20 =	vld [tilespmem:s29+$0xD4A0]  }
0x65: {  	v21 =	vld [tilespmem:s29+$0x154A0]  }
0x66: {  	v22 =	vld [tilespmem:s29+$0xD4B0]  }
0x67: {  	v23 =	vld [tilespmem:s29+$0x154B0]  }
0x68: {  	v24 =	vld [tilespmem:s29+$0xD4C0]  }
0x69: {  	v25 =	vld [tilespmem:s29+$0x154C0]  }
0x6a: {  	v26 =	vld [tilespmem:s29+$0xD4D0]  }
0x6b: {  	v27 =	vld [tilespmem:s29+$0x154D0]  }
0x6c: {  	v63 =	vld [tilespmem:s29+$0x154E0];
	v0 =	vadd.f32 v1, v0  }
0x6d: {  	v1 =	vld [tilespmem:s29+$0x15420]  }
0x6e: {  	v2 =	vadd.f32 v3, v2;
	[tilespmem:s29+$0x54F0] =	vst.add.f32.msk $0xffff, v0  }
0x6f: {  	v0 =	vld [tilespmem:s29+$0xD430]  }
0x70: {  	[tilespmem:s29+$0x5400] =	vst.add.f32.msk $0xffff, v2;
	v2 =	vadd.f32 v9, v8  }
0x71: {  	v3 =	vld [tilespmem:s29+$0xD4E0];
	v4 =	vadd.f32 v5, v4  }
0x72: {  	[tilespmem:s29+$0x5440] =	vst.add.f32.msk $0xffff, v2;
	v2 =	vadd.f32 v15, v14  }
0x73: {  	[tilespmem:s29+$0x5410] =	vst.add.f32.msk $0xffff, v4;
	v1 =	vadd.f32 v1, v6  }
0x74: {  	[tilespmem:s29+$0x5470] =	vst.add.f32.msk $0xffff, v2;
	v2 =	vadd.f32 v21, v20  }
0x75: {  	v0 =	vadd.f32 v7, v0;
	[tilespmem:s29+$0x5420] =	vst.add.f32.msk $0xffff, v1  }
0x76: {  	v1 =	vadd.f32 v11, v10;
	[tilespmem:s29+$0x54A0] =	vst.add.f32.msk $0xffff, v2  }
0x77: {  	[tilespmem:s29+$0x5430] =	vst.add.f32.msk $0xffff, v0;
	v0 =	vadd.f32 v13, v12  }
0x78: {  	v2 =	vadd.f32 v27, v26;
	[tilespmem:s29+$0x5450] =	vst.add.f32.msk $0xffff, v1  }
0x79: {  	[tilespmem:s29+$0x5460] =	vst.add.f32.msk $0xffff, v0;
	v0 =	vadd.f32 v19, v18  }
0x7a: {  	v1 =	vadd.f32 v17, v16;
	[tilespmem:s29+$0x54D0] =	vst.add.f32.msk $0xffff, v2  }
0x7b: {  	[tilespmem:s29+$0x5490] =	vst.add.f32.msk $0xffff, v0;
	v0 =	vadd.f32 v25, v24  }
0x7c: {  	[tilespmem:s29+$0x5480] =	vst.add.f32.msk $0xffff, v1;
	v1 =	vadd.f32 v23, v22  }
0x7d: {  	[tilespmem:s29+$0x54C0] =	vst.add.f32.msk $0xffff, v0;
	v0 =	vadd.f32 v63, v3  }
0x7e: {  	s26 =	simm.s32 $0x0;
	s24 =	simm.s32 $0x400;
	[tilespmem:s29+$0x54B0] =	vst.add.f32.msk $0xffff, v1  }
.LBB2_3:
0x7f: {  	[tilespmem:s29+$0x54E0] =	vst.add.f32.msk $0xffff, v0;
	s29 =	sshra.s32 s24, $0x2  }
0x80: {  	s26 =	sadd.s32 $0x2, s26;
	v0 =	vld [tilespmem:s29+$0xD4F0]  }
0x81: {  	p0 =	slt.u32 s26, $0x3E;
	v1 =	vld [tilespmem:s29+$0x154F0]  }
0x82: {  	v2 =	vld [tilespmem:s29+$0xD400]  }
0x83: {  	v3 =	vld [tilespmem:s29+$0x15400]  }
0x84: {  	v4 =	vld [tilespmem:s29+$0xD410]  }
0x85: {  	v5 =	vld [tilespmem:s29+$0x15410]  }
0x86: {  	v6 =	vld [tilespmem:s29+$0xD420];
	v0 =	vadd.f32 v1, v0  }
0x87: {  	v1 =	vld [tilespmem:s29+$0x15420]  }
0x88: {  	v2 =	vadd.f32 v3, v2;
	[tilespmem:s29+$0x54F0] =	vst.add.f32.msk $0xffff, v0  }
0x89: {  	v0 =	vld [tilespmem:s29+$0xD430]  }
0x8a: {  	v3 =	vadd.f32 v5, v4;
	v4 =	vld [tilespmem:s29+$0x15430]  }
0x8b: {  	v5 =	vld [tilespmem:s29+$0xD440]  }
0x8c: {  	v1 =	vadd.f32 v1, v6;
	v6 =	vld [tilespmem:s29+$0x15440]  }
0x8d: {  	v7 =	vld [tilespmem:s29+$0xD450]  }
0x8e: {  	v8 =	vld [tilespmem:s29+$0x15450]  }
0x8f: {  	v0 =	vadd.f32 v4, v0;
	v4 =	vld [tilespmem:s29+$0xD460]  }
0x90: {  	v9 =	vld [tilespmem:s29+$0x15460]  }
0x91: {  	v5 =	vadd.f32 v6, v5;
	v6 =	vld [tilespmem:s29+$0xD470]  }
0x92: {  	v10 =	vld [tilespmem:s29+$0x15470]  }
0x93: {  	v7 =	vadd.f32 v8, v7;
	v8 =	vld [tilespmem:s29+$0xD480]  }
0x94: {  	v11 =	vld [tilespmem:s29+$0x15480]  }
0x95: {  	v4 =	vadd.f32 v9, v4;
	v9 =	vld [tilespmem:s29+$0xD490]  }
0x96: {  	v12 =	vld [tilespmem:s29+$0x15490]  }
0x97: {  	v6 =	vadd.f32 v10, v6;
	v10 =	vld [tilespmem:s29+$0xD4A0]  }
0x98: {  	v13 =	vld [tilespmem:s29+$0x154A0]  }
0x99: {  	v8 =	vadd.f32 v11, v8;
	v11 =	vld [tilespmem:s29+$0xD4B0]  }
0x9a: {  	v14 =	vld [tilespmem:s29+$0x154B0]  }
0x9b: {  	v9 =	vadd.f32 v12, v9;
	v12 =	vld [tilespmem:s29+$0xD4C0]  }
0x9c: {  	v15 =	vld [tilespmem:s29+$0x154C0]  }
0x9d: {  	v10 =	vadd.f32 v13, v10;
	v13 =	vld [tilespmem:s29+$0xD4D0]  }
0x9e: {  	v16 =	vld [tilespmem:s29+$0x154D0]  }
0x9f: {  	v11 =	vadd.f32 v14, v11;
	v14 =	vld [tilespmem:s29+$0xD4E0]  }
0xa0: {  	v17 =	vld [tilespmem:s29+$0x154E0]  }
0xa1: {  	[tilespmem:s29+$0x5400] =	vst.add.f32.msk $0xffff, v2;
	v2 =	vadd.f32 v15, v12  }
0xa2: {  	[tilespmem:s29+$0x5410] =	vst.add.f32.msk $0xffff, v3  }
0xa3: {  	[tilespmem:s29+$0x5420] =	vst.add.f32.msk $0xffff, v1;
	v1 =	vadd.f32 v16, v13  }
0xa4: {  	[tilespmem:s29+$0x5430] =	vst.add.f32.msk $0xffff, v0  }
0xa5: {  	[tilespmem:s29+$0x5440] =	vst.add.f32.msk $0xffff, v5;
	v0 =	vadd.f32 v17, v14  }
0xa6: {  	[tilespmem:s29+$0x5450] =	vst.add.f32.msk $0xffff, v7  }
0xa7: {  	[tilespmem:s29+$0x5460] =	vst.add.f32.msk $0xffff, v4  }
0xa8: {  	[tilespmem:s29+$0x5470] =	vst.add.f32.msk $0xffff, v6  }
0xa9: {  	[tilespmem:s29+$0x5480] =	vst.add.f32.msk $0xffff, v8  }
.Ltmp0:
0xaa: {  	[tilespmem:s29+$0x5490] =	vst.add.f32.msk $0xffff, v9;
	(pc) =	sbr.rel @p0 .LBB2_3-.Ltmp0, $4  }
0xab: {  	[tilespmem:s29+$0x54A0] =	vst.add.f32.msk $0xffff, v10  }
0xac: {  	[tilespmem:s29+$0x54B0] =	vst.add.f32.msk $0xffff, v11  }
0xad: {  	[tilespmem:s29+$0x54C0] =	vst.add.f32.msk $0xffff, v2  }
0xae: {  	s24 =	sadd.s32 $0x400, s24;
	[tilespmem:s29+$0x54D0] =	vst.add.f32.msk $0xffff, v1  }
0xaf: {  	s26 =	sshll.u32 s18, $0x11  }
0xb0: {  	s9 =	rddreg [dreg:$0x6];
	s31 =	sor.u32 s13, s26  }
0xb1: {  	[tilespmem:s29+$0x54E0] =	vst.add.f32.msk $0xffff, v0;
	s24 =	simm.s32 $0x5400;
	s9 =	sadd.s32 s9, s31  }
0xb2: {  	[hbm4b:s9+s6] =	stream.linear.scatter [tilespmem:s24], [sflag:$0xD], $0x2000, $0x38;
	[tilespmem:$0x1D400] =	vst v63  }
0xb3: {  	_ =	swait.ge [sflag:s0], $0x2000  }
0xb4: {  	[sflag:s0] =	ssyncset.done $0x0  }
0xb5: {  	[sflag:s0] =	ssyncadd.s32 $0xFFFFE000  }
0xb6: {  	_ =	swait.ge [sflag:s19], $0x2000  }
0xb7: {  	[sflag:s19] =	ssyncset.done $0x0  }
0xb8: {  	[sflag:s19] =	ssyncadd.s32 $0xFFFFE000  }
0xb9: {  	_ =	swait.ge [sflag:s8], $0x2000  }
0xba: {  	[sflag:s8] =	ssyncset.done $0x0  }
0xbb: {  	[sflag:s8] =	ssyncadd.s32 $0xFFFFE000  }
0xbc: {  	p0 =	seq.s32 s18, $0x18;
	_ =	swait.ge [sflag:s22], $0x2000  }
0xbd: {  	s29 =	sshll.u32 @!p0 s18, $0x8;
	s30 =	simm.s32 @!p0 $0x5400;
	[sflag:s22] =	ssyncset.done $0x0  }
0xbe: {  	s9 =	sadd.s32 @!p0 $0x100, s29;
	s24 =	simm.s32 @!p0 $0x40;
	[sflag:s22] =	ssyncadd.s32 $0xFFFFE000  }
0xbf: {  	[tilespmem:s30], [sflag:$0x1] =	stream.indirect.gather @!p0 [hbm4b:s1+s24], $0x80, s9, s24, $0xb8;
	[tilespmem:$0x1D400] =	vst v63  }
0xc0: {  	s9 =	sadd.s32 @!p0 $0x1D00, s29;
	s30 =	simm.s32 @!p0 $0xD400  }
0xc1: {  	[tilespmem:s30], [sflag:$0x5] =	stream.indirect.gather @!p0 [hbm4b:s2+s24], $0x80, s9, s24, $0xb8;
	[tilespmem:$0x1D400] =	vst v63  }
0xc2: {  	s9 =	sadd.s32 @!p0 $0x3900, s29;
	s30 =	simm.s32 @!p0 $0x15400  }
0xc3: {  	[tilespmem:s30], [sflag:$0x9] =	stream.indirect.gather @!p0 [hbm4b:s4+s24], $0x80, s9, s24, $0xb8;
	[tilespmem:$0x1D400] =	vst v63  }
0xc4: {  	s30 =	simm.s32 $0x0  }
0xc5: {  	v0 =	vld [tilespmem:s30+$0xF4F0]  }
0xc6: {  	v1 =	vld [tilespmem:s30+$0x174F0]  }
0xc7: {  	v2 =	vld [tilespmem:s30+$0xF400]  }
0xc8: {  	v3 =	vld [tilespmem:s30+$0x17400]  }
0xc9: {  	v4 =	vld [tilespmem:s30+$0xF410]  }
0xca: {  	v5 =	vld [tilespmem:s30+$0x17410]  }
0xcb: {  	v6 =	vld [tilespmem:s30+$0xF420]  }
0xcc: {  	v7 =	vld [tilespmem:s30+$0x17430]  }
0xcd: {  	v8 =	vld [tilespmem:s30+$0xF440]  }
0xce: {  	v9 =	vld [tilespmem:s30+$0x17440]  }
0xcf: {  	v10 =	vld [tilespmem:s30+$0xF450]  }
0xd0: {  	v11 =	vld [tilespmem:s30+$0x17450]  }
0xd1: {  	v12 =	vld [tilespmem:s30+$0xF460]  }
0xd2: {  	v13 =	vld [tilespmem:s30+$0x17460]  }
0xd3: {  	v14 =	vld [tilespmem:s30+$0xF470]  }
0xd4: {  	v15 =	vld [tilespmem:s30+$0x17470]  }
0xd5: {  	v16 =	vld [tilespmem:s30+$0xF480]  }
0xd6: {  	v17 =	vld [tilespmem:s30+$0x17480]  }
0xd7: {  	v18 =	vld [tilespmem:s30+$0xF490]  }
0xd8: {  	v19 =	vld [tilespmem:s30+$0x17490]  }
0xd9: {  	v20 =	vld [tilespmem:s30+$0xF4A0]  }
0xda: {  	v21 =	vld [tilespmem:s30+$0x174A0]  }
0xdb: {  	v22 =	vld [tilespmem:s30+$0xF4B0]  }
0xdc: {  	v23 =	vld [tilespmem:s30+$0x174B0]  }
0xdd: {  	v24 =	vld [tilespmem:s30+$0xF4C0]  }
0xde: {  	v25 =	vld [tilespmem:s30+$0x174C0]  }
0xdf: {  	v26 =	vld [tilespmem:s30+$0xF4D0]  }
0xe0: {  	v27 =	vld [tilespmem:s30+$0x174D0]  }
0xe1: {  	v63 =	vld [tilespmem:s30+$0x174E0];
	v0 =	vadd.f32 v1, v0  }
0xe2: {  	v1 =	vld [tilespmem:s30+$0x17420]  }
0xe3: {  	v2 =	vadd.f32 v3, v2;
	[tilespmem:s30+$0x74F0] =	vst.add.f32.msk $0xffff, v0  }
0xe4: {  	v0 =	vld [tilespmem:s30+$0xF430]  }
0xe5: {  	[tilespmem:s30+$0x7400] =	vst.add.f32.msk $0xffff, v2;
	v2 =	vadd.f32 v9, v8  }
0xe6: {  	v3 =	vld [tilespmem:s30+$0xF4E0];
	v4 =	vadd.f32 v5, v4  }
0xe7: {  	[tilespmem:s30+$0x7440] =	vst.add.f32.msk $0xffff, v2;
	v2 =	vadd.f32 v15, v14  }
0xe8: {  	[tilespmem:s30+$0x7410] =	vst.add.f32.msk $0xffff, v4;
	v1 =	vadd.f32 v1, v6  }
0xe9: {  	[tilespmem:s30+$0x7470] =	vst.add.f32.msk $0xffff, v2;
	v2 =	vadd.f32 v21, v20  }
0xea: {  	v0 =	vadd.f32 v7, v0;
	[tilespmem:s30+$0x7420] =	vst.add.f32.msk $0xffff, v1  }
0xeb: {  	v1 =	vadd.f32 v11, v10;
	[tilespmem:s30+$0x74A0] =	vst.add.f32.msk $0xffff, v2  }
0xec: {  	[tilespmem:s30+$0x7430] =	vst.add.f32.msk $0xffff, v0;
	v0 =	vadd.f32 v13, v12  }
0xed: {  	v2 =	vadd.f32 v27, v26;
	[tilespmem:s30+$0x7450] =	vst.add.f32.msk $0xffff, v1  }
0xee: {  	[tilespmem:s30+$0x7460] =	vst.add.f32.msk $0xffff, v0;
	v0 =	vadd.f32 v19, v18  }
0xef: {  	v1 =	vadd.f32 v17, v16;
	[tilespmem:s30+$0x74D0] =	vst.add.f32.msk $0xffff, v2  }
0xf0: {  	[tilespmem:s30+$0x7490] =	vst.add.f32.msk $0xffff, v0;
	v0 =	vadd.f32 v25, v24  }
0xf1: {  	[tilespmem:s30+$0x7480] =	vst.add.f32.msk $0xffff, v1;
	v1 =	vadd.f32 v23, v22  }
0xf2: {  	[tilespmem:s30+$0x74C0] =	vst.add.f32.msk $0xffff, v0;
	v0 =	vadd.f32 v63, v3  }
0xf3: {  	s24 =	simm.s32 $0x0;
	s9 =	simm.s32 $0x400;
	[tilespmem:s30+$0x74B0] =	vst.add.f32.msk $0xffff, v1  }
.LBB2_5:
0xf4: {  	[tilespmem:s30+$0x74E0] =	vst.add.f32.msk $0xffff, v0;
	s30 =	sshra.s32 s9, $0x2  }
0xf5: {  	s24 =	sadd.s32 $0x2, s24;
	v0 =	vld [tilespmem:s30+$0xF4F0]  }
0xf6: {  	p1 =	slt.u32 s24, $0x3E;
	v1 =	vld [tilespmem:s30+$0x174F0]  }
0xf7: {  	v2 =	vld [tilespmem:s30+$0xF400]  }
0xf8: {  	v3 =	vld [tilespmem:s30+$0x17400]  }
0xf9: {  	v4 =	vld [tilespmem:s30+$0xF410]  }
0xfa: {  	v5 =	vld [tilespmem:s30+$0x17410]  }
0xfb: {  	v6 =	vld [tilespmem:s30+$0xF420];
	v0 =	vadd.f32 v1, v0  }
0xfc: {  	v1 =	vld [tilespmem:s30+$0x17420]  }
0xfd: {  	v2 =	vadd.f32 v3, v2;
	[tilespmem:s30+$0x74F0] =	vst.add.f32.msk $0xffff, v0  }
0xfe: {  	v0 =	vld [tilespmem:s30+$0xF430]  }
0xff: {  	v3 =	vadd.f32 v5, v4;
	v4 =	vld [tilespmem:s30+$0x17430]  }
0x100: {  	v5 =	vld [tilespmem:s30+$0xF440]  }
0x101: {  	v1 =	vadd.f32 v1, v6;
	v6 =	vld [tilespmem:s30+$0x17440]  }
0x102: {  	v7 =	vld [tilespmem:s30+$0xF450]  }
0x103: {  	v8 =	vld [tilespmem:s30+$0x17450]  }
0x104: {  	v0 =	vadd.f32 v4, v0;
	v4 =	vld [tilespmem:s30+$0xF460]  }
0x105: {  	v9 =	vld [tilespmem:s30+$0x17460]  }
0x106: {  	v5 =	vadd.f32 v6, v5;
	v6 =	vld [tilespmem:s30+$0xF470]  }
0x107: {  	v10 =	vld [tilespmem:s30+$0x17470]  }
0x108: {  	v7 =	vadd.f32 v8, v7;
	v8 =	vld [tilespmem:s30+$0xF480]  }
0x109: {  	v11 =	vld [tilespmem:s30+$0x17480]  }
0x10a: {  	v4 =	vadd.f32 v9, v4;
	v9 =	vld [tilespmem:s30+$0xF490]  }
0x10b: {  	v12 =	vld [tilespmem:s30+$0x17490]  }
0x10c: {  	v6 =	vadd.f32 v10, v6;
	v10 =	vld [tilespmem:s30+$0xF4A0]  }
0x10d: {  	v13 =	vld [tilespmem:s30+$0x174A0]  }
0x10e: {  	v8 =	vadd.f32 v11, v8;
	v11 =	vld [tilespmem:s30+$0xF4B0]  }
0x10f: {  	v14 =	vld [tilespmem:s30+$0x174B0]  }
0x110: {  	v9 =	vadd.f32 v12, v9;
	v12 =	vld [tilespmem:s30+$0xF4C0]  }
0x111: {  	v15 =	vld [tilespmem:s30+$0x174C0]  }
0x112: {  	v10 =	vadd.f32 v13, v10;
	v13 =	vld [tilespmem:s30+$0xF4D0]  }
0x113: {  	v16 =	vld [tilespmem:s30+$0x174D0]  }
0x114: {  	v11 =	vadd.f32 v14, v11;
	v14 =	vld [tilespmem:s30+$0xF4E0]  }
0x115: {  	v17 =	vld [tilespmem:s30+$0x174E0]  }
0x116: {  	[tilespmem:s30+$0x7400] =	vst.add.f32.msk $0xffff, v2;
	v2 =	vadd.f32 v15, v12  }
0x117: {  	[tilespmem:s30+$0x7410] =	vst.add.f32.msk $0xffff, v3  }
0x118: {  	[tilespmem:s30+$0x7420] =	vst.add.f32.msk $0xffff, v1;
	v1 =	vadd.f32 v16, v13  }
0x119: {  	[tilespmem:s30+$0x7430] =	vst.add.f32.msk $0xffff, v0  }
0x11a: {  	[tilespmem:s30+$0x7440] =	vst.add.f32.msk $0xffff, v5;
	v0 =	vadd.f32 v17, v14  }
0x11b: {  	[tilespmem:s30+$0x7450] =	vst.add.f32.msk $0xffff, v7  }
0x11c: {  	[tilespmem:s30+$0x7460] =	vst.add.f32.msk $0xffff, v4  }
0x11d: {  	[tilespmem:s30+$0x7470] =	vst.add.f32.msk $0xffff, v6  }
0x11e: {  	[tilespmem:s30+$0x7480] =	vst.add.f32.msk $0xffff, v8  }
.Ltmp1:
0x11f: {  	[tilespmem:s30+$0x7490] =	vst.add.f32.msk $0xffff, v9;
	(pc) =	sbr.rel @p1 .LBB2_5-.Ltmp1, $4  }
0x120: {  	[tilespmem:s30+$0x74A0] =	vst.add.f32.msk $0xffff, v10  }
0x121: {  	[tilespmem:s30+$0x74B0] =	vst.add.f32.msk $0xffff, v11  }
0x122: {  	[tilespmem:s30+$0x74C0] =	vst.add.f32.msk $0xffff, v2  }
0x123: {  	s9 =	sadd.s32 $0x400, s9;
	[tilespmem:s30+$0x74D0] =	vst.add.f32.msk $0xffff, v1  }
0x124: {  	[tilespmem:s30+$0x74E0] =	vst.add.f32.msk $0xffff, v0;
	s9 =	sadd.s32 s26, s12;
	s24 =	simm.s32 $0x7400  }
0x125: {  	[hbm4b:s9+s6] =	stream.linear.scatter [tilespmem:s24], [sflag:$0xE], $0x2000, $0x38;
	[tilespmem:$0x1D400] =	vst v63  }
0x126: {  	_ =	swait.ge [sflag:s14], $0x2000  }
0x127: {  	[sflag:s14] =	ssyncset.done $0x0  }
0x128: {  	[sflag:s14] =	ssyncadd.s32 $0xFFFFE000  }
0x129: {  	_ =	swait.ge [sflag:s20], $0x2000  }
0x12a: {  	[sflag:s20] =	ssyncset.done $0x0  }
0x12b: {  	[sflag:s20] =	ssyncadd.s32 $0xFFFFE000  }
0x12c: {  	_ =	swait.ge [sflag:s23], $0x2000  }
0x12d: {  	[sflag:s23] =	ssyncset.done $0x0  }
0x12e: {  	[sflag:s23] =	ssyncadd.s32 $0xFFFFE000  }
0x12f: {  	_ =	swait.ge [sflag:s7], $0x2000  }
0x130: {  	s26 =	simm.s32 @!p0 $0x7400;
	[sflag:s7] =	ssyncset.done $0x0  }
0x131: {  	s9 =	sadd.s32 @!p0 $0x140, s29;
	s24 =	simm.s32 @!p0 $0x40;
	[sflag:s7] =	ssyncadd.s32 $0xFFFFE000  }
0x132: {  	[tilespmem:s26], [sflag:$0x2] =	stream.indirect.gather @!p0 [hbm4b:s1+s24], $0x80, s9, s24, $0xb8;
	[tilespmem:$0x1D400] =	vst v63  }
0x133: {  	s9 =	sadd.s32 @!p0 $0x1D40, s29;
	s26 =	simm.s32 @!p0 $0xF400  }
0x134: {  	[tilespmem:s26], [sflag:$0x6] =	stream.indirect.gather @!p0 [hbm4b:s2+s24], $0x80, s9, s24, $0xb8;
	[tilespmem:$0x1D400] =	vst v63  }
0x135: {  	s9 =	sadd.s32 @!p0 $0x3940, s29;
	s26 =	simm.s32 @!p0 $0x17400  }
0x136: {  	[tilespmem:s26], [sflag:$0xA] =	stream.indirect.gather @!p0 [hbm4b:s4+s24], $0x80, s9, s24, $0xb8;
	[tilespmem:$0x1D400] =	vst v63  }
0x137: {  	s26 =	simm.s32 $0x0  }
0x138: {  	v0 =	vld [tilespmem:s26+$0x114F0]  }
0x139: {  	v1 =	vld [tilespmem:s26+$0x194F0]  }
0x13a: {  	v2 =	vld [tilespmem:s26+$0x11400]  }
0x13b: {  	v3 =	vld [tilespmem:s26+$0x19400]  }
0x13c: {  	v4 =	vld [tilespmem:s26+$0x11410]  }
0x13d: {  	v5 =	vld [tilespmem:s26+$0x19410]  }
0x13e: {  	v6 =	vld [tilespmem:s26+$0x11420]  }
0x13f: {  	v7 =	vld [tilespmem:s26+$0x19430]  }
0x140: {  	v8 =	vld [tilespmem:s26+$0x11440]  }
0x141: {  	v9 =	vld [tilespmem:s26+$0x19440]  }
0x142: {  	v10 =	vld [tilespmem:s26+$0x11450]  }
0x143: {  	v11 =	vld [tilespmem:s26+$0x19450]  }
0x144: {  	v12 =	vld [tilespmem:s26+$0x11460]  }
0x145: {  	v13 =	vld [tilespmem:s26+$0x19460]  }
0x146: {  	v14 =	vld [tilespmem:s26+$0x11470]  }
0x147: {  	v15 =	vld [tilespmem:s26+$0x19470]  }
0x148: {  	v16 =	vld [tilespmem:s26+$0x11480]  }
0x149: {  	v17 =	vld [tilespmem:s26+$0x19480]  }
0x14a: {  	v18 =	vld [tilespmem:s26+$0x11490]  }
0x14b: {  	v19 =	vld [tilespmem:s26+$0x19490]  }
0x14c: {  	v20 =	vld [tilespmem:s26+$0x114A0]  }
0x14d: {  	v21 =	vld [tilespmem:s26+$0x194A0]  }
0x14e: {  	v22 =	vld [tilespmem:s26+$0x114B0]  }
0x14f: {  	v23 =	vld [tilespmem:s26+$0x194B0]  }
0x150: {  	v24 =	vld [tilespmem:s26+$0x114C0]  }
0x151: {  	v25 =	vld [tilespmem:s26+$0x194C0]  }
0x152: {  	v26 =	vld [tilespmem:s26+$0x114D0]  }
0x153: {  	v27 =	vld [tilespmem:s26+$0x194D0]  }
0x154: {  	v63 =	vld [tilespmem:s26+$0x194E0];
	v0 =	vadd.f32 v1, v0  }
0x155: {  	v1 =	vld [tilespmem:s26+$0x19420]  }
0x156: {  	v2 =	vadd.f32 v3, v2;
	[tilespmem:s26+$0x94F0] =	vst.add.f32.msk $0xffff, v0  }
0x157: {  	v0 =	vld [tilespmem:s26+$0x11430]  }
0x158: {  	[tilespmem:s26+$0x9400] =	vst.add.f32.msk $0xffff, v2;
	v2 =	vadd.f32 v9, v8  }
0x159: {  	v3 =	vld [tilespmem:s26+$0x114E0];
	v4 =	vadd.f32 v5, v4  }
0x15a: {  	[tilespmem:s26+$0x9440] =	vst.add.f32.msk $0xffff, v2;
	v2 =	vadd.f32 v15, v14  }
0x15b: {  	[tilespmem:s26+$0x9410] =	vst.add.f32.msk $0xffff, v4;
	v1 =	vadd.f32 v1, v6  }
0x15c: {  	[tilespmem:s26+$0x9470] =	vst.add.f32.msk $0xffff, v2;
	v2 =	vadd.f32 v21, v20  }
0x15d: {  	v0 =	vadd.f32 v7, v0;
	[tilespmem:s26+$0x9420] =	vst.add.f32.msk $0xffff, v1  }
0x15e: {  	v1 =	vadd.f32 v11, v10;
	[tilespmem:s26+$0x94A0] =	vst.add.f32.msk $0xffff, v2  }
0x15f: {  	[tilespmem:s26+$0x9430] =	vst.add.f32.msk $0xffff, v0;
	v0 =	vadd.f32 v13, v12  }
0x160: {  	v2 =	vadd.f32 v27, v26;
	[tilespmem:s26+$0x9450] =	vst.add.f32.msk $0xffff, v1  }
0x161: {  	[tilespmem:s26+$0x9460] =	vst.add.f32.msk $0xffff, v0;
	v0 =	vadd.f32 v19, v18  }
0x162: {  	v1 =	vadd.f32 v17, v16;
	[tilespmem:s26+$0x94D0] =	vst.add.f32.msk $0xffff, v2  }
0x163: {  	[tilespmem:s26+$0x9490] =	vst.add.f32.msk $0xffff, v0;
	v0 =	vadd.f32 v25, v24  }
0x164: {  	[tilespmem:s26+$0x9480] =	vst.add.f32.msk $0xffff, v1;
	v1 =	vadd.f32 v23, v22  }
0x165: {  	[tilespmem:s26+$0x94C0] =	vst.add.f32.msk $0xffff, v0;
	v0 =	vadd.f32 v63, v3  }
0x166: {  	s24 =	simm.s32 $0x0;
	s9 =	simm.s32 $0x400;
	[tilespmem:s26+$0x94B0] =	vst.add.f32.msk $0xffff, v1  }
.LBB2_7:
0x167: {  	[tilespmem:s26+$0x94E0] =	vst.add.f32.msk $0xffff, v0;
	s26 =	sshra.s32 s9, $0x2  }
0x168: {  	s24 =	sadd.s32 $0x2, s24;
	v0 =	vld [tilespmem:s26+$0x114F0]  }
0x169: {  	p1 =	slt.u32 s24, $0x3E;
	v1 =	vld [tilespmem:s26+$0x194F0]  }
0x16a: {  	v2 =	vld [tilespmem:s26+$0x11400]  }
0x16b: {  	v3 =	vld [tilespmem:s26+$0x19400]  }
0x16c: {  	v4 =	vld [tilespmem:s26+$0x11410]  }
0x16d: {  	v5 =	vld [tilespmem:s26+$0x19410]  }
0x16e: {  	v6 =	vld [tilespmem:s26+$0x11420];
	v0 =	vadd.f32 v1, v0  }
0x16f: {  	v1 =	vld [tilespmem:s26+$0x19420]  }
0x170: {  	v2 =	vadd.f32 v3, v2;
	[tilespmem:s26+$0x94F0] =	vst.add.f32.msk $0xffff, v0  }
0x171: {  	v0 =	vld [tilespmem:s26+$0x11430]  }
0x172: {  	v3 =	vadd.f32 v5, v4;
	v4 =	vld [tilespmem:s26+$0x19430]  }
0x173: {  	v5 =	vld [tilespmem:s26+$0x11440]  }
0x174: {  	v1 =	vadd.f32 v1, v6;
	v6 =	vld [tilespmem:s26+$0x19440]  }
0x175: {  	v7 =	vld [tilespmem:s26+$0x11450]  }
0x176: {  	v8 =	vld [tilespmem:s26+$0x19450]  }
0x177: {  	v0 =	vadd.f32 v4, v0;
	v4 =	vld [tilespmem:s26+$0x11460]  }
0x178: {  	v9 =	vld [tilespmem:s26+$0x19460]  }
0x179: {  	v5 =	vadd.f32 v6, v5;
	v6 =	vld [tilespmem:s26+$0x11470]  }
0x17a: {  	v10 =	vld [tilespmem:s26+$0x19470]  }
0x17b: {  	v7 =	vadd.f32 v8, v7;
	v8 =	vld [tilespmem:s26+$0x11480]  }
0x17c: {  	v11 =	vld [tilespmem:s26+$0x19480]  }
0x17d: {  	v4 =	vadd.f32 v9, v4;
	v9 =	vld [tilespmem:s26+$0x11490]  }
0x17e: {  	v12 =	vld [tilespmem:s26+$0x19490]  }
0x17f: {  	v6 =	vadd.f32 v10, v6;
	v10 =	vld [tilespmem:s26+$0x114A0]  }
0x180: {  	v13 =	vld [tilespmem:s26+$0x194A0]  }
0x181: {  	v8 =	vadd.f32 v11, v8;
	v11 =	vld [tilespmem:s26+$0x114B0]  }
0x182: {  	v14 =	vld [tilespmem:s26+$0x194B0]  }
0x183: {  	v9 =	vadd.f32 v12, v9;
	v12 =	vld [tilespmem:s26+$0x114C0]  }
0x184: {  	v15 =	vld [tilespmem:s26+$0x194C0]  }
0x185: {  	v10 =	vadd.f32 v13, v10;
	v13 =	vld [tilespmem:s26+$0x114D0]  }
0x186: {  	v16 =	vld [tilespmem:s26+$0x194D0]  }
0x187: {  	v11 =	vadd.f32 v14, v11;
	v14 =	vld [tilespmem:s26+$0x114E0]  }
0x188: {  	v17 =	vld [tilespmem:s26+$0x194E0]  }
0x189: {  	[tilespmem:s26+$0x9400] =	vst.add.f32.msk $0xffff, v2;
	v2 =	vadd.f32 v15, v12  }
0x18a: {  	[tilespmem:s26+$0x9410] =	vst.add.f32.msk $0xffff, v3  }
0x18b: {  	[tilespmem:s26+$0x9420] =	vst.add.f32.msk $0xffff, v1;
	v1 =	vadd.f32 v16, v13  }
0x18c: {  	[tilespmem:s26+$0x9430] =	vst.add.f32.msk $0xffff, v0  }
0x18d: {  	[tilespmem:s26+$0x9440] =	vst.add.f32.msk $0xffff, v5;
	v0 =	vadd.f32 v17, v14  }
0x18e: {  	[tilespmem:s26+$0x9450] =	vst.add.f32.msk $0xffff, v7  }
0x18f: {  	[tilespmem:s26+$0x9460] =	vst.add.f32.msk $0xffff, v4  }
0x190: {  	[tilespmem:s26+$0x9470] =	vst.add.f32.msk $0xffff, v6  }
0x191: {  	[tilespmem:s26+$0x9480] =	vst.add.f32.msk $0xffff, v8  }
.Ltmp2:
0x192: {  	[tilespmem:s26+$0x9490] =	vst.add.f32.msk $0xffff, v9;
	(pc) =	sbr.rel @p1 .LBB2_7-.Ltmp2, $4  }
0x193: {  	[tilespmem:s26+$0x94A0] =	vst.add.f32.msk $0xffff, v10  }
0x194: {  	[tilespmem:s26+$0x94B0] =	vst.add.f32.msk $0xffff, v11  }
0x195: {  	[tilespmem:s26+$0x94C0] =	vst.add.f32.msk $0xffff, v2  }
0x196: {  	s9 =	sadd.s32 $0x400, s9;
	[tilespmem:s26+$0x94D0] =	vst.add.f32.msk $0xffff, v1  }
0x197: {  	s9 =	rddreg [dreg:$0xc]  }
0x198: {  	[tilespmem:s26+$0x94E0] =	vst.add.f32.msk $0xffff, v0;
	s24 =	simm.s32 $0x9400;
	s9 =	sadd.s32 s31, s9  }
0x199: {  	[hbm4b:s9+s6] =	stream.linear.scatter [tilespmem:s24], [sflag:$0xF], $0x2000, $0x38;
	[tilespmem:$0x1D400] =	vst v63  }
0x19a: {  	_ =	swait.ge [sflag:s10], $0x2000  }
0x19b: {  	[sflag:s10] =	ssyncset.done $0x0  }
0x19c: {  	[sflag:s10] =	ssyncadd.s32 $0xFFFFE000  }
0x19d: {  	_ =	swait.ge [sflag:s11], $0x2000  }
0x19e: {  	[sflag:s11] =	ssyncset.done $0x0  }
0x19f: {  	[sflag:s11] =	ssyncadd.s32 $0xFFFFE000  }
0x1a0: {  	_ =	swait.ge [sflag:s15], $0x2000  }
0x1a1: {  	[sflag:s15] =	ssyncset.done $0x0  }
0x1a2: {  	[sflag:s15] =	ssyncadd.s32 $0xFFFFE000  }
0x1a3: {  	_ =	swait.ge [sflag:s16], $0x2000  }
0x1a4: {  	s26 =	simm.s32 @!p0 $0x9400;
	[sflag:s16] =	ssyncset.done $0x0  }
0x1a5: {  	s9 =	sadd.s32 @!p0 $0x180, s29;
	s24 =	simm.s32 @!p0 $0x40;
	[sflag:s16] =	ssyncadd.s32 $0xFFFFE000  }
0x1a6: {  	[tilespmem:s26], [sflag:$0x3] =	stream.indirect.gather @!p0 [hbm4b:s1+s24], $0x80, s9, s24, $0xb8;
	[tilespmem:$0x1D400] =	vst v63  }
0x1a7: {  	s9 =	sadd.s32 @!p0 $0x1D80, s29;
	s26 =	simm.s32 @!p0 $0x11400  }
0x1a8: {  	[tilespmem:s26], [sflag:$0x7] =	stream.indirect.gather @!p0 [hbm4b:s2+s24], $0x80, s9, s24, $0xb8;
	[tilespmem:$0x1D400] =	vst v63  }
0x1a9: {  	s9 =	sadd.s32 @!p0 $0x3980, s29;
	s26 =	simm.s32 @!p0 $0x19400  }
0x1aa: {  	[tilespmem:s26], [sflag:$0xB] =	stream.indirect.gather @!p0 [hbm4b:s4+s24], $0x80, s9, s24, $0xb8;
	[tilespmem:$0x1D400] =	vst v63  }
0x1ab: {  	s26 =	simm.s32 $0x0  }
0x1ac: {  	v0 =	vld [tilespmem:s26+$0x134F0]  }
0x1ad: {  	v1 =	vld [tilespmem:s26+$0x1B4F0]  }
0x1ae: {  	v2 =	vld [tilespmem:s26+$0x13400]  }
0x1af: {  	v3 =	vld [tilespmem:s26+$0x1B400]  }
0x1b0: {  	v4 =	vld [tilespmem:s26+$0x13410]  }
0x1b1: {  	v5 =	vld [tilespmem:s26+$0x1B410]  }
0x1b2: {  	v6 =	vld [tilespmem:s26+$0x13420]  }
0x1b3: {  	v7 =	vld [tilespmem:s26+$0x1B430]  }
0x1b4: {  	v8 =	vld [tilespmem:s26+$0x13440]  }
0x1b5: {  	v9 =	vld [tilespmem:s26+$0x1B440]  }
0x1b6: {  	v10 =	vld [tilespmem:s26+$0x13450]  }
0x1b7: {  	v11 =	vld [tilespmem:s26+$0x1B450]  }
0x1b8: {  	v12 =	vld [tilespmem:s26+$0x13460]  }
0x1b9: {  	v13 =	vld [tilespmem:s26+$0x1B460]  }
0x1ba: {  	v14 =	vld [tilespmem:s26+$0x13470]  }
0x1bb: {  	v15 =	vld [tilespmem:s26+$0x1B470]  }
0x1bc: {  	v16 =	vld [tilespmem:s26+$0x13480]  }
0x1bd: {  	v17 =	vld [tilespmem:s26+$0x1B480]  }
0x1be: {  	v18 =	vld [tilespmem:s26+$0x13490]  }
0x1bf: {  	v19 =	vld [tilespmem:s26+$0x1B490]  }
0x1c0: {  	v20 =	vld [tilespmem:s26+$0x134A0]  }
0x1c1: {  	v21 =	vld [tilespmem:s26+$0x1B4A0]  }
0x1c2: {  	v22 =	vld [tilespmem:s26+$0x134B0]  }
0x1c3: {  	v23 =	vld [tilespmem:s26+$0x1B4B0]  }
0x1c4: {  	v24 =	vld [tilespmem:s26+$0x134C0]  }
0x1c5: {  	v25 =	vld [tilespmem:s26+$0x1B4C0]  }
0x1c6: {  	v26 =	vld [tilespmem:s26+$0x134D0]  }
0x1c7: {  	v27 =	vld [tilespmem:s26+$0x1B4D0]  }
0x1c8: {  	v63 =	vld [tilespmem:s26+$0x1B4E0];
	v0 =	vadd.f32 v1, v0  }
0x1c9: {  	v1 =	vld [tilespmem:s26+$0x1B420]  }
0x1ca: {  	v2 =	vadd.f32 v3, v2;
	[tilespmem:s26+$0xB4F0] =	vst.add.f32.msk $0xffff, v0  }
0x1cb: {  	v0 =	vld [tilespmem:s26+$0x13430]  }
0x1cc: {  	[tilespmem:s26+$0xB400] =	vst.add.f32.msk $0xffff, v2;
	v2 =	vadd.f32 v9, v8  }
0x1cd: {  	v3 =	vld [tilespmem:s26+$0x134E0];
	v4 =	vadd.f32 v5, v4  }
0x1ce: {  	[tilespmem:s26+$0xB440] =	vst.add.f32.msk $0xffff, v2;
	v2 =	vadd.f32 v15, v14  }
0x1cf: {  	[tilespmem:s26+$0xB410] =	vst.add.f32.msk $0xffff, v4;
	v1 =	vadd.f32 v1, v6  }
0x1d0: {  	[tilespmem:s26+$0xB470] =	vst.add.f32.msk $0xffff, v2;
	v2 =	vadd.f32 v21, v20  }
0x1d1: {  	v0 =	vadd.f32 v7, v0;
	[tilespmem:s26+$0xB420] =	vst.add.f32.msk $0xffff, v1  }
0x1d2: {  	v1 =	vadd.f32 v11, v10;
	[tilespmem:s26+$0xB4A0] =	vst.add.f32.msk $0xffff, v2  }
0x1d3: {  	[tilespmem:s26+$0xB430] =	vst.add.f32.msk $0xffff, v0;
	v0 =	vadd.f32 v13, v12  }
0x1d4: {  	v2 =	vadd.f32 v27, v26;
	[tilespmem:s26+$0xB450] =	vst.add.f32.msk $0xffff, v1  }
0x1d5: {  	[tilespmem:s26+$0xB460] =	vst.add.f32.msk $0xffff, v0;
	v0 =	vadd.f32 v19, v18  }
0x1d6: {  	v1 =	vadd.f32 v17, v16;
	[tilespmem:s26+$0xB4D0] =	vst.add.f32.msk $0xffff, v2  }
0x1d7: {  	[tilespmem:s26+$0xB490] =	vst.add.f32.msk $0xffff, v0;
	v0 =	vadd.f32 v25, v24  }
0x1d8: {  	[tilespmem:s26+$0xB480] =	vst.add.f32.msk $0xffff, v1;
	v1 =	vadd.f32 v23, v22  }
0x1d9: {  	[tilespmem:s26+$0xB4C0] =	vst.add.f32.msk $0xffff, v0;
	v0 =	vadd.f32 v63, v3  }
0x1da: {  	s24 =	simm.s32 $0x0;
	s9 =	simm.s32 $0x400;
	[tilespmem:s26+$0xB4B0] =	vst.add.f32.msk $0xffff, v1  }
.LBB2_9:
0x1db: {  	[tilespmem:s26+$0xB4E0] =	vst.add.f32.msk $0xffff, v0;
	s26 =	sshra.s32 s9, $0x2  }
0x1dc: {  	s24 =	sadd.s32 $0x2, s24;
	v0 =	vld [tilespmem:s26+$0x134F0]  }
0x1dd: {  	p0 =	slt.u32 s24, $0x3E;
	v1 =	vld [tilespmem:s26+$0x1B4F0]  }
0x1de: {  	v2 =	vld [tilespmem:s26+$0x13400]  }
0x1df: {  	v3 =	vld [tilespmem:s26+$0x1B400]  }
0x1e0: {  	v4 =	vld [tilespmem:s26+$0x13410]  }
0x1e1: {  	v5 =	vld [tilespmem:s26+$0x1B410]  }
0x1e2: {  	v6 =	vld [tilespmem:s26+$0x13420];
	v0 =	vadd.f32 v1, v0  }
0x1e3: {  	v1 =	vld [tilespmem:s26+$0x1B420]  }
0x1e4: {  	v2 =	vadd.f32 v3, v2;
	[tilespmem:s26+$0xB4F0] =	vst.add.f32.msk $0xffff, v0  }
0x1e5: {  	v0 =	vld [tilespmem:s26+$0x13430]  }
0x1e6: {  	v3 =	vadd.f32 v5, v4;
	v4 =	vld [tilespmem:s26+$0x1B430]  }
0x1e7: {  	v5 =	vld [tilespmem:s26+$0x13440]  }
0x1e8: {  	v1 =	vadd.f32 v1, v6;
	v6 =	vld [tilespmem:s26+$0x1B440]  }
0x1e9: {  	v7 =	vld [tilespmem:s26+$0x13450]  }
0x1ea: {  	v8 =	vld [tilespmem:s26+$0x1B450]  }
0x1eb: {  	v0 =	vadd.f32 v4, v0;
	v4 =	vld [tilespmem:s26+$0x13460]  }
0x1ec: {  	v9 =	vld [tilespmem:s26+$0x1B460]  }
0x1ed: {  	v5 =	vadd.f32 v6, v5;
	v6 =	vld [tilespmem:s26+$0x13470]  }
0x1ee: {  	v10 =	vld [tilespmem:s26+$0x1B470]  }
0x1ef: {  	v7 =	vadd.f32 v8, v7;
	v8 =	vld [tilespmem:s26+$0x13480]  }
0x1f0: {  	v11 =	vld [tilespmem:s26+$0x1B480]  }
0x1f1: {  	v4 =	vadd.f32 v9, v4;
	v9 =	vld [tilespmem:s26+$0x13490]  }
0x1f2: {  	v12 =	vld [tilespmem:s26+$0x1B490]  }
0x1f3: {  	v6 =	vadd.f32 v10, v6;
	v10 =	vld [tilespmem:s26+$0x134A0]  }
0x1f4: {  	v13 =	vld [tilespmem:s26+$0x1B4A0]  }
0x1f5: {  	v8 =	vadd.f32 v11, v8;
	v11 =	vld [tilespmem:s26+$0x134B0]  }
0x1f6: {  	v14 =	vld [tilespmem:s26+$0x1B4B0]  }
0x1f7: {  	v9 =	vadd.f32 v12, v9;
	v12 =	vld [tilespmem:s26+$0x134C0]  }
0x1f8: {  	v15 =	vld [tilespmem:s26+$0x1B4C0]  }
0x1f9: {  	v10 =	vadd.f32 v13, v10;
	v13 =	vld [tilespmem:s26+$0x134D0]  }
0x1fa: {  	v16 =	vld [tilespmem:s26+$0x1B4D0]  }
0x1fb: {  	v11 =	vadd.f32 v14, v11;
	v14 =	vld [tilespmem:s26+$0x134E0]  }
0x1fc: {  	v17 =	vld [tilespmem:s26+$0x1B4E0]  }
0x1fd: {  	[tilespmem:s26+$0xB400] =	vst.add.f32.msk $0xffff, v2;
	v2 =	vadd.f32 v15, v12  }
0x1fe: {  	[tilespmem:s26+$0xB410] =	vst.add.f32.msk $0xffff, v3  }
0x1ff: {  	[tilespmem:s26+$0xB420] =	vst.add.f32.msk $0xffff, v1;
	v1 =	vadd.f32 v16, v13  }
0x200: {  	[tilespmem:s26+$0xB430] =	vst.add.f32.msk $0xffff, v0  }
0x201: {  	[tilespmem:s26+$0xB440] =	vst.add.f32.msk $0xffff, v5;
	v0 =	vadd.f32 v17, v14  }
0x202: {  	[tilespmem:s26+$0xB450] =	vst.add.f32.msk $0xffff, v7  }
0x203: {  	[tilespmem:s26+$0xB460] =	vst.add.f32.msk $0xffff, v4  }
0x204: {  	[tilespmem:s26+$0xB470] =	vst.add.f32.msk $0xffff, v6  }
0x205: {  	[tilespmem:s26+$0xB480] =	vst.add.f32.msk $0xffff, v8  }
.Ltmp3:
0x206: {  	[tilespmem:s26+$0xB490] =	vst.add.f32.msk $0xffff, v9;
	(pc) =	sbr.rel @p0 .LBB2_9-.Ltmp3, $4  }
0x207: {  	[tilespmem:s26+$0xB4A0] =	vst.add.f32.msk $0xffff, v10  }
0x208: {  	[tilespmem:s26+$0xB4B0] =	vst.add.f32.msk $0xffff, v11  }
0x209: {  	[tilespmem:s26+$0xB4C0] =	vst.add.f32.msk $0xffff, v2  }
0x20a: {  	s9 =	sadd.s32 $0x400, s9;
	[tilespmem:s26+$0xB4D0] =	vst.add.f32.msk $0xffff, v1  }
0x20b: {  	s18 =	sadd.s32 $0x1, s18  }
0x20c: {  	p0 =	sne.s32 s18, $0x19  }
.Ltmp4:
0x20d: {  	_ = 	snop;
	(pc) =	sbr.rel @p0 .LBB2_2-.Ltmp4, $4  }
0x20e: {  	s5 =	sshll.u32 s5, $0xF  }
0x20f: {  	s5 =	sand.u32 $0x3F0000, s5  }
0x210: {  	[tilespmem:s26+$0xB4E0] =	vst.add.f32.msk $0xffff, v0;
	s5 =	sadd.s32 s5, s12  }
0x211: {  	[hbm4b:s5+s6] =	stream.linear.scatter [tilespmem:s28], [sflag:$0x10], $0x2000, $0x38;
	[tilespmem:$0x1D400] =	vst v63  }
0x212: {  	s9 =	simm.s32 $0x10  }
0x213: {  	_ =	swait.ge [sflag:s9], $0x2000  }
0x214: {  	s18 =	rddreg [dreg:$0x10]  }
0x215: {  	s5 =	rddreg [dreg:$0xd];
	s18 =	sadd.s32 $0x1, s18  }
0x216: {  	p0 =	sne.s32 s18, s5  }
.Ltmp5:
0x217: {  	_ = 	snop;
	(pc) =	sbr.rel @p0 .LBB2_1-.Ltmp5, $3  }
0x218: {  	_ =	sdelay $0x1  }
0x219: {  	[sflag:s9] =	ssyncset.done $0x0  }
0x21a: {  	[sflag:s9] =	ssyncadd.s32 $0xFFFFE000  }
0x21b: {  	_ =	sfence.sel $0x180000  }
0x21c: {  	[bflag:$0x0] =	sbarrier.arrive $0xFFFF  }
0x21d: {  	_ =	strace $0x90000047  }
0x21e: {  	s0 =	stileid.u32;
	[bflag:$0x2] =	sbarrier.arrive $0xFFFF  }
0x21f: {  	p0 =	sne.s32 s0, $0x0;
	s0 =	rddreg [dreg:$0x7]  }
0x220: {  	s0 =	sadd.s32 @!p0 $0x100000, s0  }
0x221: {  	[sflag:s0] =	ssyncadd.tile.s32 @!p0 $0x1;
	_ =	shalt  }
.Lfunc_end2:
_tile_overlayer_lowered:
.L_overlay_start_2:
0x222: {  	(tag) =	ssettag $0x2  }
0x223: {  	s0 =	rddreg [dreg:$0x0];
	s2 =	stileid.u32  }
0x224: {  	s1 =	rddreg [dreg:$0x1];
	p0 =	sne.s32 s2, $0x0  }
0x225: {  	s3 =	rddreg [dreg:$0x2];
	[bflag:$0x3] =	sbarrier.arrive $0xFFFF;
	s2 =	simm.s32 @!p0 $0x1C11  }
0x226: {  	[timem:s3], [sflag:s2] =	dma.local @!p0 [hbm:s0], s1  }
0x227: {  	s0 =	simm.s32 @!p0 $0x11  }
0x228: {  	_ =	swait.ge @!p0 [sflag:s0], s1  }
0x229: {  	s1 =	ssub.s32 @!p0 $0x0, s1;
	[sflag:s0] =	ssyncset.done @!p0 $0x0  }
0x22a: {  	[sflag:s0] =	ssyncadd.s32 @!p0 s1  }
0x22b: {  	[bflag:$0x3] =	sbarrier.arrive $0xFFFF  }
0x22c: {  	_ =	shalt  }

</sc_bundles>
